<compile_context>
chip_gen: v7x
topology: tpu7x:2x2x1
jax: 0.10.2.dev20260603
libtpu: 0.0.44.dev20260713+nightly
codegen_flags: <defaults>
</compile_context>

<pallas_src>
import functools

import jax
import jax.numpy as jnp
from jax import lax
from jax.experimental import pallas as pl
from jax.experimental.pallas import tpu as pltpu
from jax.experimental.pallas import tpu_sc as plsc

N = 10000
E = 320000
D_IN = 128
D_HID = 128
D_HALF = D_HID // 2
D_OUT = 40

NC = 2
NS = 16
NW = NC * NS
K = 125
E_PER_TILE = E // NS
CH1 = E_PER_TILE // K
E_PER_W = E // NW
CH2 = E_PER_W // K
N_PAD = 10240
ROWS_PER_TILE = N_PAD // NS
NBUF = 5

_f32 = jnp.float32



def _sc_mesh():
    return plsc.VectorSubcoreMesh(core_axis_name="c", subcore_axis_name="s",
                                  num_cores=NC, num_subcores=NS)


def _pipelined_agg(ch, gather_start, gather_wait, scat_start, scat_wait):
    for u in range(NBUF - 1):
        gather_start(u, u)

    def step(j, b):
        gather_wait(j, b)
        scat_start(j, b)
        if not (isinstance(j, int) and j == 0):
            scat_wait(None, (b - 1) % NBUF)
        gather_start(jnp.minimum(j + NBUF - 1, ch - 1), (b + NBUF - 1) % NBUF)

    for j in range(NBUF):
        step(j, j % NBUF)

    def body(t, carry):
        for u in range(NBUF):
            step(t * NBUF + u, u)
        return carry

    lax.fori_loop(1, ch // NBUF, body, 0)

    scat_wait(None, (ch - 1) % NBUF)
    for u in range(NBUF - 1):
        gather_wait(0, u)


@functools.partial(
    pl.kernel,
    out_type=[
        jax.ShapeDtypeStruct((NC, N_PAD, D_HALF), _f32),
        jax.ShapeDtypeStruct((NC, N_PAD, 8), _f32),
    ],
    mesh=_sc_mesh(),
    compiler_params=pltpu.CompilerParams(use_tc_tiling_on_sc=False),
    scratch_types=[
        pltpu.VMEM((CH1, K), jnp.int32),
        pltpu.VMEM((CH1, K), jnp.int32),
        [pltpu.VMEM((K, D_HALF), _f32)] * NBUF,
        pltpu.VMEM((K, 8), _f32),
        pltpu.VMEM_SHARED((N_PAD, D_HALF), _f32),
        pltpu.VMEM_SHARED((N_PAD, 8), _f32),
        [pltpu.SemaphoreType.DMA] * NBUF,
        [pltpu.SemaphoreType.DMA] * NBUF,
    ],
)
def _sc_agg1(h_hbm, src_hbm, dst_hbm, z_feat_hbm, z_deg_hbm, ones_hbm,
             out_hbm, deg_out_hbm,
             sidx, didx, rows, ones_v, acc, dacc, gsem, ssem):
    c = lax.axis_index("c")
    s = lax.axis_index("s")

    pltpu.sync_copy(z_feat_hbm, acc.at[pl.ds(s * ROWS_PER_TILE, ROWS_PER_TILE)])
    pltpu.sync_copy(z_deg_hbm, dacc.at[pl.ds(s * ROWS_PER_TILE, ROWS_PER_TILE)])
    pltpu.sync_copy(src_hbm.at[c, s], sidx)
    pltpu.sync_copy(dst_hbm.at[s], didx)
    pltpu.sync_copy(ones_hbm, ones_v)
    plsc.subcore_barrier()

    def gather_start(j, b):
        pltpu.async_copy(h_hbm.at[sidx.at[j]], rows[b], gsem[b])

    def gather_wait(j, b):
        pltpu.make_async_copy(h_hbm.at[sidx.at[0]], rows[b],
                              gsem[b]).wait()

    def scat_start(j, b):
        pltpu.async_copy(rows[b], acc.at[didx.at[j]], ssem[b], add=True)
        pltpu.async_copy(ones_v, dacc.at[didx.at[j]], ssem[b], add=True)

    def scat_wait(_, b):
        pltpu.make_async_copy(rows[b], acc.at[didx.at[0]], ssem[b]).wait()
        pltpu.make_async_copy(ones_v, dacc.at[didx.at[0]], ssem[b]).wait()

    _pipelined_agg(CH1, gather_start, gather_wait, scat_start, scat_wait)
    plsc.subcore_barrier()

    pltpu.sync_copy(acc.at[pl.ds(s * ROWS_PER_TILE, ROWS_PER_TILE)],
                    out_hbm.at[c, pl.ds(s * ROWS_PER_TILE, ROWS_PER_TILE)])
    pltpu.sync_copy(dacc.at[pl.ds(s * ROWS_PER_TILE, ROWS_PER_TILE)],
                    deg_out_hbm.at[c, pl.ds(s * ROWS_PER_TILE, ROWS_PER_TILE)])


@functools.partial(
    pl.kernel,
    out_type=jax.ShapeDtypeStruct((NC, N_PAD, D_OUT), _f32),
    mesh=_sc_mesh(),
    compiler_params=pltpu.CompilerParams(use_tc_tiling_on_sc=False),
    scratch_types=[
        pltpu.VMEM((CH2, K), jnp.int32),
        pltpu.VMEM((CH2, K), jnp.int32),
        [pltpu.VMEM((K, D_OUT), _f32)] * NBUF,
        pltpu.VMEM_SHARED((N_PAD, D_OUT), _f32),
        [pltpu.SemaphoreType.DMA] * NBUF,
        [pltpu.SemaphoreType.DMA] * NBUF,
    ],
)
def _sc_agg2(h_hbm, src_hbm, dst_hbm, z_feat_hbm,
             out_hbm,
             sidx, didx, rows, acc, gsem, ssem):
    c = lax.axis_index("c")
    s = lax.axis_index("s")

    pltpu.sync_copy(z_feat_hbm, acc.at[pl.ds(s * ROWS_PER_TILE, ROWS_PER_TILE)])
    pltpu.sync_copy(src_hbm.at[s, pl.ds(c * CH2, CH2)], sidx)
    pltpu.sync_copy(dst_hbm.at[s, pl.ds(c * CH2, CH2)], didx)
    plsc.subcore_barrier()

    def gather_start(j, b):
        pltpu.async_copy(h_hbm.at[sidx.at[j]], rows[b], gsem[b])

    def gather_wait(j, b):
        pltpu.make_async_copy(h_hbm.at[sidx.at[0]], rows[b], gsem[b]).wait()

    def scat_start(j, b):
        pltpu.async_copy(rows[b], acc.at[didx.at[j]], ssem[b], add=True)

    def scat_wait(_, b):
        pltpu.make_async_copy(rows[b], acc.at[didx.at[0]], ssem[b]).wait()

    _pipelined_agg(CH2, gather_start, gather_wait, scat_start, scat_wait)
    plsc.subcore_barrier()

    pltpu.sync_copy(acc.at[pl.ds(s * ROWS_PER_TILE, ROWS_PER_TILE)],
                    out_hbm.at[c, pl.ds(s * ROWS_PER_TILE, ROWS_PER_TILE)])



_BLK = 1000


def _mid_body(a_ref, d_ref, w1_ref, b1_ref, w2_ref, o_ref):
    d = d_ref[...][0, :, 0:1]
    deg_inv = 1.0 / jnp.maximum(d, 1.0)
    a = a_ref[...]
    ax = jnp.concatenate([a[0], a[1]], axis=1)
    h1 = jnp.dot(ax, w1_ref[...], preferred_element_type=_f32)
    x1 = jnp.maximum(h1 * deg_inv + b1_ref[...], 0.0)
    o_ref[...] = jnp.dot(x1, w2_ref[...], preferred_element_type=_f32)


def _tc_mid(a, d, w1, b1, w2):
    return pl.pallas_call(
        _mid_body,
        grid=(N // _BLK,),
        in_specs=[
            pl.BlockSpec((2, _BLK, D_HALF), lambda i: (0, i, 0)),
            pl.BlockSpec((1, _BLK, 8), lambda i: (0, i, 0)),
            pl.BlockSpec((D_IN, D_HID), lambda i: (0, 0)),
            pl.BlockSpec((1, D_HID), lambda i: (0, 0)),
            pl.BlockSpec((D_HID, D_OUT), lambda i: (0, 0)),
        ],
        out_specs=pl.BlockSpec((_BLK, D_OUT), lambda i: (i, 0)),
        out_shape=jax.ShapeDtypeStruct((N, D_OUT), _f32),
    )(a, d, w1, b1, w2)


def _final_body(g_ref, d_ref, b2_ref, o_ref):
    d = d_ref[...][0, :, 0:1]
    deg_inv = 1.0 / jnp.maximum(d, 1.0)
    g = g_ref[...]
    x = (g[0] + g[1]) * deg_inv + b2_ref[...]
    m = jnp.max(x, axis=1, keepdims=True)
    lse = m + jnp.log(jnp.sum(jnp.exp(x - m), axis=1, keepdims=True))
    o_ref[...] = x - lse


def _tc_final(g, d, b2):
    return pl.pallas_call(
        _final_body,
        grid=(N // _BLK,),
        in_specs=[
            pl.BlockSpec((2, _BLK, D_OUT), lambda i: (0, i, 0)),
            pl.BlockSpec((1, _BLK, 8), lambda i: (0, i, 0)),
            pl.BlockSpec((1, D_OUT), lambda i: (0, 0)),
        ],
        out_specs=pl.BlockSpec((_BLK, D_OUT), lambda i: (i, 0)),
        out_shape=jax.ShapeDtypeStruct((N, D_OUT), _f32),
    )(g, d, b2)



def kernel(features, edge_index, W1, b1, W2, b2):
    src_t = edge_index[0].reshape(NS, CH1, K)
    dst_t = edge_index[1].reshape(NS, CH1, K)
    src2 = jnp.stack([2 * src_t, 2 * src_t + 1])
    feat2 = features.reshape(2 * N, D_HALF)

    z_half = jnp.zeros((ROWS_PER_TILE, D_HALF), _f32)
    z_deg = jnp.zeros((ROWS_PER_TILE, 8), _f32)
    z_out = jnp.zeros((ROWS_PER_TILE, D_OUT), _f32)
    ones_rows = jnp.ones((K, 8), _f32)

    agg1, deg16 = _sc_agg1(feat2, src2, dst_t, z_half, z_deg, ones_rows)

    h2 = _tc_mid(agg1, deg16, W1, b1.reshape(1, D_HID), W2)

    agg2 = _sc_agg2(h2, src_t, dst_t, z_out)
    out = _tc_final(agg2, deg16, b2.reshape(1, D_OUT))
    return out

# --- scband reference (transcript-rebuilt; emitter-appended) ---
"""Pipeline reference for scband-dgl-gcn-50697793962359 (READ-ONLY COPY).

The authoritative reference and input builder live on the scoring server;
editing this copy changes nothing except your own understanding.
"""

import jax, jax.numpy as jnp
import numpy as np

N_NODES = 10000
N_EDGES = 320000
D_IN = 128
D_HID = 128
D_OUT = 40


def setup_inputs(seed: int = 0) -> dict:
    key = jax.random.key(seed)
    ks = jax.random.split(key, 6)
    features = jax.random.normal(ks[0], (N_NODES, D_IN), dtype=jnp.float32)
    edge_index = jax.random.randint(ks[1], (2, N_EDGES), 0, N_NODES, dtype=jnp.int32)
    # GraphConv weights (DGL stores weight as [in_feats, out_feats])
    W1 = jax.random.normal(ks[2], (D_IN, D_HID), dtype=jnp.float32) * (1.0 / np.sqrt(D_IN))
    b1 = jnp.zeros((D_HID,), dtype=jnp.float32)
    W2 = jax.random.normal(ks[3], (D_HID, D_OUT), dtype=jnp.float32) * (1.0 / np.sqrt(D_HID))
    b2 = jnp.zeros((D_OUT,), dtype=jnp.float32)
    return {"features": features, "edge_index": edge_index, "W1": W1, "b1": b1, "W2": W2, "b2": b2}


def _graph_conv_right(x, W, b, src, dst, n_nodes, deg_inv):
    # DGL GraphConv with norm='right': h = X W; aggregate sum over incoming
    # edges; divide by in-degree (clamped to 1); add bias.
    h = x @ W
    agg = jnp.zeros((n_nodes, h.shape[1]), dtype=h.dtype).at[dst].add(h[src])
    return agg * deg_inv[:, None] + b


def reference(features, edge_index, W1, b1, W2, b2):
    src = edge_index[0]
    dst = edge_index[1]
    deg = jnp.zeros((N_NODES,), dtype=jnp.float32).at[dst].add(1.0)
    deg_inv = 1.0 / jnp.clip(deg, 1.0, None)
    x = _graph_conv_right(features, W1, b1, src, dst, N_NODES, deg_inv)
    x = jax.nn.relu(x)
    x = _graph_conv_right(x, W2, b2, src, dst, N_NODES, deg_inv)
    return jax.nn.log_softmax(x, axis=1)

if __name__ == "__main__":
    import jax
    _d = setup_inputs()
    print(jax.jit(kernel)(*tuple(_d.values())))

</pallas_src>

<mosaic_0001>
#map = affine_map<(d0, d1) -> (0, 0)>
#map1 = affine_map<(d0, d1) -> (0, 0, 0, 0)>
#map2 = affine_map<(d0, d1) -> (0, 0, 0)>
module attributes {stable_mosaic.version = 14 : i64} {
  func.func @_sc_agg1(%arg0: i32, %arg1: i32, %arg2: memref<20000x64xf32, #tpu.memory_space<hbm>>, %arg3: memref<2x16x160x125xi32, #tpu.memory_space<hbm>>, %arg4: memref<16x160x125xi32, #tpu.memory_space<hbm>>, %arg5: memref<640x64xf32, #tpu.memory_space<hbm>>, %arg6: memref<640x8xf32, #tpu.memory_space<hbm>>, %arg7: memref<125x8xf32, #tpu.memory_space<hbm>>, %arg8: memref<2x10240x64xf32, #tpu.memory_space<hbm>>, %arg9: memref<2x10240x8xf32, #tpu.memory_space<hbm>>, %arg10: memref<160x125xi32, #tpu.memory_space<vmem>>, %arg11: memref<160x125xi32, #tpu.memory_space<vmem>>, %arg12: memref<125x64xf32, #tpu.memory_space<vmem>>, %arg13: memref<125x64xf32, #tpu.memory_space<vmem>>, %arg14: memref<125x64xf32, #tpu.memory_space<vmem>>, %arg15: memref<125x64xf32, #tpu.memory_space<vmem>>, %arg16: memref<125x64xf32, #tpu.memory_space<vmem>>, %arg17: memref<125x8xf32, #tpu.memory_space<vmem>>, %arg18: memref<10240x64xf32, #tpu.memory_space<vmem_shared>>, %arg19: memref<10240x8xf32, #tpu.memory_space<vmem_shared>>, %arg20: memref<!tpu.dma_semaphore, #tpu.memory_space<semaphore_mem>>, %arg21: memref<!tpu.dma_semaphore, #tpu.memory_space<semaphore_mem>>, %arg22: memref<!tpu.dma_semaphore, #tpu.memory_space<semaphore_mem>>, %arg23: memref<!tpu.dma_semaphore, #tpu.memory_space<semaphore_mem>>, %arg24: memref<!tpu.dma_semaphore, #tpu.memory_space<semaphore_mem>>, %arg25: memref<!tpu.dma_semaphore, #tpu.memory_space<semaphore_mem>>, %arg26: memref<!tpu.dma_semaphore, #tpu.memory_space<semaphore_mem>>, %arg27: memref<!tpu.dma_semaphore, #tpu.memory_space<semaphore_mem>>, %arg28: memref<!tpu.dma_semaphore, #tpu.memory_space<semaphore_mem>>, %arg29: memref<!tpu.dma_semaphore, #tpu.memory_space<semaphore_mem>>) attributes {dimension_semantics = [#tpu.dimension_semantics<core_parallel>, #tpu.dimension_semantics<subcore_parallel>], iteration_bounds = array<i64: 2, 16>, scalar_prefetch = 0 : i64, scratch_operands = 20 : i64, tpu.core_type = #tpu.core_type<sc_vector_subcore>, window_params = [{transform_indices = #map}, {transform_indices = #map1}, {transform_indices = #map2}, {transform_indices = #map}, {transform_indices = #map}, {transform_indices = #map}, {transform_indices = #map2}, {transform_indices = #map2}]} {
    %mul3A = arith.constant 640 : i32
    %mul3A_0 = arith.muli %arg1, %mul3A : i32
    "tpu.region"() ({
      %run_scoped3A = tpu.sem_alloc : memref<!tpu.dma_semaphore, #tpu.memory_space<semaphore_mem>>
      %dma_start3A_290 = arith.constant 0 : i32
      %dma_start3A_291 = tpu.memref_slice %arg18[%mul3A_0, %dma_start3A_290] : memref<10240x64xf32, #tpu.memory_space<vmem_shared>> -> memref<640x64xf32, #tpu.memory_space<vmem_shared>>
      tpu.enqueue_dma source(%arg5 : memref<640x64xf32, #tpu.memory_space<hbm>>) target(%dma_start3A_291 : memref<640x64xf32, #tpu.memory_space<vmem_shared>>) target_semaphore(%run_scoped3A : memref<!tpu.dma_semaphore, #tpu.memory_space<semaphore_mem>>)
      %dma_wait3A_292 = arith.constant 0 : i32
      %dma_wait3A_293 = tpu.memref_slice %arg18[%mul3A_0, %dma_wait3A_292] : memref<10240x64xf32, #tpu.memory_space<vmem_shared>> -> memref<640x64xf32, #tpu.memory_space<vmem_shared>>
      tpu.wait_dma2 semaphore(%run_scoped3A : memref<!tpu.dma_semaphore, #tpu.memory_space<semaphore_mem>>) src(%arg5 : memref<640x64xf32, #tpu.memory_space<hbm>>) dst(%dma_wait3A_293 : memref<640x64xf32, #tpu.memory_space<vmem_shared>>)
      tpu.yield
    }) : () -> ()
    %mul3A_1 = arith.constant 640 : i32
    %mul3A_2 = arith.muli %arg1, %mul3A_1 : i32
    "tpu.region"() ({
      %run_scoped3A = tpu.sem_alloc : memref<!tpu.dma_semaphore, #tpu.memory_space<semaphore_mem>>
      %dma_start3A_290 = arith.constant 0 : i32
      %dma_start3A_291 = tpu.memref_slice %arg19[%mul3A_2, %dma_start3A_290] : memref<10240x8xf32, #tpu.memory_space<vmem_shared>> -> memref<640x8xf32, #tpu.memory_space<vmem_shared>>
      tpu.enqueue_dma source(%arg6 : memref<640x8xf32, #tpu.memory_space<hbm>>) target(%dma_start3A_291 : memref<640x8xf32, #tpu.memory_space<vmem_shared>>) target_semaphore(%run_scoped3A : memref<!tpu.dma_semaphore, #tpu.memory_space<semaphore_mem>>)
      %dma_wait3A_292 = arith.constant 0 : i32
      %dma_wait3A_293 = tpu.memref_slice %arg19[%mul3A_2, %dma_wait3A_292] : memref<10240x8xf32, #tpu.memory_space<vmem_shared>> -> memref<640x8xf32, #tpu.memory_space<vmem_shared>>
      tpu.wait_dma2 semaphore(%run_scoped3A : memref<!tpu.dma_semaphore, #tpu.memory_space<semaphore_mem>>) src(%arg6 : memref<640x8xf32, #tpu.memory_space<hbm>>) dst(%dma_wait3A_293 : memref<640x8xf32, #tpu.memory_space<vmem_shared>>)
      tpu.yield
    }) : () -> ()
    "tpu.region"() ({
      %run_scoped3A = tpu.sem_alloc : memref<!tpu.dma_semaphore, #tpu.memory_space<semaphore_mem>>
      %dma_start3A_290 = arith.constant 0 : i32
      %dma_start3A_291 = arith.constant 0 : i32
      %dma_start3A_292 = tpu.memref_slice %arg3[%arg0, %arg1, %dma_start3A_290, %dma_start3A_291] : memref<2x16x160x125xi32, #tpu.memory_space<hbm>> -> memref<1x1x160x125xi32, #tpu.memory_space<hbm>>
      %dma_start3A_293 = tpu.memref_squeeze %dma_start3A_292 : memref<1x1x160x125xi32, #tpu.memory_space<hbm>> -> memref<160x125xi32, #tpu.memory_space<hbm>>
      %dma_start3A_294 = arith.constant 0 : i32
      %dma_start3A_295 = arith.constant 0 : i32
      %dma_start3A_296 = tpu.memref_slice %arg3[%arg0, %arg1, %dma_start3A_294, %dma_start3A_295] : memref<2x16x160x125xi32, #tpu.memory_space<hbm>> -> memref<1x1x160x125xi32, #tpu.memory_space<hbm>>
      %dma_start3A_297 = tpu.memref_squeeze %dma_start3A_296 : memref<1x1x160x125xi32, #tpu.memory_space<hbm>> -> memref<160x125xi32, #tpu.memory_space<hbm>>
      tpu.enqueue_dma source(%dma_start3A_297 : memref<160x125xi32, #tpu.memory_space<hbm>>) target(%arg10 : memref<160x125xi32, #tpu.memory_space<vmem>>) target_semaphore(%run_scoped3A : memref<!tpu.dma_semaphore, #tpu.memory_space<semaphore_mem>>)
      %dma_wait3A_298 = arith.constant 0 : i32
      %dma_wait3A_299 = arith.constant 0 : i32
      %dma_wait3A_300 = tpu.memref_slice %arg3[%arg0, %arg1, %dma_wait3A_298, %dma_wait3A_299] : memref<2x16x160x125xi32, #tpu.memory_space<hbm>> -> memref<1x1x160x125xi32, #tpu.memory_space<hbm>>
      %dma_wait3A_301 = tpu.memref_squeeze %dma_wait3A_300 : memref<1x1x160x125xi32, #tpu.memory_space<hbm>> -> memref<160x125xi32, #tpu.memory_space<hbm>>
      %dma_wait3A_302 = arith.constant 0 : i32
      %dma_wait3A_303 = arith.constant 0 : i32
      %dma_wait3A_304 = tpu.memref_slice %arg3[%arg0, %arg1, %dma_wait3A_302, %dma_wait3A_303] : memref<2x16x160x125xi32, #tpu.memory_space<hbm>> -> memref<1x1x160x125xi32, #tpu.memory_space<hbm>>
      %dma_wait3A_305 = tpu.memref_squeeze %dma_wait3A_304 : memref<1x1x160x125xi32, #tpu.memory_space<hbm>> -> memref<160x125xi32, #tpu.memory_space<hbm>>
      tpu.wait_dma2 semaphore(%run_scoped3A : memref<!tpu.dma_semaphore, #tpu.memory_space<semaphore_mem>>) src(%dma_wait3A_305 : memref<160x125xi32, #tpu.memory_space<hbm>>) dst(%arg10 : memref<160x125xi32, #tpu.memory_space<vmem>>)
      tpu.yield
    }) : () -> ()
    "tpu.region"() ({
      %run_scoped3A = tpu.sem_alloc : memref<!tpu.dma_semaphore, #tpu.memory_space<semaphore_mem>>
      %dma_start3A_290 = arith.constant 0 : i32
      %dma_start3A_291 = arith.constant 0 : i32
      %dma_start3A_292 = tpu.memref_slice %arg4[%arg1, %dma_start3A_290, %dma_start3A_291] : memref<16x160x125xi32, #tpu.memory_space<hbm>> -> memref<1x160x125xi32, #tpu.memory_space<hbm>>
      %dma_start3A_293 = tpu.memref_squeeze %dma_start3A_292 : memref<1x160x125xi32, #tpu.memory_space<hbm>> -> memref<160x125xi32, #tpu.memory_space<hbm>>
      %dma_start3A_294 = arith.constant 0 : i32
      %dma_start3A_295 = arith.constant 0 : i32
      %dma_start3A_296 = tpu.memref_slice %arg4[%arg1, %dma_start3A_294, %dma_start3A_295] : memref<16x160x125xi32, #tpu.memory_space<hbm>> -> memref<1x160x125xi32, #tpu.memory_space<hbm>>
      %dma_start3A_297 = tpu.memref_squeeze %dma_start3A_296 : memref<1x160x125xi32, #tpu.memory_space<hbm>> -> memref<160x125xi32, #tpu.memory_space<hbm>>
      tpu.enqueue_dma source(%dma_start3A_297 : memref<160x125xi32, #tpu.memory_space<hbm>>) target(%arg11 : memref<160x125xi32, #tpu.memory_space<vmem>>) target_semaphore(%run_scoped3A : memref<!tpu.dma_semaphore, #tpu.memory_space<semaphore_mem>>)
      %dma_wait3A_298 = arith.constant 0 : i32
      %dma_wait3A_299 = arith.constant 0 : i32
      %dma_wait3A_300 = tpu.memref_slice %arg4[%arg1, %dma_wait3A_298, %dma_wait3A_299] : memref<16x160x125xi32, #tpu.memory_space<hbm>> -> memref<1x160x125xi32, #tpu.memory_space<hbm>>
      %dma_wait3A_301 = tpu.memref_squeeze %dma_wait3A_300 : memref<1x160x125xi32, #tpu.memory_space<hbm>> -> memref<160x125xi32, #tpu.memory_space<hbm>>
      %dma_wait3A_302 = arith.constant 0 : i32
      %dma_wait3A_303 = arith.constant 0 : i32
      %dma_wait3A_304 = tpu.memref_slice %arg4[%arg1, %dma_wait3A_302, %dma_wait3A_303] : memref<16x160x125xi32, #tpu.memory_space<hbm>> -> memref<1x160x125xi32, #tpu.memory_space<hbm>>
      %dma_wait3A_305 = tpu.memref_squeeze %dma_wait3A_304 : memref<1x160x125xi32, #tpu.memory_space<hbm>> -> memref<160x125xi32, #tpu.memory_space<hbm>>
      tpu.wait_dma2 semaphore(%run_scoped3A : memref<!tpu.dma_semaphore, #tpu.memory_space<semaphore_mem>>) src(%dma_wait3A_305 : memref<160x125xi32, #tpu.memory_space<hbm>>) dst(%arg11 : memref<160x125xi32, #tpu.memory_space<vmem>>)
      tpu.yield
    }) : () -> ()
    "tpu.region"() ({
      %run_scoped3A = tpu.sem_alloc : memref<!tpu.dma_semaphore, #tpu.memory_space<semaphore_mem>>
      tpu.enqueue_dma source(%arg7 : memref<125x8xf32, #tpu.memory_space<hbm>>) target(%arg17 : memref<125x8xf32, #tpu.memory_space<vmem>>) target_semaphore(%run_scoped3A : memref<!tpu.dma_semaphore, #tpu.memory_space<semaphore_mem>>)
      tpu.wait_dma2 semaphore(%run_scoped3A : memref<!tpu.dma_semaphore, #tpu.memory_space<semaphore_mem>>) src(%arg7 : memref<125x8xf32, #tpu.memory_space<hbm>>) dst(%arg17 : memref<125x8xf32, #tpu.memory_space<vmem>>)
      tpu.yield
    }) : () -> ()
    %barrier3A = arith.constant 0 : index
    tpu.barrier barrier_id(%barrier3A)
    %dma_start3A = arith.constant 0 : i32
    %dma_start3A_3 = arith.constant 0 : i32
    %dma_start3A_4 = tpu.memref_slice %arg10[%dma_start3A, %dma_start3A_3] : memref<160x125xi32, #tpu.memory_space<vmem>> -> memref<1x125xi32, #tpu.memory_space<vmem>>
    %dma_start3A_5 = tpu.memref_squeeze %dma_start3A_4 : memref<1x125xi32, #tpu.memory_space<vmem>> -> memref<125xi32, #tpu.memory_space<vmem>>
    %dma_start3A_6 = arith.constant 0 : i32
    %dma_start3A_7 = arith.constant 0 : i32
    %dma_start3A_8 = tpu.memref_slice %arg2[%dma_start3A_6, %dma_start3A_7] : memref<20000x64xf32, #tpu.memory_space<hbm>> -> memref<20000x64xf32, #tpu.memory_space<hbm>>
    tpu.enqueue_indirect_dma source(%dma_start3A_8 : memref<20000x64xf32, #tpu.memory_space<hbm>>) target(%arg12 : memref<125x64xf32, #tpu.memory_space<vmem>>) offsets(%dma_start3A_5 : memref<125xi32, #tpu.memory_space<vmem>>) semaphore(%arg20 : memref<!tpu.dma_semaphore, #tpu.memory_space<semaphore_mem>>)
    %dma_start3A_9 = arith.constant 1 : i32
    %dma_start3A_10 = arith.constant 0 : i32
    %dma_start3A_11 = tpu.memref_slice %arg10[%dma_start3A_9, %dma_start3A_10] : memref<160x125xi32, #tpu.memory_space<vmem>> -> memref<1x125xi32, #tpu.memory_space<vmem>>
    %dma_start3A_12 = tpu.memref_squeeze %dma_start3A_11 : memref<1x125xi32, #tpu.memory_space<vmem>> -> memref<125xi32, #tpu.memory_space<vmem>>
    %dma_start3A_13 = arith.constant 0 : i32
    %dma_start3A_14 = arith.constant 0 : i32
    %dma_start3A_15 = tpu.memref_slice %arg2[%dma_start3A_13, %dma_start3A_14] : memref<20000x64xf32, #tpu.memory_space<hbm>> -> memref<20000x64xf32, #tpu.memory_space<hbm>>
    tpu.enqueue_indirect_dma source(%dma_start3A_15 : memref<20000x64xf32, #tpu.memory_space<hbm>>) target(%arg13 : memref<125x64xf32, #tpu.memory_space<vmem>>) offsets(%dma_start3A_12 : memref<125xi32, #tpu.memory_space<vmem>>) semaphore(%arg21 : memref<!tpu.dma_semaphore, #tpu.memory_space<semaphore_mem>>)
    %dma_start3A_16 = arith.constant 2 : i32
    %dma_start3A_17 = arith.constant 0 : i32
    %dma_start3A_18 = tpu.memref_slice %arg10[%dma_start3A_16, %dma_start3A_17] : memref<160x125xi32, #tpu.memory_space<vmem>> -> memref<1x125xi32, #tpu.memory_space<vmem>>
    %dma_start3A_19 = tpu.memref_squeeze %dma_start3A_18 : memref<1x125xi32, #tpu.memory_space<vmem>> -> memref<125xi32, #tpu.memory_space<vmem>>
    %dma_start3A_20 = arith.constant 0 : i32
    %dma_start3A_21 = arith.constant 0 : i32
    %dma_start3A_22 = tpu.memref_slice %arg2[%dma_start3A_20, %dma_start3A_21] : memref<20000x64xf32, #tpu.memory_space<hbm>> -> memref<20000x64xf32, #tpu.memory_space<hbm>>
    tpu.enqueue_indirect_dma source(%dma_start3A_22 : memref<20000x64xf32, #tpu.memory_space<hbm>>) target(%arg14 : memref<125x64xf32, #tpu.memory_space<vmem>>) offsets(%dma_start3A_19 : memref<125xi32, #tpu.memory_space<vmem>>) semaphore(%arg22 : memref<!tpu.dma_semaphore, #tpu.memory_space<semaphore_mem>>)
    %dma_start3A_23 = arith.constant 3 : i32
    %dma_start3A_24 = arith.constant 0 : i32
    %dma_start3A_25 = tpu.memref_slice %arg10[%dma_start3A_23, %dma_start3A_24] : memref<160x125xi32, #tpu.memory_space<vmem>> -> memref<1x125xi32, #tpu.memory_space<vmem>>
    %dma_start3A_26 = tpu.memref_squeeze %dma_start3A_25 : memref<1x125xi32, #tpu.memory_space<vmem>> -> memref<125xi32, #tpu.memory_space<vmem>>
    %dma_start3A_27 = arith.constant 0 : i32
    %dma_start3A_28 = arith.constant 0 : i32
    %dma_start3A_29 = tpu.memref_slice %arg2[%dma_start3A_27, %dma_start3A_28] : memref<20000x64xf32, #tpu.memory_space<hbm>> -> memref<20000x64xf32, #tpu.memory_space<hbm>>
    tpu.enqueue_indirect_dma source(%dma_start3A_29 : memref<20000x64xf32, #tpu.memory_space<hbm>>) target(%arg15 : memref<125x64xf32, #tpu.memory_space<vmem>>) offsets(%dma_start3A_26 : memref<125xi32, #tpu.memory_space<vmem>>) semaphore(%arg23 : memref<!tpu.dma_semaphore, #tpu.memory_space<semaphore_mem>>)
    %dma_wait3A = arith.constant 0 : i32
    %dma_wait3A_30 = arith.constant 0 : i32
    %dma_wait3A_31 = tpu.memref_slice %arg10[%dma_wait3A, %dma_wait3A_30] : memref<160x125xi32, #tpu.memory_space<vmem>> -> memref<1x125xi32, #tpu.memory_space<vmem>>
    %dma_wait3A_32 = tpu.memref_squeeze %dma_wait3A_31 : memref<1x125xi32, #tpu.memory_space<vmem>> -> memref<125xi32, #tpu.memory_space<vmem>>
    %dma_wait3A_33 = arith.constant 0 : i32
    %dma_wait3A_34 = arith.constant 0 : i32
    %dma_wait3A_35 = tpu.memref_slice %arg2[%dma_wait3A_33, %dma_wait3A_34] : memref<20000x64xf32, #tpu.memory_space<hbm>> -> memref<20000x64xf32, #tpu.memory_space<hbm>>
    tpu.wait_indirect_dma semaphore(%arg20 : memref<!tpu.dma_semaphore, #tpu.memory_space<semaphore_mem>>) src(%dma_wait3A_35 : memref<20000x64xf32, #tpu.memory_space<hbm>>) dst(%arg12 : memref<125x64xf32, #tpu.memory_space<vmem>>)
    %dma_start3A_36 = arith.constant 0 : i32
    %dma_start3A_37 = arith.constant 0 : i32
    %dma_start3A_38 = tpu.memref_slice %arg11[%dma_start3A_36, %dma_start3A_37] : memref<160x125xi32, #tpu.memory_space<vmem>> -> memref<1x125xi32, #tpu.memory_space<vmem>>
    %dma_start3A_39 = tpu.memref_squeeze %dma_start3A_38 : memref<1x125xi32, #tpu.memory_space<vmem>> -> memref<125xi32, #tpu.memory_space<vmem>>
    %dma_start3A_40 = arith.constant 0 : i32
    %dma_start3A_41 = arith.constant 0 : i32
    %dma_start3A_42 = tpu.memref_slice %arg18[%dma_start3A_40, %dma_start3A_41] : memref<10240x64xf32, #tpu.memory_space<vmem_shared>> -> memref<10240x64xf32, #tpu.memory_space<vmem_shared>>
    tpu.enqueue_indirect_dma source(%arg12 : memref<125x64xf32, #tpu.memory_space<vmem>>) target(%dma_start3A_42 : memref<10240x64xf32, #tpu.memory_space<vmem_shared>>) offsets(%dma_start3A_39 : memref<125xi32, #tpu.memory_space<vmem>>) semaphore(%arg25 : memref<!tpu.dma_semaphore, #tpu.memory_space<semaphore_mem>>) {add = true}
    %dma_start3A_43 = arith.constant 0 : i32
    %dma_start3A_44 = arith.constant 0 : i32
    %dma_start3A_45 = tpu.memref_slice %arg11[%dma_start3A_43, %dma_start3A_44] : memref<160x125xi32, #tpu.memory_space<vmem>> -> memref<1x125xi32, #tpu.memory_space<vmem>>
    %dma_start3A_46 = tpu.memref_squeeze %dma_start3A_45 : memref<1x125xi32, #tpu.memory_space<vmem>> -> memref<125xi32, #tpu.memory_space<vmem>>
    %dma_start3A_47 = arith.constant 0 : i32
    %dma_start3A_48 = arith.constant 0 : i32
    %dma_start3A_49 = tpu.memref_slice %arg19[%dma_start3A_47, %dma_start3A_48] : memref<10240x8xf32, #tpu.memory_space<vmem_shared>> -> memref<10240x8xf32, #tpu.memory_space<vmem_shared>>
    tpu.enqueue_indirect_dma source(%arg17 : memref<125x8xf32, #tpu.memory_space<vmem>>) target(%dma_start3A_49 : memref<10240x8xf32, #tpu.memory_space<vmem_shared>>) offsets(%dma_start3A_46 : memref<125xi32, #tpu.memory_space<vmem>>) semaphore(%arg25 : memref<!tpu.dma_semaphore, #tpu.memory_space<semaphore_mem>>) {add = true}
    %min3A = arith.constant 4 : i32
    %min3A_50 = arith.constant 159 : i32
    %min3A_51 = arith.minsi %min3A, %min3A_50 : i32
    %dma_start3A_52 = arith.constant 0 : i32
    %dma_start3A_53 = tpu.memref_slice %arg10[%min3A_51, %dma_start3A_52] : memref<160x125xi32, #tpu.memory_space<vmem>> -> memref<1x125xi32, #tpu.memory_space<vmem>>
    %dma_start3A_54 = tpu.memref_squeeze %dma_start3A_53 : memref<1x125xi32, #tpu.memory_space<vmem>> -> memref<125xi32, #tpu.memory_space<vmem>>
    %dma_start3A_55 = arith.constant 0 : i32
    %dma_start3A_56 = arith.constant 0 : i32
    %dma_start3A_57 = tpu.memref_slice %arg2[%dma_start3A_55, %dma_start3A_56] : memref<20000x64xf32, #tpu.memory_space<hbm>> -> memref<20000x64xf32, #tpu.memory_space<hbm>>
    tpu.enqueue_indirect_dma source(%dma_start3A_57 : memref<20000x64xf32, #tpu.memory_space<hbm>>) target(%arg16 : memref<125x64xf32, #tpu.memory_space<vmem>>) offsets(%dma_start3A_54 : memref<125xi32, #tpu.memory_space<vmem>>) semaphore(%arg24 : memref<!tpu.dma_semaphore, #tpu.memory_space<semaphore_mem>>)
    %dma_wait3A_58 = arith.constant 0 : i32
    %dma_wait3A_59 = arith.constant 0 : i32
    %dma_wait3A_60 = tpu.memref_slice %arg10[%dma_wait3A_58, %dma_wait3A_59] : memref<160x125xi32, #tpu.memory_space<vmem>> -> memref<1x125xi32, #tpu.memory_space<vmem>>
    %dma_wait3A_61 = tpu.memref_squeeze %dma_wait3A_60 : memref<1x125xi32, #tpu.memory_space<vmem>> -> memref<125xi32, #tpu.memory_space<vmem>>
    %dma_wait3A_62 = arith.constant 0 : i32
    %dma_wait3A_63 = arith.constant 0 : i32
    %dma_wait3A_64 = tpu.memref_slice %arg2[%dma_wait3A_62, %dma_wait3A_63] : memref<20000x64xf32, #tpu.memory_space<hbm>> -> memref<20000x64xf32, #tpu.memory_space<hbm>>
    tpu.wait_indirect_dma semaphore(%arg21 : memref<!tpu.dma_semaphore, #tpu.memory_space<semaphore_mem>>) src(%dma_wait3A_64 : memref<20000x64xf32, #tpu.memory_space<hbm>>) dst(%arg13 : memref<125x64xf32, #tpu.memory_space<vmem>>)
    %dma_start3A_65 = arith.constant 1 : i32
    %dma_start3A_66 = arith.constant 0 : i32
    %dma_start3A_67 = tpu.memref_slice %arg11[%dma_start3A_65, %dma_start3A_66] : memref<160x125xi32, #tpu.memory_space<vmem>> -> memref<1x125xi32, #tpu.memory_space<vmem>>
    %dma_start3A_68 = tpu.memref_squeeze %dma_start3A_67 : memref<1x125xi32, #tpu.memory_space<vmem>> -> memref<125xi32, #tpu.memory_space<vmem>>
    %dma_start3A_69 = arith.constant 0 : i32
    %dma_start3A_70 = arith.constant 0 : i32
    %dma_start3A_71 = tpu.memref_slice %arg18[%dma_start3A_69, %dma_start3A_70] : memref<10240x64xf32, #tpu.memory_space<vmem_shared>> -> memref<10240x64xf32, #tpu.memory_space<vmem_shared>>
    tpu.enqueue_indirect_dma source(%arg13 : memref<125x64xf32, #tpu.memory_space<vmem>>) target(%dma_start3A_71 : memref<10240x64xf32, #tpu.memory_space<vmem_shared>>) offsets(%dma_start3A_68 : memref<125xi32, #tpu.memory_space<vmem>>) semaphore(%arg26 : memref<!tpu.dma_semaphore, #tpu.memory_space<semaphore_mem>>) {add = true}
    %dma_start3A_72 = arith.constant 1 : i32
    %dma_start3A_73 = arith.constant 0 : i32
    %dma_start3A_74 = tpu.memref_slice %arg11[%dma_start3A_72, %dma_start3A_73] : memref<160x125xi32, #tpu.memory_space<vmem>> -> memref<1x125xi32, #tpu.memory_space<vmem>>
    %dma_start3A_75 = tpu.memref_squeeze %dma_start3A_74 : memref<1x125xi32, #tpu.memory_space<vmem>> -> memref<125xi32, #tpu.memory_space<vmem>>
    %dma_start3A_76 = arith.constant 0 : i32
    %dma_start3A_77 = arith.constant 0 : i32
    %dma_start3A_78 = tpu.memref_slice %arg19[%dma_start3A_76, %dma_start3A_77] : memref<10240x8xf32, #tpu.memory_space<vmem_shared>> -> memref<10240x8xf32, #tpu.memory_space<vmem_shared>>
    tpu.enqueue_indirect_dma source(%arg17 : memref<125x8xf32, #tpu.memory_space<vmem>>) target(%dma_start3A_78 : memref<10240x8xf32, #tpu.memory_space<vmem_shared>>) offsets(%dma_start3A_75 : memref<125xi32, #tpu.memory_space<vmem>>) semaphore(%arg26 : memref<!tpu.dma_semaphore, #tpu.memory_space<semaphore_mem>>) {add = true}
    %dma_wait3A_79 = arith.constant 0 : i32
    %dma_wait3A_80 = arith.constant 0 : i32
    %dma_wait3A_81 = tpu.memref_slice %arg11[%dma_wait3A_79, %dma_wait3A_80] : memref<160x125xi32, #tpu.memory_space<vmem>> -> memref<1x125xi32, #tpu.memory_space<vmem>>
    %dma_wait3A_82 = tpu.memref_squeeze %dma_wait3A_81 : memref<1x125xi32, #tpu.memory_space<vmem>> -> memref<125xi32, #tpu.memory_space<vmem>>
    %dma_wait3A_83 = arith.constant 0 : i32
    %dma_wait3A_84 = arith.constant 0 : i32
    %dma_wait3A_85 = tpu.memref_slice %arg18[%dma_wait3A_83, %dma_wait3A_84] : memref<10240x64xf32, #tpu.memory_space<vmem_shared>> -> memref<10240x64xf32, #tpu.memory_space<vmem_shared>>
    tpu.wait_indirect_dma semaphore(%arg25 : memref<!tpu.dma_semaphore, #tpu.memory_space<semaphore_mem>>) src(%arg12 : memref<125x64xf32, #tpu.memory_space<vmem>>) dst(%dma_wait3A_85 : memref<10240x64xf32, #tpu.memory_space<vmem_shared>>)
    %dma_wait3A_86 = arith.constant 0 : i32
    %dma_wait3A_87 = arith.constant 0 : i32
    %dma_wait3A_88 = tpu.memref_slice %arg11[%dma_wait3A_86, %dma_wait3A_87] : memref<160x125xi32, #tpu.memory_space<vmem>> -> memref<1x125xi32, #tpu.memory_space<vmem>>
    %dma_wait3A_89 = tpu.memref_squeeze %dma_wait3A_88 : memref<1x125xi32, #tpu.memory_space<vmem>> -> memref<125xi32, #tpu.memory_space<vmem>>
    %dma_wait3A_90 = arith.constant 0 : i32
    %dma_wait3A_91 = arith.constant 0 : i32
    %dma_wait3A_92 = tpu.memref_slice %arg19[%dma_wait3A_90, %dma_wait3A_91] : memref<10240x8xf32, #tpu.memory_space<vmem_shared>> -> memref<10240x8xf32, #tpu.memory_space<vmem_shared>>
    tpu.wait_indirect_dma semaphore(%arg25 : memref<!tpu.dma_semaphore, #tpu.memory_space<semaphore_mem>>) src(%arg17 : memref<125x8xf32, #tpu.memory_space<vmem>>) dst(%dma_wait3A_92 : memref<10240x8xf32, #tpu.memory_space<vmem_shared>>)
    %min3A_93 = arith.constant 5 : i32
    %min3A_94 = arith.constant 159 : i32
    %min3A_95 = arith.minsi %min3A_93, %min3A_94 : i32
    %dma_start3A_96 = arith.constant 0 : i32
    %dma_start3A_97 = tpu.memref_slice %arg10[%min3A_95, %dma_start3A_96] : memref<160x125xi32, #tpu.memory_space<vmem>> -> memref<1x125xi32, #tpu.memory_space<vmem>>
    %dma_start3A_98 = tpu.memref_squeeze %dma_start3A_97 : memref<1x125xi32, #tpu.memory_space<vmem>> -> memref<125xi32, #tpu.memory_space<vmem>>
    %dma_start3A_99 = arith.constant 0 : i32
    %dma_start3A_100 = arith.constant 0 : i32
    %dma_start3A_101 = tpu.memref_slice %arg2[%dma_start3A_99, %dma_start3A_100] : memref<20000x64xf32, #tpu.memory_space<hbm>> -> memref<20000x64xf32, #tpu.memory_space<hbm>>
    tpu.enqueue_indirect_dma source(%dma_start3A_101 : memref<20000x64xf32, #tpu.memory_space<hbm>>) target(%arg12 : memref<125x64xf32, #tpu.memory_space<vmem>>) offsets(%dma_start3A_98 : memref<125xi32, #tpu.memory_space<vmem>>) semaphore(%arg20 : memref<!tpu.dma_semaphore, #tpu.memory_space<semaphore_mem>>)
    %dma_wait3A_102 = arith.constant 0 : i32
    %dma_wait3A_103 = arith.constant 0 : i32
    %dma_wait3A_104 = tpu.memref_slice %arg10[%dma_wait3A_102, %dma_wait3A_103] : memref<160x125xi32, #tpu.memory_space<vmem>> -> memref<1x125xi32, #tpu.memory_space<vmem>>
    %dma_wait3A_105 = tpu.memref_squeeze %dma_wait3A_104 : memref<1x125xi32, #tpu.memory_space<vmem>> -> memref<125xi32, #tpu.memory_space<vmem>>
    %dma_wait3A_106 = arith.constant 0 : i32
    %dma_wait3A_107 = arith.constant 0 : i32
    %dma_wait3A_108 = tpu.memref_slice %arg2[%dma_wait3A_106, %dma_wait3A_107] : memref<20000x64xf32, #tpu.memory_space<hbm>> -> memref<20000x64xf32, #tpu.memory_space<hbm>>
    tpu.wait_indirect_dma semaphore(%arg22 : memref<!tpu.dma_semaphore, #tpu.memory_space<semaphore_mem>>) src(%dma_wait3A_108 : memref<20000x64xf32, #tpu.memory_space<hbm>>) dst(%arg14 : memref<125x64xf32, #tpu.memory_space<vmem>>)
    %dma_start3A_109 = arith.constant 2 : i32
    %dma_start3A_110 = arith.constant 0 : i32
    %dma_start3A_111 = tpu.memref_slice %arg11[%dma_start3A_109, %dma_start3A_110] : memref<160x125xi32, #tpu.memory_space<vmem>> -> memref<1x125xi32, #tpu.memory_space<vmem>>
    %dma_start3A_112 = tpu.memref_squeeze %dma_start3A_111 : memref<1x125xi32, #tpu.memory_space<vmem>> -> memref<125xi32, #tpu.memory_space<vmem>>
    %dma_start3A_113 = arith.constant 0 : i32
    %dma_start3A_114 = arith.constant 0 : i32
    %dma_start3A_115 = tpu.memref_slice %arg18[%dma_start3A_113, %dma_start3A_114] : memref<10240x64xf32, #tpu.memory_space<vmem_shared>> -> memref<10240x64xf32, #tpu.memory_space<vmem_shared>>
    tpu.enqueue_indirect_dma source(%arg14 : memref<125x64xf32, #tpu.memory_space<vmem>>) target(%dma_start3A_115 : memref<10240x64xf32, #tpu.memory_space<vmem_shared>>) offsets(%dma_start3A_112 : memref<125xi32, #tpu.memory_space<vmem>>) semaphore(%arg27 : memref<!tpu.dma_semaphore, #tpu.memory_space<semaphore_mem>>) {add = true}
    %dma_start3A_116 = arith.constant 2 : i32
    %dma_start3A_117 = arith.constant 0 : i32
    %dma_start3A_118 = tpu.memref_slice %arg11[%dma_start3A_116, %dma_start3A_117] : memref<160x125xi32, #tpu.memory_space<vmem>> -> memref<1x125xi32, #tpu.memory_space<vmem>>
    %dma_start3A_119 = tpu.memref_squeeze %dma_start3A_118 : memref<1x125xi32, #tpu.memory_space<vmem>> -> memref<125xi32, #tpu.memory_space<vmem>>
    %dma_start3A_120 = arith.constant 0 : i32
    %dma_start3A_121 = arith.constant 0 : i32
    %dma_start3A_122 = tpu.memref_slice %arg19[%dma_start3A_120, %dma_start3A_121] : memref<10240x8xf32, #tpu.memory_space<vmem_shared>> -> memref<10240x8xf32, #tpu.memory_space<vmem_shared>>
    tpu.enqueue_indirect_dma source(%arg17 : memref<125x8xf32, #tpu.memory_space<vmem>>) target(%dma_start3A_122 : memref<10240x8xf32, #tpu.memory_space<vmem_shared>>) offsets(%dma_start3A_119 : memref<125xi32, #tpu.memory_space<vmem>>) semaphore(%arg27 : memref<!tpu.dma_semaphore, #tpu.memory_space<semaphore_mem>>) {add = true}
    %dma_wait3A_123 = arith.constant 0 : i32
    %dma_wait3A_124 = arith.constant 0 : i32
    %dma_wait3A_125 = tpu.memref_slice %arg11[%dma_wait3A_123, %dma_wait3A_124] : memref<160x125xi32, #tpu.memory_space<vmem>> -> memref<1x125xi32, #tpu.memory_space<vmem>>
    %dma_wait3A_126 = tpu.memref_squeeze %dma_wait3A_125 : memref<1x125xi32, #tpu.memory_space<vmem>> -> memref<125xi32, #tpu.memory_space<vmem>>
    %dma_wait3A_127 = arith.constant 0 : i32
    %dma_wait3A_128 = arith.constant 0 : i32
    %dma_wait3A_129 = tpu.memref_slice %arg18[%dma_wait3A_127, %dma_wait3A_128] : memref<10240x64xf32, #tpu.memory_space<vmem_shared>> -> memref<10240x64xf32, #tpu.memory_space<vmem_shared>>
    tpu.wait_indirect_dma semaphore(%arg26 : memref<!tpu.dma_semaphore, #tpu.memory_space<semaphore_mem>>) src(%arg13 : memref<125x64xf32, #tpu.memory_space<vmem>>) dst(%dma_wait3A_129 : memref<10240x64xf32, #tpu.memory_space<vmem_shared>>)
    %dma_wait3A_130 = arith.constant 0 : i32
    %dma_wait3A_131 = arith.constant 0 : i32
    %dma_wait3A_132 = tpu.memref_slice %arg11[%dma_wait3A_130, %dma_wait3A_131] : memref<160x125xi32, #tpu.memory_space<vmem>> -> memref<1x125xi32, #tpu.memory_space<vmem>>
    %dma_wait3A_133 = tpu.memref_squeeze %dma_wait3A_132 : memref<1x125xi32, #tpu.memory_space<vmem>> -> memref<125xi32, #tpu.memory_space<vmem>>
    %dma_wait3A_134 = arith.constant 0 : i32
    %dma_wait3A_135 = arith.constant 0 : i32
    %dma_wait3A_136 = tpu.memref_slice %arg19[%dma_wait3A_134, %dma_wait3A_135] : memref<10240x8xf32, #tpu.memory_space<vmem_shared>> -> memref<10240x8xf32, #tpu.memory_space<vmem_shared>>
    tpu.wait_indirect_dma semaphore(%arg26 : memref<!tpu.dma_semaphore, #tpu.memory_space<semaphore_mem>>) src(%arg17 : memref<125x8xf32, #tpu.memory_space<vmem>>) dst(%dma_wait3A_136 : memref<10240x8xf32, #tpu.memory_space<vmem_shared>>)
    %min3A_137 = arith.constant 6 : i32
    %min3A_138 = arith.constant 159 : i32
    %min3A_139 = arith.minsi %min3A_137, %min3A_138 : i32
    %dma_start3A_140 = arith.constant 0 : i32
    %dma_start3A_141 = tpu.memref_slice %arg10[%min3A_139, %dma_start3A_140] : memref<160x125xi32, #tpu.memory_space<vmem>> -> memref<1x125xi32, #tpu.memory_space<vmem>>
    %dma_start3A_142 = tpu.memref_squeeze %dma_start3A_141 : memref<1x125xi32, #tpu.memory_space<vmem>> -> memref<125xi32, #tpu.memory_space<vmem>>
    %dma_start3A_143 = arith.constant 0 : i32
    %dma_start3A_144 = arith.constant 0 : i32
    %dma_start3A_145 = tpu.memref_slice %arg2[%dma_start3A_143, %dma_start3A_144] : memref<20000x64xf32, #tpu.memory_space<hbm>> -> memref<20000x64xf32, #tpu.memory_space<hbm>>
    tpu.enqueue_indirect_dma source(%dma_start3A_145 : memref<20000x64xf32, #tpu.memory_space<hbm>>) target(%arg13 : memref<125x64xf32, #tpu.memory_space<vmem>>) offsets(%dma_start3A_142 : memref<125xi32, #tpu.memory_space<vmem>>) semaphore(%arg21 : memref<!tpu.dma_semaphore, #tpu.memory_space<semaphore_mem>>)
    %dma_wait3A_146 = arith.constant 0 : i32
    %dma_wait3A_147 = arith.constant 0 : i32
    %dma_wait3A_148 = tpu.memref_slice %arg10[%dma_wait3A_146, %dma_wait3A_147] : memref<160x125xi32, #tpu.memory_space<vmem>> -> memref<1x125xi32, #tpu.memory_space<vmem>>
    %dma_wait3A_149 = tpu.memref_squeeze %dma_wait3A_148 : memref<1x125xi32, #tpu.memory_space<vmem>> -> memref<125xi32, #tpu.memory_space<vmem>>
    %dma_wait3A_150 = arith.constant 0 : i32
    %dma_wait3A_151 = arith.constant 0 : i32
    %dma_wait3A_152 = tpu.memref_slice %arg2[%dma_wait3A_150, %dma_wait3A_151] : memref<20000x64xf32, #tpu.memory_space<hbm>> -> memref<20000x64xf32, #tpu.memory_space<hbm>>
    tpu.wait_indirect_dma semaphore(%arg23 : memref<!tpu.dma_semaphore, #tpu.memory_space<semaphore_mem>>) src(%dma_wait3A_152 : memref<20000x64xf32, #tpu.memory_space<hbm>>) dst(%arg15 : memref<125x64xf32, #tpu.memory_space<vmem>>)
    %dma_start3A_153 = arith.constant 3 : i32
    %dma_start3A_154 = arith.constant 0 : i32
    %dma_start3A_155 = tpu.memref_slice %arg11[%dma_start3A_153, %dma_start3A_154] : memref<160x125xi32, #tpu.memory_space<vmem>> -> memref<1x125xi32, #tpu.memory_space<vmem>>
    %dma_start3A_156 = tpu.memref_squeeze %dma_start3A_155 : memref<1x125xi32, #tpu.memory_space<vmem>> -> memref<125xi32, #tpu.memory_space<vmem>>
    %dma_start3A_157 = arith.constant 0 : i32
    %dma_start3A_158 = arith.constant 0 : i32
    %dma_start3A_159 = tpu.memref_slice %arg18[%dma_start3A_157, %dma_start3A_158] : memref<10240x64xf32, #tpu.memory_space<vmem_shared>> -> memref<10240x64xf32, #tpu.memory_space<vmem_shared>>
    tpu.enqueue_indirect_dma source(%arg15 : memref<125x64xf32, #tpu.memory_space<vmem>>) target(%dma_start3A_159 : memref<10240x64xf32, #tpu.memory_space<vmem_shared>>) offsets(%dma_start3A_156 : memref<125xi32, #tpu.memory_space<vmem>>) semaphore(%arg28 : memref<!tpu.dma_semaphore, #tpu.memory_space<semaphore_mem>>) {add = true}
    %dma_start3A_160 = arith.constant 3 : i32
    %dma_start3A_161 = arith.constant 0 : i32
    %dma_start3A_162 = tpu.memref_slice %arg11[%dma_start3A_160, %dma_start3A_161] : memref<160x125xi32, #tpu.memory_space<vmem>> -> memref<1x125xi32, #tpu.memory_space<vmem>>
    %dma_start3A_163 = tpu.memref_squeeze %dma_start3A_162 : memref<1x125xi32, #tpu.memory_space<vmem>> -> memref<125xi32, #tpu.memory_space<vmem>>
    %dma_start3A_164 = arith.constant 0 : i32
    %dma_start3A_165 = arith.constant 0 : i32
    %dma_start3A_166 = tpu.memref_slice %arg19[%dma_start3A_164, %dma_start3A_165] : memref<10240x8xf32, #tpu.memory_space<vmem_shared>> -> memref<10240x8xf32, #tpu.memory_space<vmem_shared>>
    tpu.enqueue_indirect_dma source(%arg17 : memref<125x8xf32, #tpu.memory_space<vmem>>) target(%dma_start3A_166 : memref<10240x8xf32, #tpu.memory_space<vmem_shared>>) offsets(%dma_start3A_163 : memref<125xi32, #tpu.memory_space<vmem>>) semaphore(%arg28 : memref<!tpu.dma_semaphore, #tpu.memory_space<semaphore_mem>>) {add = true}
    %dma_wait3A_167 = arith.constant 0 : i32
    %dma_wait3A_168 = arith.constant 0 : i32
    %dma_wait3A_169 = tpu.memref_slice %arg11[%dma_wait3A_167, %dma_wait3A_168] : memref<160x125xi32, #tpu.memory_space<vmem>> -> memref<1x125xi32, #tpu.memory_space<vmem>>
    %dma_wait3A_170 = tpu.memref_squeeze %dma_wait3A_169 : memref<1x125xi32, #tpu.memory_space<vmem>> -> memref<125xi32, #tpu.memory_space<vmem>>
    %dma_wait3A_171 = arith.constant 0 : i32
    %dma_wait3A_172 = arith.constant 0 : i32
    %dma_wait3A_173 = tpu.memref_slice %arg18[%dma_wait3A_171, %dma_wait3A_172] : memref<10240x64xf32, #tpu.memory_space<vmem_shared>> -> memref<10240x64xf32, #tpu.memory_space<vmem_shared>>
    tpu.wait_indirect_dma semaphore(%arg27 : memref<!tpu.dma_semaphore, #tpu.memory_space<semaphore_mem>>) src(%arg14 : memref<125x64xf32, #tpu.memory_space<vmem>>) dst(%dma_wait3A_173 : memref<10240x64xf32, #tpu.memory_space<vmem_shared>>)
    %dma_wait3A_174 = arith.constant 0 : i32
    %dma_wait3A_175 = arith.constant 0 : i32
    %dma_wait3A_176 = tpu.memref_slice %arg11[%dma_wait3A_174, %dma_wait3A_175] : memref<160x125xi32, #tpu.memory_space<vmem>> -> memref<1x125xi32, #tpu.memory_space<vmem>>
    %dma_wait3A_177 = tpu.memref_squeeze %dma_wait3A_176 : memref<1x125xi32, #tpu.memory_space<vmem>> -> memref<125xi32, #tpu.memory_space<vmem>>
    %dma_wait3A_178 = arith.constant 0 : i32
    %dma_wait3A_179 = arith.constant 0 : i32
    %dma_wait3A_180 = tpu.memref_slice %arg19[%dma_wait3A_178, %dma_wait3A_179] : memref<10240x8xf32, #tpu.memory_space<vmem_shared>> -> memref<10240x8xf32, #tpu.memory_space<vmem_shared>>
    tpu.wait_indirect_dma semaphore(%arg27 : memref<!tpu.dma_semaphore, #tpu.memory_space<semaphore_mem>>) src(%arg17 : memref<125x8xf32, #tpu.memory_space<vmem>>) dst(%dma_wait3A_180 : memref<10240x8xf32, #tpu.memory_space<vmem_shared>>)
    %min3A_181 = arith.constant 7 : i32
    %min3A_182 = arith.constant 159 : i32
    %min3A_183 = arith.minsi %min3A_181, %min3A_182 : i32
    %dma_start3A_184 = arith.constant 0 : i32
    %dma_start3A_185 = tpu.memref_slice %arg10[%min3A_183, %dma_start3A_184] : memref<160x125xi32, #tpu.memory_space<vmem>> -> memref<1x125xi32, #tpu.memory_space<vmem>>
    %dma_start3A_186 = tpu.memref_squeeze %dma_start3A_185 : memref<1x125xi32, #tpu.memory_space<vmem>> -> memref<125xi32, #tpu.memory_space<vmem>>
    %dma_start3A_187 = arith.constant 0 : i32
    %dma_start3A_188 = arith.constant 0 : i32
    %dma_start3A_189 = tpu.memref_slice %arg2[%dma_start3A_187, %dma_start3A_188] : memref<20000x64xf32, #tpu.memory_space<hbm>> -> memref<20000x64xf32, #tpu.memory_space<hbm>>
    tpu.enqueue_indirect_dma source(%dma_start3A_189 : memref<20000x64xf32, #tpu.memory_space<hbm>>) target(%arg14 : memref<125x64xf32, #tpu.memory_space<vmem>>) offsets(%dma_start3A_186 : memref<125xi32, #tpu.memory_space<vmem>>) semaphore(%arg22 : memref<!tpu.dma_semaphore, #tpu.memory_space<semaphore_mem>>)
    %dma_wait3A_190 = arith.constant 0 : i32
    %dma_wait3A_191 = arith.constant 0 : i32
    %dma_wait3A_192 = tpu.memref_slice %arg10[%dma_wait3A_190, %dma_wait3A_191] : memref<160x125xi32, #tpu.memory_space<vmem>> -> memref<1x125xi32, #tpu.memory_space<vmem>>
    %dma_wait3A_193 = tpu.memref_squeeze %dma_wait3A_192 : memref<1x125xi32, #tpu.memory_space<vmem>> -> memref<125xi32, #tpu.memory_space<vmem>>
    %dma_wait3A_194 = arith.constant 0 : i32
    %dma_wait3A_195 = arith.constant 0 : i32
    %dma_wait3A_196 = tpu.memref_slice %arg2[%dma_wait3A_194, %dma_wait3A_195] : memref<20000x64xf32, #tpu.memory_space<hbm>> -> memref<20000x64xf32, #tpu.memory_space<hbm>>
    tpu.wait_indirect_dma semaphore(%arg24 : memref<!tpu.dma_semaphore, #tpu.memory_space<semaphore_mem>>) src(%dma_wait3A_196 : memref<20000x64xf32, #tpu.memory_space<hbm>>) dst(%arg16 : memref<125x64xf32, #tpu.memory_space<vmem>>)
    %dma_start3A_197 = arith.constant 4 : i32
    %dma_start3A_198 = arith.constant 0 : i32
    %dma_start3A_199 = tpu.memref_slice %arg11[%dma_start3A_197, %dma_start3A_198] : memref<160x125xi32, #tpu.memory_space<vmem>> -> memref<1x125xi32, #tpu.memory_space<vmem>>
    %dma_start3A_200 = tpu.memref_squeeze %dma_start3A_199 : memref<1x125xi32, #tpu.memory_space<vmem>> -> memref<125xi32, #tpu.memory_space<vmem>>
    %dma_start3A_201 = arith.constant 0 : i32
    %dma_start3A_202 = arith.constant 0 : i32
    %dma_start3A_203 = tpu.memref_slice %arg18[%dma_start3A_201, %dma_start3A_202] : memref<10240x64xf32, #tpu.memory_space<vmem_shared>> -> memref<10240x64xf32, #tpu.memory_space<vmem_shared>>
    tpu.enqueue_indirect_dma source(%arg16 : memref<125x64xf32, #tpu.memory_space<vmem>>) target(%dma_start3A_203 : memref<10240x64xf32, #tpu.memory_space<vmem_shared>>) offsets(%dma_start3A_200 : memref<125xi32, #tpu.memory_space<vmem>>) semaphore(%arg29 : memref<!tpu.dma_semaphore, #tpu.memory_space<semaphore_mem>>) {add = true}
    %dma_start3A_204 = arith.constant 4 : i32
    %dma_start3A_205 = arith.constant 0 : i32
    %dma_start3A_206 = tpu.memref_slice %arg11[%dma_start3A_204, %dma_start3A_205] : memref<160x125xi32, #tpu.memory_space<vmem>> -> memref<1x125xi32, #tpu.memory_space<vmem>>
    %dma_start3A_207 = tpu.memref_squeeze %dma_start3A_206 : memref<1x125xi32, #tpu.memory_space<vmem>> -> memref<125xi32, #tpu.memory_space<vmem>>
    %dma_start3A_208 = arith.constant 0 : i32
    %dma_start3A_209 = arith.constant 0 : i32
    %dma_start3A_210 = tpu.memref_slice %arg19[%dma_start3A_208, %dma_start3A_209] : memref<10240x8xf32, #tpu.memory_space<vmem_shared>> -> memref<10240x8xf32, #tpu.memory_space<vmem_shared>>
    tpu.enqueue_indirect_dma source(%arg17 : memref<125x8xf32, #tpu.memory_space<vmem>>) target(%dma_start3A_210 : memref<10240x8xf32, #tpu.memory_space<vmem_shared>>) offsets(%dma_start3A_207 : memref<125xi32, #tpu.memory_space<vmem>>) semaphore(%arg29 : memref<!tpu.dma_semaphore, #tpu.memory_space<semaphore_mem>>) {add = true}
    %dma_wait3A_211 = arith.constant 0 : i32
    %dma_wait3A_212 = arith.constant 0 : i32
    %dma_wait3A_213 = tpu.memref_slice %arg11[%dma_wait3A_211, %dma_wait3A_212] : memref<160x125xi32, #tpu.memory_space<vmem>> -> memref<1x125xi32, #tpu.memory_space<vmem>>
    %dma_wait3A_214 = tpu.memref_squeeze %dma_wait3A_213 : memref<1x125xi32, #tpu.memory_space<vmem>> -> memref<125xi32, #tpu.memory_space<vmem>>
    %dma_wait3A_215 = arith.constant 0 : i32
    %dma_wait3A_216 = arith.constant 0 : i32
    %dma_wait3A_217 = tpu.memref_slice %arg18[%dma_wait3A_215, %dma_wait3A_216] : memref<10240x64xf32, #tpu.memory_space<vmem_shared>> -> memref<10240x64xf32, #tpu.memory_space<vmem_shared>>
    tpu.wait_indirect_dma semaphore(%arg28 : memref<!tpu.dma_semaphore, #tpu.memory_space<semaphore_mem>>) src(%arg15 : memref<125x64xf32, #tpu.memory_space<vmem>>) dst(%dma_wait3A_217 : memref<10240x64xf32, #tpu.memory_space<vmem_shared>>)
    %dma_wait3A_218 = arith.constant 0 : i32
    %dma_wait3A_219 = arith.constant 0 : i32
    %dma_wait3A_220 = tpu.memref_slice %arg11[%dma_wait3A_218, %dma_wait3A_219] : memref<160x125xi32, #tpu.memory_space<vmem>> -> memref<1x125xi32, #tpu.memory_space<vmem>>
    %dma_wait3A_221 = tpu.memref_squeeze %dma_wait3A_220 : memref<1x125xi32, #tpu.memory_space<vmem>> -> memref<125xi32, #tpu.memory_space<vmem>>
    %dma_wait3A_222 = arith.constant 0 : i32
    %dma_wait3A_223 = arith.constant 0 : i32
    %dma_wait3A_224 = tpu.memref_slice %arg19[%dma_wait3A_222, %dma_wait3A_223] : memref<10240x8xf32, #tpu.memory_space<vmem_shared>> -> memref<10240x8xf32, #tpu.memory_space<vmem_shared>>
    tpu.wait_indirect_dma semaphore(%arg28 : memref<!tpu.dma_semaphore, #tpu.memory_space<semaphore_mem>>) src(%arg17 : memref<125x8xf32, #tpu.memory_space<vmem>>) dst(%dma_wait3A_224 : memref<10240x8xf32, #tpu.memory_space<vmem_shared>>)
    %min3A_225 = arith.constant 8 : i32
    %min3A_226 = arith.constant 159 : i32
    %min3A_227 = arith.minsi %min3A_225, %min3A_226 : i32
    %dma_start3A_228 = arith.constant 0 : i32
    %dma_start3A_229 = tpu.memref_slice %arg10[%min3A_227, %dma_start3A_228] : memref<160x125xi32, #tpu.memory_space<vmem>> -> memref<1x125xi32, #tpu.memory_space<vmem>>
    %dma_start3A_230 = tpu.memref_squeeze %dma_start3A_229 : memref<1x125xi32, #tpu.memory_space<vmem>> -> memref<125xi32, #tpu.memory_space<vmem>>
    %dma_start3A_231 = arith.constant 0 : i32
    %dma_start3A_232 = arith.constant 0 : i32
    %dma_start3A_233 = tpu.memref_slice %arg2[%dma_start3A_231, %dma_start3A_232] : memref<20000x64xf32, #tpu.memory_space<hbm>> -> memref<20000x64xf32, #tpu.memory_space<hbm>>
    tpu.enqueue_indirect_dma source(%dma_start3A_233 : memref<20000x64xf32, #tpu.memory_space<hbm>>) target(%arg15 : memref<125x64xf32, #tpu.memory_space<vmem>>) offsets(%dma_start3A_230 : memref<125xi32, #tpu.memory_space<vmem>>) semaphore(%arg23 : memref<!tpu.dma_semaphore, #tpu.memory_space<semaphore_mem>>)
    %scan3A = arith.constant 0 : i32
    %scan3A_234 = arith.constant 1 : i32
    %scan3A_235 = arith.constant 31 : i32
    %scan3A_236 = arith.addi %scan3A_234, %scan3A_235 : i32
    %scan3A_237 = arith.constant 1 : i32
    scf.for %scan3A_290 = %scan3A_234 to %scan3A_236 step %scan3A_237  : i32 {
      %mul3A_291 = arith.constant 5 : i32
      %mul3A_292 = arith.muli %scan3A_290, %mul3A_291 : i32
      %add3A = arith.constant 0 : i32
      %add3A_293 = arith.addi %mul3A_292, %add3A : i32
      %dma_wait3A_294 = arith.constant 0 : i32
      %dma_wait3A_295 = arith.constant 0 : i32
      %dma_wait3A_296 = tpu.memref_slice %arg10[%dma_wait3A_294, %dma_wait3A_295] : memref<160x125xi32, #tpu.memory_space<vmem>> -> memref<1x125xi32, #tpu.memory_space<vmem>>
      %dma_wait3A_297 = tpu.memref_squeeze %dma_wait3A_296 : memref<1x125xi32, #tpu.memory_space<vmem>> -> memref<125xi32, #tpu.memory_space<vmem>>
      %dma_wait3A_298 = arith.constant 0 : i32
      %dma_wait3A_299 = arith.constant 0 : i32
      %dma_wait3A_300 = tpu.memref_slice %arg2[%dma_wait3A_298, %dma_wait3A_299] : memref<20000x64xf32, #tpu.memory_space<hbm>> -> memref<20000x64xf32, #tpu.memory_space<hbm>>
      tpu.wait_indirect_dma semaphore(%arg20 : memref<!tpu.dma_semaphore, #tpu.memory_space<semaphore_mem>>) src(%dma_wait3A_300 : memref<20000x64xf32, #tpu.memory_space<hbm>>) dst(%arg12 : memref<125x64xf32, #tpu.memory_space<vmem>>)
      %dma_start3A_301 = arith.constant 0 : i32
      %dma_start3A_302 = tpu.memref_slice %arg11[%add3A_293, %dma_start3A_301] : memref<160x125xi32, #tpu.memory_space<vmem>> -> memref<1x125xi32, #tpu.memory_space<vmem>>
      %dma_start3A_303 = tpu.memref_squeeze %dma_start3A_302 : memref<1x125xi32, #tpu.memory_space<vmem>> -> memref<125xi32, #tpu.memory_space<vmem>>
      %dma_start3A_304 = arith.constant 0 : i32
      %dma_start3A_305 = arith.constant 0 : i32
      %dma_start3A_306 = tpu.memref_slice %arg18[%dma_start3A_304, %dma_start3A_305] : memref<10240x64xf32, #tpu.memory_space<vmem_shared>> -> memref<10240x64xf32, #tpu.memory_space<vmem_shared>>
      tpu.enqueue_indirect_dma source(%arg12 : memref<125x64xf32, #tpu.memory_space<vmem>>) target(%dma_start3A_306 : memref<10240x64xf32, #tpu.memory_space<vmem_shared>>) offsets(%dma_start3A_303 : memref<125xi32, #tpu.memory_space<vmem>>) semaphore(%arg25 : memref<!tpu.dma_semaphore, #tpu.memory_space<semaphore_mem>>) {add = true}
      %dma_start3A_307 = arith.constant 0 : i32
      %dma_start3A_308 = tpu.memref_slice %arg11[%add3A_293, %dma_start3A_307] : memref<160x125xi32, #tpu.memory_space<vmem>> -> memref<1x125xi32, #tpu.memory_space<vmem>>
      %dma_start3A_309 = tpu.memref_squeeze %dma_start3A_308 : memref<1x125xi32, #tpu.memory_space<vmem>> -> memref<125xi32, #tpu.memory_space<vmem>>
      %dma_start3A_310 = arith.constant 0 : i32
      %dma_start3A_311 = arith.constant 0 : i32
      %dma_start3A_312 = tpu.memref_slice %arg19[%dma_start3A_310, %dma_start3A_311] : memref<10240x8xf32, #tpu.memory_space<vmem_shared>> -> memref<10240x8xf32, #tpu.memory_space<vmem_shared>>
      tpu.enqueue_indirect_dma source(%arg17 : memref<125x8xf32, #tpu.memory_space<vmem>>) target(%dma_start3A_312 : memref<10240x8xf32, #tpu.memory_space<vmem_shared>>) offsets(%dma_start3A_309 : memref<125xi32, #tpu.memory_space<vmem>>) semaphore(%arg25 : memref<!tpu.dma_semaphore, #tpu.memory_space<semaphore_mem>>) {add = true}
      %dma_wait3A_313 = arith.constant 0 : i32
      %dma_wait3A_314 = arith.constant 0 : i32
      %dma_wait3A_315 = tpu.memref_slice %arg11[%dma_wait3A_313, %dma_wait3A_314] : memref<160x125xi32, #tpu.memory_space<vmem>> -> memref<1x125xi32, #tpu.memory_space<vmem>>
      %dma_wait3A_316 = tpu.memref_squeeze %dma_wait3A_315 : memref<1x125xi32, #tpu.memory_space<vmem>> -> memref<125xi32, #tpu.memory_space<vmem>>
      %dma_wait3A_317 = arith.constant 0 : i32
      %dma_wait3A_318 = arith.constant 0 : i32
      %dma_wait3A_319 = tpu.memref_slice %arg18[%dma_wait3A_317, %dma_wait3A_318] : memref<10240x64xf32, #tpu.memory_space<vmem_shared>> -> memref<10240x64xf32, #tpu.memory_space<vmem_shared>>
      tpu.wait_indirect_dma semaphore(%arg29 : memref<!tpu.dma_semaphore, #tpu.memory_space<semaphore_mem>>) src(%arg16 : memref<125x64xf32, #tpu.memory_space<vmem>>) dst(%dma_wait3A_319 : memref<10240x64xf32, #tpu.memory_space<vmem_shared>>)
      %dma_wait3A_320 = arith.constant 0 : i32
      %dma_wait3A_321 = arith.constant 0 : i32
      %dma_wait3A_322 = tpu.memref_slice %arg11[%dma_wait3A_320, %dma_wait3A_321] : memref<160x125xi32, #tpu.memory_space<vmem>> -> memref<1x125xi32, #tpu.memory_space<vmem>>
      %dma_wait3A_323 = tpu.memref_squeeze %dma_wait3A_322 : memref<1x125xi32, #tpu.memory_space<vmem>> -> memref<125xi32, #tpu.memory_space<vmem>>
      %dma_wait3A_324 = arith.constant 0 : i32
      %dma_wait3A_325 = arith.constant 0 : i32
      %dma_wait3A_326 = tpu.memref_slice %arg19[%dma_wait3A_324, %dma_wait3A_325] : memref<10240x8xf32, #tpu.memory_space<vmem_shared>> -> memref<10240x8xf32, #tpu.memory_space<vmem_shared>>
      tpu.wait_indirect_dma semaphore(%arg29 : memref<!tpu.dma_semaphore, #tpu.memory_space<semaphore_mem>>) src(%arg17 : memref<125x8xf32, #tpu.memory_space<vmem>>) dst(%dma_wait3A_326 : memref<10240x8xf32, #tpu.memory_space<vmem_shared>>)
      %add3A_327 = arith.constant 5 : i32
      %add3A_328 = arith.addi %add3A_293, %add3A_327 : i32
      %sub3A = arith.constant 1 : i32
      %sub3A_329 = arith.subi %add3A_328, %sub3A : i32
      %min3A_330 = arith.constant 159 : i32
      %min3A_331 = arith.minsi %sub3A_329, %min3A_330 : i32
      %dma_start3A_332 = arith.constant 0 : i32
      %dma_start3A_333 = tpu.memref_slice %arg10[%min3A_331, %dma_start3A_332] : memref<160x125xi32, #tpu.memory_space<vmem>> -> memref<1x125xi32, #tpu.memory_space<vmem>>
      %dma_start3A_334 = tpu.memref_squeeze %dma_start3A_333 : memref<1x125xi32, #tpu.memory_space<vmem>> -> memref<125xi32, #tpu.memory_space<vmem>>
      %dma_start3A_335 = arith.constant 0 : i32
      %dma_start3A_336 = arith.constant 0 : i32
      %dma_start3A_337 = tpu.memref_slice %arg2[%dma_start3A_335, %dma_start3A_336] : memref<20000x64xf32, #tpu.memory_space<hbm>> -> memref<20000x64xf32, #tpu.memory_space<hbm>>
      tpu.enqueue_indirect_dma source(%dma_start3A_337 : memref<20000x64xf32, #tpu.memory_space<hbm>>) target(%arg16 : memref<125x64xf32, #tpu.memory_space<vmem>>) offsets(%dma_start3A_334 : memref<125xi32, #tpu.memory_space<vmem>>) semaphore(%arg24 : memref<!tpu.dma_semaphore, #tpu.memory_space<semaphore_mem>>)
      %mul3A_338 = arith.constant 5 : i32
      %mul3A_339 = arith.muli %scan3A_290, %mul3A_338 : i32
      %add3A_340 = arith.constant 1 : i32
      %add3A_341 = arith.addi %mul3A_339, %add3A_340 : i32
      %dma_wait3A_342 = arith.constant 0 : i32
      %dma_wait3A_343 = arith.constant 0 : i32
      %dma_wait3A_344 = tpu.memref_slice %arg10[%dma_wait3A_342, %dma_wait3A_343] : memref<160x125xi32, #tpu.memory_space<vmem>> -> memref<1x125xi32, #tpu.memory_space<vmem>>
      %dma_wait3A_345 = tpu.memref_squeeze %dma_wait3A_344 : memref<1x125xi32, #tpu.memory_space<vmem>> -> memref<125xi32, #tpu.memory_space<vmem>>
      %dma_wait3A_346 = arith.constant 0 : i32
      %dma_wait3A_347 = arith.constant 0 : i32
      %dma_wait3A_348 = tpu.memref_slice %arg2[%dma_wait3A_346, %dma_wait3A_347] : memref<20000x64xf32, #tpu.memory_space<hbm>> -> memref<20000x64xf32, #tpu.memory_space<hbm>>
      tpu.wait_indirect_dma semaphore(%arg21 : memref<!tpu.dma_semaphore, #tpu.memory_space<semaphore_mem>>) src(%dma_wait3A_348 : memref<20000x64xf32, #tpu.memory_space<hbm>>) dst(%arg13 : memref<125x64xf32, #tpu.memory_space<vmem>>)
      %dma_start3A_349 = arith.constant 0 : i32
      %dma_start3A_350 = tpu.memref_slice %arg11[%add3A_341, %dma_start3A_349] : memref<160x125xi32, #tpu.memory_space<vmem>> -> memref<1x125xi32, #tpu.memory_space<vmem>>
      %dma_start3A_351 = tpu.memref_squeeze %dma_start3A_350 : memref<1x125xi32, #tpu.memory_space<vmem>> -> memref<125xi32, #tpu.memory_space<vmem>>
      %dma_start3A_352 = arith.constant 0 : i32
      %dma_start3A_353 = arith.constant 0 : i32
      %dma_start3A_354 = tpu.memref_slice %arg18[%dma_start3A_352, %dma_start3A_353] : memref<10240x64xf32, #tpu.memory_space<vmem_shared>> -> memref<10240x64xf32, #tpu.memory_space<vmem_shared>>
      tpu.enqueue_indirect_dma source(%arg13 : memref<125x64xf32, #tpu.memory_space<vmem>>) target(%dma_start3A_354 : memref<10240x64xf32, #tpu.memory_space<vmem_shared>>) offsets(%dma_start3A_351 : memref<125xi32, #tpu.memory_space<vmem>>) semaphore(%arg26 : memref<!tpu.dma_semaphore, #tpu.memory_space<semaphore_mem>>) {add = true}
      %dma_start3A_355 = arith.constant 0 : i32
      %dma_start3A_356 = tpu.memref_slice %arg11[%add3A_341, %dma_start3A_355] : memref<160x125xi32, #tpu.memory_space<vmem>> -> memref<1x125xi32, #tpu.memory_space<vmem>>
      %dma_start3A_357 = tpu.memref_squeeze %dma_start3A_356 : memref<1x125xi32, #tpu.memory_space<vmem>> -> memref<125xi32, #tpu.memory_space<vmem>>
      %dma_start3A_358 = arith.constant 0 : i32
      %dma_start3A_359 = arith.constant 0 : i32
      %dma_start3A_360 = tpu.memref_slice %arg19[%dma_start3A_358, %dma_start3A_359] : memref<10240x8xf32, #tpu.memory_space<vmem_shared>> -> memref<10240x8xf32, #tpu.memory_space<vmem_shared>>
      tpu.enqueue_indirect_dma source(%arg17 : memref<125x8xf32, #tpu.memory_space<vmem>>) target(%dma_start3A_360 : memref<10240x8xf32, #tpu.memory_space<vmem_shared>>) offsets(%dma_start3A_357 : memref<125xi32, #tpu.memory_space<vmem>>) semaphore(%arg26 : memref<!tpu.dma_semaphore, #tpu.memory_space<semaphore_mem>>) {add = true}
      %dma_wait3A_361 = arith.constant 0 : i32
      %dma_wait3A_362 = arith.constant 0 : i32
      %dma_wait3A_363 = tpu.memref_slice %arg11[%dma_wait3A_361, %dma_wait3A_362] : memref<160x125xi32, #tpu.memory_space<vmem>> -> memref<1x125xi32, #tpu.memory_space<vmem>>
      %dma_wait3A_364 = tpu.memref_squeeze %dma_wait3A_363 : memref<1x125xi32, #tpu.memory_space<vmem>> -> memref<125xi32, #tpu.memory_space<vmem>>
      %dma_wait3A_365 = arith.constant 0 : i32
      %dma_wait3A_366 = arith.constant 0 : i32
      %dma_wait3A_367 = tpu.memref_slice %arg18[%dma_wait3A_365, %dma_wait3A_366] : memref<10240x64xf32, #tpu.memory_space<vmem_shared>> -> memref<10240x64xf32, #tpu.memory_space<vmem_shared>>
      tpu.wait_indirect_dma semaphore(%arg25 : memref<!tpu.dma_semaphore, #tpu.memory_space<semaphore_mem>>) src(%arg12 : memref<125x64xf32, #tpu.memory_space<vmem>>) dst(%dma_wait3A_367 : memref<10240x64xf32, #tpu.memory_space<vmem_shared>>)
      %dma_wait3A_368 = arith.constant 0 : i32
      %dma_wait3A_369 = arith.constant 0 : i32
      %dma_wait3A_370 = tpu.memref_slice %arg11[%dma_wait3A_368, %dma_wait3A_369] : memref<160x125xi32, #tpu.memory_space<vmem>> -> memref<1x125xi32, #tpu.memory_space<vmem>>
      %dma_wait3A_371 = tpu.memref_squeeze %dma_wait3A_370 : memref<1x125xi32, #tpu.memory_space<vmem>> -> memref<125xi32, #tpu.memory_space<vmem>>
      %dma_wait3A_372 = arith.constant 0 : i32
      %dma_wait3A_373 = arith.constant 0 : i32
      %dma_wait3A_374 = tpu.memref_slice %arg19[%dma_wait3A_372, %dma_wait3A_373] : memref<10240x8xf32, #tpu.memory_space<vmem_shared>> -> memref<10240x8xf32, #tpu.memory_space<vmem_shared>>
      tpu.wait_indirect_dma semaphore(%arg25 : memref<!tpu.dma_semaphore, #tpu.memory_space<semaphore_mem>>) src(%arg17 : memref<125x8xf32, #tpu.memory_space<vmem>>) dst(%dma_wait3A_374 : memref<10240x8xf32, #tpu.memory_space<vmem_shared>>)
      %add3A_375 = arith.constant 5 : i32
      %add3A_376 = arith.addi %add3A_341, %add3A_375 : i32
      %sub3A_377 = arith.constant 1 : i32
      %sub3A_378 = arith.subi %add3A_376, %sub3A_377 : i32
      %min3A_379 = arith.constant 159 : i32
      %min3A_380 = arith.minsi %sub3A_378, %min3A_379 : i32
      %dma_start3A_381 = arith.constant 0 : i32
      %dma_start3A_382 = tpu.memref_slice %arg10[%min3A_380, %dma_start3A_381] : memref<160x125xi32, #tpu.memory_space<vmem>> -> memref<1x125xi32, #tpu.memory_space<vmem>>
      %dma_start3A_383 = tpu.memref_squeeze %dma_start3A_382 : memref<1x125xi32, #tpu.memory_space<vmem>> -> memref<125xi32, #tpu.memory_space<vmem>>
      %dma_start3A_384 = arith.constant 0 : i32
      %dma_start3A_385 = arith.constant 0 : i32
      %dma_start3A_386 = tpu.memref_slice %arg2[%dma_start3A_384, %dma_start3A_385] : memref<20000x64xf32, #tpu.memory_space<hbm>> -> memref<20000x64xf32, #tpu.memory_space<hbm>>
      tpu.enqueue_indirect_dma source(%dma_start3A_386 : memref<20000x64xf32, #tpu.memory_space<hbm>>) target(%arg12 : memref<125x64xf32, #tpu.memory_space<vmem>>) offsets(%dma_start3A_383 : memref<125xi32, #tpu.memory_space<vmem>>) semaphore(%arg20 : memref<!tpu.dma_semaphore, #tpu.memory_space<semaphore_mem>>)
      %mul3A_387 = arith.constant 5 : i32
      %mul3A_388 = arith.muli %scan3A_290, %mul3A_387 : i32
      %add3A_389 = arith.constant 2 : i32
      %add3A_390 = arith.addi %mul3A_388, %add3A_389 : i32
      %dma_wait3A_391 = arith.constant 0 : i32
      %dma_wait3A_392 = arith.constant 0 : i32
      %dma_wait3A_393 = tpu.memref_slice %arg10[%dma_wait3A_391, %dma_wait3A_392] : memref<160x125xi32, #tpu.memory_space<vmem>> -> memref<1x125xi32, #tpu.memory_space<vmem>>
      %dma_wait3A_394 = tpu.memref_squeeze %dma_wait3A_393 : memref<1x125xi32, #tpu.memory_space<vmem>> -> memref<125xi32, #tpu.memory_space<vmem>>
      %dma_wait3A_395 = arith.constant 0 : i32
      %dma_wait3A_396 = arith.constant 0 : i32
      %dma_wait3A_397 = tpu.memref_slice %arg2[%dma_wait3A_395, %dma_wait3A_396] : memref<20000x64xf32, #tpu.memory_space<hbm>> -> memref<20000x64xf32, #tpu.memory_space<hbm>>
      tpu.wait_indirect_dma semaphore(%arg22 : memref<!tpu.dma_semaphore, #tpu.memory_space<semaphore_mem>>) src(%dma_wait3A_397 : memref<20000x64xf32, #tpu.memory_space<hbm>>) dst(%arg14 : memref<125x64xf32, #tpu.memory_space<vmem>>)
      %dma_start3A_398 = arith.constant 0 : i32
      %dma_start3A_399 = tpu.memref_slice %arg11[%add3A_390, %dma_start3A_398] : memref<160x125xi32, #tpu.memory_space<vmem>> -> memref<1x125xi32, #tpu.memory_space<vmem>>
      %dma_start3A_400 = tpu.memref_squeeze %dma_start3A_399 : memref<1x125xi32, #tpu.memory_space<vmem>> -> memref<125xi32, #tpu.memory_space<vmem>>
      %dma_start3A_401 = arith.constant 0 : i32
      %dma_start3A_402 = arith.constant 0 : i32
      %dma_start3A_403 = tpu.memref_slice %arg18[%dma_start3A_401, %dma_start3A_402] : memref<10240x64xf32, #tpu.memory_space<vmem_shared>> -> memref<10240x64xf32, #tpu.memory_space<vmem_shared>>
      tpu.enqueue_indirect_dma source(%arg14 : memref<125x64xf32, #tpu.memory_space<vmem>>) target(%dma_start3A_403 : memref<10240x64xf32, #tpu.memory_space<vmem_shared>>) offsets(%dma_start3A_400 : memref<125xi32, #tpu.memory_space<vmem>>) semaphore(%arg27 : memref<!tpu.dma_semaphore, #tpu.memory_space<semaphore_mem>>) {add = true}
      %dma_start3A_404 = arith.constant 0 : i32
      %dma_start3A_405 = tpu.memref_slice %arg11[%add3A_390, %dma_start3A_404] : memref<160x125xi32, #tpu.memory_space<vmem>> -> memref<1x125xi32, #tpu.memory_space<vmem>>
      %dma_start3A_406 = tpu.memref_squeeze %dma_start3A_405 : memref<1x125xi32, #tpu.memory_space<vmem>> -> memref<125xi32, #tpu.memory_space<vmem>>
      %dma_start3A_407 = arith.constant 0 : i32
      %dma_start3A_408 = arith.constant 0 : i32
      %dma_start3A_409 = tpu.memref_slice %arg19[%dma_start3A_407, %dma_start3A_408] : memref<10240x8xf32, #tpu.memory_space<vmem_shared>> -> memref<10240x8xf32, #tpu.memory_space<vmem_shared>>
      tpu.enqueue_indirect_dma source(%arg17 : memref<125x8xf32, #tpu.memory_space<vmem>>) target(%dma_start3A_409 : memref<10240x8xf32, #tpu.memory_space<vmem_shared>>) offsets(%dma_start3A_406 : memref<125xi32, #tpu.memory_space<vmem>>) semaphore(%arg27 : memref<!tpu.dma_semaphore, #tpu.memory_space<semaphore_mem>>) {add = true}
      %dma_wait3A_410 = arith.constant 0 : i32
      %dma_wait3A_411 = arith.constant 0 : i32
      %dma_wait3A_412 = tpu.memref_slice %arg11[%dma_wait3A_410, %dma_wait3A_411] : memref<160x125xi32, #tpu.memory_space<vmem>> -> memref<1x125xi32, #tpu.memory_space<vmem>>
      %dma_wait3A_413 = tpu.memref_squeeze %dma_wait3A_412 : memref<1x125xi32, #tpu.memory_space<vmem>> -> memref<125xi32, #tpu.memory_space<vmem>>
      %dma_wait3A_414 = arith.constant 0 : i32
      %dma_wait3A_415 = arith.constant 0 : i32
      %dma_wait3A_416 = tpu.memref_slice %arg18[%dma_wait3A_414, %dma_wait3A_415] : memref<10240x64xf32, #tpu.memory_space<vmem_shared>> -> memref<10240x64xf32, #tpu.memory_space<vmem_shared>>
      tpu.wait_indirect_dma semaphore(%arg26 : memref<!tpu.dma_semaphore, #tpu.memory_space<semaphore_mem>>) src(%arg13 : memref<125x64xf32, #tpu.memory_space<vmem>>) dst(%dma_wait3A_416 : memref<10240x64xf32, #tpu.memory_space<vmem_shared>>)
      %dma_wait3A_417 = arith.constant 0 : i32
      %dma_wait3A_418 = arith.constant 0 : i32
      %dma_wait3A_419 = tpu.memref_slice %arg11[%dma_wait3A_417, %dma_wait3A_418] : memref<160x125xi32, #tpu.memory_space<vmem>> -> memref<1x125xi32, #tpu.memory_space<vmem>>
      %dma_wait3A_420 = tpu.memref_squeeze %dma_wait3A_419 : memref<1x125xi32, #tpu.memory_space<vmem>> -> memref<125xi32, #tpu.memory_space<vmem>>
      %dma_wait3A_421 = arith.constant 0 : i32
      %dma_wait3A_422 = arith.constant 0 : i32
      %dma_wait3A_423 = tpu.memref_slice %arg19[%dma_wait3A_421, %dma_wait3A_422] : memref<10240x8xf32, #tpu.memory_space<vmem_shared>> -> memref<10240x8xf32, #tpu.memory_space<vmem_shared>>
      tpu.wait_indirect_dma semaphore(%arg26 : memref<!tpu.dma_semaphore, #tpu.memory_space<semaphore_mem>>) src(%arg17 : memref<125x8xf32, #tpu.memory_space<vmem>>) dst(%dma_wait3A_423 : memref<10240x8xf32, #tpu.memory_space<vmem_shared>>)
      %add3A_424 = arith.constant 5 : i32
      %add3A_425 = arith.addi %add3A_390, %add3A_424 : i32
      %sub3A_426 = arith.constant 1 : i32
      %sub3A_427 = arith.subi %add3A_425, %sub3A_426 : i32
      %min3A_428 = arith.constant 159 : i32
      %min3A_429 = arith.minsi %sub3A_427, %min3A_428 : i32
      %dma_start3A_430 = arith.constant 0 : i32
      %dma_start3A_431 = tpu.memref_slice %arg10[%min3A_429, %dma_start3A_430] : memref<160x125xi32, #tpu.memory_space<vmem>> -> memref<1x125xi32, #tpu.memory_space<vmem>>
      %dma_start3A_432 = tpu.memref_squeeze %dma_start3A_431 : memref<1x125xi32, #tpu.memory_space<vmem>> -> memref<125xi32, #tpu.memory_space<vmem>>
      %dma_start3A_433 = arith.constant 0 : i32
      %dma_start3A_434 = arith.constant 0 : i32
      %dma_start3A_435 = tpu.memref_slice %arg2[%dma_start3A_433, %dma_start3A_434] : memref<20000x64xf32, #tpu.memory_space<hbm>> -> memref<20000x64xf32, #tpu.memory_space<hbm>>
      tpu.enqueue_indirect_dma source(%dma_start3A_435 : memref<20000x64xf32, #tpu.memory_space<hbm>>) target(%arg13 : memref<125x64xf32, #tpu.memory_space<vmem>>) offsets(%dma_start3A_432 : memref<125xi32, #tpu.memory_space<vmem>>) semaphore(%arg21 : memref<!tpu.dma_semaphore, #tpu.memory_space<semaphore_mem>>)
      %mul3A_436 = arith.constant 5 : i32
      %mul3A_437 = arith.muli %scan3A_290, %mul3A_436 : i32
      %add3A_438 = arith.constant 3 : i32
      %add3A_439 = arith.addi %mul3A_437, %add3A_438 : i32
      %dma_wait3A_440 = arith.constant 0 : i32
      %dma_wait3A_441 = arith.constant 0 : i32
      %dma_wait3A_442 = tpu.memref_slice %arg10[%dma_wait3A_440, %dma_wait3A_441] : memref<160x125xi32, #tpu.memory_space<vmem>> -> memref<1x125xi32, #tpu.memory_space<vmem>>
      %dma_wait3A_443 = tpu.memref_squeeze %dma_wait3A_442 : memref<1x125xi32, #tpu.memory_space<vmem>> -> memref<125xi32, #tpu.memory_space<vmem>>
      %dma_wait3A_444 = arith.constant 0 : i32
      %dma_wait3A_445 = arith.constant 0 : i32
      %dma_wait3A_446 = tpu.memref_slice %arg2[%dma_wait3A_444, %dma_wait3A_445] : memref<20000x64xf32, #tpu.memory_space<hbm>> -> memref<20000x64xf32, #tpu.memory_space<hbm>>
      tpu.wait_indirect_dma semaphore(%arg23 : memref<!tpu.dma_semaphore, #tpu.memory_space<semaphore_mem>>) src(%dma_wait3A_446 : memref<20000x64xf32, #tpu.memory_space<hbm>>) dst(%arg15 : memref<125x64xf32, #tpu.memory_space<vmem>>)
      %dma_start3A_447 = arith.constant 0 : i32
      %dma_start3A_448 = tpu.memref_slice %arg11[%add3A_439, %dma_start3A_447] : memref<160x125xi32, #tpu.memory_space<vmem>> -> memref<1x125xi32, #tpu.memory_space<vmem>>
      %dma_start3A_449 = tpu.memref_squeeze %dma_start3A_448 : memref<1x125xi32, #tpu.memory_space<vmem>> -> memref<125xi32, #tpu.memory_space<vmem>>
      %dma_start3A_450 = arith.constant 0 : i32
      %dma_start3A_451 = arith.constant 0 : i32
      %dma_start3A_452 = tpu.memref_slice %arg18[%dma_start3A_450, %dma_start3A_451] : memref<10240x64xf32, #tpu.memory_space<vmem_shared>> -> memref<10240x64xf32, #tpu.memory_space<vmem_shared>>
      tpu.enqueue_indirect_dma source(%arg15 : memref<125x64xf32, #tpu.memory_space<vmem>>) target(%dma_start3A_452 : memref<10240x64xf32, #tpu.memory_space<vmem_shared>>) offsets(%dma_start3A_449 : memref<125xi32, #tpu.memory_space<vmem>>) semaphore(%arg28 : memref<!tpu.dma_semaphore, #tpu.memory_space<semaphore_mem>>) {add = true}
      %dma_start3A_453 = arith.constant 0 : i32
      %dma_start3A_454 = tpu.memref_slice %arg11[%add3A_439, %dma_start3A_453] : memref<160x125xi32, #tpu.memory_space<vmem>> -> memref<1x125xi32, #tpu.memory_space<vmem>>
      %dma_start3A_455 = tpu.memref_squeeze %dma_start3A_454 : memref<1x125xi32, #tpu.memory_space<vmem>> -> memref<125xi32, #tpu.memory_space<vmem>>
      %dma_start3A_456 = arith.constant 0 : i32
      %dma_start3A_457 = arith.constant 0 : i32
      %dma_start3A_458 = tpu.memref_slice %arg19[%dma_start3A_456, %dma_start3A_457] : memref<10240x8xf32, #tpu.memory_space<vmem_shared>> -> memref<10240x8xf32, #tpu.memory_space<vmem_shared>>
      tpu.enqueue_indirect_dma source(%arg17 : memref<125x8xf32, #tpu.memory_space<vmem>>) target(%dma_start3A_458 : memref<10240x8xf32, #tpu.memory_space<vmem_shared>>) offsets(%dma_start3A_455 : memref<125xi32, #tpu.memory_space<vmem>>) semaphore(%arg28 : memref<!tpu.dma_semaphore, #tpu.memory_space<semaphore_mem>>) {add = true}
      %dma_wait3A_459 = arith.constant 0 : i32
      %dma_wait3A_460 = arith.constant 0 : i32
      %dma_wait3A_461 = tpu.memref_slice %arg11[%dma_wait3A_459, %dma_wait3A_460] : memref<160x125xi32, #tpu.memory_space<vmem>> -> memref<1x125xi32, #tpu.memory_space<vmem>>
      %dma_wait3A_462 = tpu.memref_squeeze %dma_wait3A_461 : memref<1x125xi32, #tpu.memory_space<vmem>> -> memref<125xi32, #tpu.memory_space<vmem>>
      %dma_wait3A_463 = arith.constant 0 : i32
      %dma_wait3A_464 = arith.constant 0 : i32
      %dma_wait3A_465 = tpu.memref_slice %arg18[%dma_wait3A_463, %dma_wait3A_464] : memref<10240x64xf32, #tpu.memory_space<vmem_shared>> -> memref<10240x64xf32, #tpu.memory_space<vmem_shared>>
      tpu.wait_indirect_dma semaphore(%arg27 : memref<!tpu.dma_semaphore, #tpu.memory_space<semaphore_mem>>) src(%arg14 : memref<125x64xf32, #tpu.memory_space<vmem>>) dst(%dma_wait3A_465 : memref<10240x64xf32, #tpu.memory_space<vmem_shared>>)
      %dma_wait3A_466 = arith.constant 0 : i32
      %dma_wait3A_467 = arith.constant 0 : i32
      %dma_wait3A_468 = tpu.memref_slice %arg11[%dma_wait3A_466, %dma_wait3A_467] : memref<160x125xi32, #tpu.memory_space<vmem>> -> memref<1x125xi32, #tpu.memory_space<vmem>>
      %dma_wait3A_469 = tpu.memref_squeeze %dma_wait3A_468 : memref<1x125xi32, #tpu.memory_space<vmem>> -> memref<125xi32, #tpu.memory_space<vmem>>
      %dma_wait3A_470 = arith.constant 0 : i32
      %dma_wait3A_471 = arith.constant 0 : i32
      %dma_wait3A_472 = tpu.memref_slice %arg19[%dma_wait3A_470, %dma_wait3A_471] : memref<10240x8xf32, #tpu.memory_space<vmem_shared>> -> memref<10240x8xf32, #tpu.memory_space<vmem_shared>>
      tpu.wait_indirect_dma semaphore(%arg27 : memref<!tpu.dma_semaphore, #tpu.memory_space<semaphore_mem>>) src(%arg17 : memref<125x8xf32, #tpu.memory_space<vmem>>) dst(%dma_wait3A_472 : memref<10240x8xf32, #tpu.memory_space<vmem_shared>>)
      %add3A_473 = arith.constant 5 : i32
      %add3A_474 = arith.addi %add3A_439, %add3A_473 : i32
      %sub3A_475 = arith.constant 1 : i32
      %sub3A_476 = arith.subi %add3A_474, %sub3A_475 : i32
      %min3A_477 = arith.constant 159 : i32
      %min3A_478 = arith.minsi %sub3A_476, %min3A_477 : i32
      %dma_start3A_479 = arith.constant 0 : i32
      %dma_start3A_480 = tpu.memref_slice %arg10[%min3A_478, %dma_start3A_479] : memref<160x125xi32, #tpu.memory_space<vmem>> -> memref<1x125xi32, #tpu.memory_space<vmem>>
      %dma_start3A_481 = tpu.memref_squeeze %dma_start3A_480 : memref<1x125xi32, #tpu.memory_space<vmem>> -> memref<125xi32, #tpu.memory_space<vmem>>
      %dma_start3A_482 = arith.constant 0 : i32
      %dma_start3A_483 = arith.constant 0 : i32
      %dma_start3A_484 = tpu.memref_slice %arg2[%dma_start3A_482, %dma_start3A_483] : memref<20000x64xf32, #tpu.memory_space<hbm>> -> memref<20000x64xf32, #tpu.memory_space<hbm>>
      tpu.enqueue_indirect_dma source(%dma_start3A_484 : memref<20000x64xf32, #tpu.memory_space<hbm>>) target(%arg14 : memref<125x64xf32, #tpu.memory_space<vmem>>) offsets(%dma_start3A_481 : memref<125xi32, #tpu.memory_space<vmem>>) semaphore(%arg22 : memref<!tpu.dma_semaphore, #tpu.memory_space<semaphore_mem>>)
      %mul3A_485 = arith.constant 5 : i32
      %mul3A_486 = arith.muli %scan3A_290, %mul3A_485 : i32
      %add3A_487 = arith.constant 4 : i32
      %add3A_488 = arith.addi %mul3A_486, %add3A_487 : i32
      %dma_wait3A_489 = arith.constant 0 : i32
      %dma_wait3A_490 = arith.constant 0 : i32
      %dma_wait3A_491 = tpu.memref_slice %arg10[%dma_wait3A_489, %dma_wait3A_490] : memref<160x125xi32, #tpu.memory_space<vmem>> -> memref<1x125xi32, #tpu.memory_space<vmem>>
      %dma_wait3A_492 = tpu.memref_squeeze %dma_wait3A_491 : memref<1x125xi32, #tpu.memory_space<vmem>> -> memref<125xi32, #tpu.memory_space<vmem>>
      %dma_wait3A_493 = arith.constant 0 : i32
      %dma_wait3A_494 = arith.constant 0 : i32
      %dma_wait3A_495 = tpu.memref_slice %arg2[%dma_wait3A_493, %dma_wait3A_494] : memref<20000x64xf32, #tpu.memory_space<hbm>> -> memref<20000x64xf32, #tpu.memory_space<hbm>>
      tpu.wait_indirect_dma semaphore(%arg24 : memref<!tpu.dma_semaphore, #tpu.memory_space<semaphore_mem>>) src(%dma_wait3A_495 : memref<20000x64xf32, #tpu.memory_space<hbm>>) dst(%arg16 : memref<125x64xf32, #tpu.memory_space<vmem>>)
      %dma_start3A_496 = arith.constant 0 : i32
      %dma_start3A_497 = tpu.memref_slice %arg11[%add3A_488, %dma_start3A_496] : memref<160x125xi32, #tpu.memory_space<vmem>> -> memref<1x125xi32, #tpu.memory_space<vmem>>
      %dma_start3A_498 = tpu.memref_squeeze %dma_start3A_497 : memref<1x125xi32, #tpu.memory_space<vmem>> -> memref<125xi32, #tpu.memory_space<vmem>>
      %dma_start3A_499 = arith.constant 0 : i32
      %dma_start3A_500 = arith.constant 0 : i32
      %dma_start3A_501 = tpu.memref_slice %arg18[%dma_start3A_499, %dma_start3A_500] : memref<10240x64xf32, #tpu.memory_space<vmem_shared>> -> memref<10240x64xf32, #tpu.memory_space<vmem_shared>>
      tpu.enqueue_indirect_dma source(%arg16 : memref<125x64xf32, #tpu.memory_space<vmem>>) target(%dma_start3A_501 : memref<10240x64xf32, #tpu.memory_space<vmem_shared>>) offsets(%dma_start3A_498 : memref<125xi32, #tpu.memory_space<vmem>>) semaphore(%arg29 : memref<!tpu.dma_semaphore, #tpu.memory_space<semaphore_mem>>) {add = true}
      %dma_start3A_502 = arith.constant 0 : i32
      %dma_start3A_503 = tpu.memref_slice %arg11[%add3A_488, %dma_start3A_502] : memref<160x125xi32, #tpu.memory_space<vmem>> -> memref<1x125xi32, #tpu.memory_space<vmem>>
      %dma_start3A_504 = tpu.memref_squeeze %dma_start3A_503 : memref<1x125xi32, #tpu.memory_space<vmem>> -> memref<125xi32, #tpu.memory_space<vmem>>
      %dma_start3A_505 = arith.constant 0 : i32
      %dma_start3A_506 = arith.constant 0 : i32
      %dma_start3A_507 = tpu.memref_slice %arg19[%dma_start3A_505, %dma_start3A_506] : memref<10240x8xf32, #tpu.memory_space<vmem_shared>> -> memref<10240x8xf32, #tpu.memory_space<vmem_shared>>
      tpu.enqueue_indirect_dma source(%arg17 : memref<125x8xf32, #tpu.memory_space<vmem>>) target(%dma_start3A_507 : memref<10240x8xf32, #tpu.memory_space<vmem_shared>>) offsets(%dma_start3A_504 : memref<125xi32, #tpu.memory_space<vmem>>) semaphore(%arg29 : memref<!tpu.dma_semaphore, #tpu.memory_space<semaphore_mem>>) {add = true}
      %dma_wait3A_508 = arith.constant 0 : i32
      %dma_wait3A_509 = arith.constant 0 : i32
      %dma_wait3A_510 = tpu.memref_slice %arg11[%dma_wait3A_508, %dma_wait3A_509] : memref<160x125xi32, #tpu.memory_space<vmem>> -> memref<1x125xi32, #tpu.memory_space<vmem>>
      %dma_wait3A_511 = tpu.memref_squeeze %dma_wait3A_510 : memref<1x125xi32, #tpu.memory_space<vmem>> -> memref<125xi32, #tpu.memory_space<vmem>>
      %dma_wait3A_512 = arith.constant 0 : i32
      %dma_wait3A_513 = arith.constant 0 : i32
      %dma_wait3A_514 = tpu.memref_slice %arg18[%dma_wait3A_512, %dma_wait3A_513] : memref<10240x64xf32, #tpu.memory_space<vmem_shared>> -> memref<10240x64xf32, #tpu.memory_space<vmem_shared>>
      tpu.wait_indirect_dma semaphore(%arg28 : memref<!tpu.dma_semaphore, #tpu.memory_space<semaphore_mem>>) src(%arg15 : memref<125x64xf32, #tpu.memory_space<vmem>>) dst(%dma_wait3A_514 : memref<10240x64xf32, #tpu.memory_space<vmem_shared>>)
      %dma_wait3A_515 = arith.constant 0 : i32
      %dma_wait3A_516 = arith.constant 0 : i32
      %dma_wait3A_517 = tpu.memref_slice %arg11[%dma_wait3A_515, %dma_wait3A_516] : memref<160x125xi32, #tpu.memory_space<vmem>> -> memref<1x125xi32, #tpu.memory_space<vmem>>
      %dma_wait3A_518 = tpu.memref_squeeze %dma_wait3A_517 : memref<1x125xi32, #tpu.memory_space<vmem>> -> memref<125xi32, #tpu.memory_space<vmem>>
      %dma_wait3A_519 = arith.constant 0 : i32
      %dma_wait3A_520 = arith.constant 0 : i32
      %dma_wait3A_521 = tpu.memref_slice %arg19[%dma_wait3A_519, %dma_wait3A_520] : memref<10240x8xf32, #tpu.memory_space<vmem_shared>> -> memref<10240x8xf32, #tpu.memory_space<vmem_shared>>
      tpu.wait_indirect_dma semaphore(%arg28 : memref<!tpu.dma_semaphore, #tpu.memory_space<semaphore_mem>>) src(%arg17 : memref<125x8xf32, #tpu.memory_space<vmem>>) dst(%dma_wait3A_521 : memref<10240x8xf32, #tpu.memory_space<vmem_shared>>)
      %add3A_522 = arith.constant 5 : i32
      %add3A_523 = arith.addi %add3A_488, %add3A_522 : i32
      %sub3A_524 = arith.constant 1 : i32
      %sub3A_525 = arith.subi %add3A_523, %sub3A_524 : i32
      %min3A_526 = arith.constant 159 : i32
      %min3A_527 = arith.minsi %sub3A_525, %min3A_526 : i32
      %dma_start3A_528 = arith.constant 0 : i32
      %dma_start3A_529 = tpu.memref_slice %arg10[%min3A_527, %dma_start3A_528] : memref<160x125xi32, #tpu.memory_space<vmem>> -> memref<1x125xi32, #tpu.memory_space<vmem>>
      %dma_start3A_530 = tpu.memref_squeeze %dma_start3A_529 : memref<1x125xi32, #tpu.memory_space<vmem>> -> memref<125xi32, #tpu.memory_space<vmem>>
      %dma_start3A_531 = arith.constant 0 : i32
      %dma_start3A_532 = arith.constant 0 : i32
      %dma_start3A_533 = tpu.memref_slice %arg2[%dma_start3A_531, %dma_start3A_532] : memref<20000x64xf32, #tpu.memory_space<hbm>> -> memref<20000x64xf32, #tpu.memory_space<hbm>>
      tpu.enqueue_indirect_dma source(%dma_start3A_533 : memref<20000x64xf32, #tpu.memory_space<hbm>>) target(%arg15 : memref<125x64xf32, #tpu.memory_space<vmem>>) offsets(%dma_start3A_530 : memref<125xi32, #tpu.memory_space<vmem>>) semaphore(%arg23 : memref<!tpu.dma_semaphore, #tpu.memory_space<semaphore_mem>>)
    }
    %scan3A_238 = arith.constant 31 : i32
    %dma_wait3A_239 = arith.constant 0 : i32
    %dma_wait3A_240 = arith.constant 0 : i32
    %dma_wait3A_241 = tpu.memref_slice %arg11[%dma_wait3A_239, %dma_wait3A_240] : memref<160x125xi32, #tpu.memory_space<vmem>> -> memref<1x125xi32, #tpu.memory_space<vmem>>
    %dma_wait3A_242 = tpu.memref_squeeze %dma_wait3A_241 : memref<1x125xi32, #tpu.memory_space<vmem>> -> memref<125xi32, #tpu.memory_space<vmem>>
    %dma_wait3A_243 = arith.constant 0 : i32
    %dma_wait3A_244 = arith.constant 0 : i32
    %dma_wait3A_245 = tpu.memref_slice %arg18[%dma_wait3A_243, %dma_wait3A_244] : memref<10240x64xf32, #tpu.memory_space<vmem_shared>> -> memref<10240x64xf32, #tpu.memory_space<vmem_shared>>
    tpu.wait_indirect_dma semaphore(%arg29 : memref<!tpu.dma_semaphore, #tpu.memory_space<semaphore_mem>>) src(%arg16 : memref<125x64xf32, #tpu.memory_space<vmem>>) dst(%dma_wait3A_245 : memref<10240x64xf32, #tpu.memory_space<vmem_shared>>)
    %dma_wait3A_246 = arith.constant 0 : i32
    %dma_wait3A_247 = arith.constant 0 : i32
    %dma_wait3A_248 = tpu.memref_slice %arg11[%dma_wait3A_246, %dma_wait3A_247] : memref<160x125xi32, #tpu.memory_space<vmem>> -> memref<1x125xi32, #tpu.memory_space<vmem>>
    %dma_wait3A_249 = tpu.memref_squeeze %dma_wait3A_248 : memref<1x125xi32, #tpu.memory_space<vmem>> -> memref<125xi32, #tpu.memory_space<vmem>>
    %dma_wait3A_250 = arith.constant 0 : i32
    %dma_wait3A_251 = arith.constant 0 : i32
    %dma_wait3A_252 = tpu.memref_slice %arg19[%dma_wait3A_250, %dma_wait3A_251] : memref<10240x8xf32, #tpu.memory_space<vmem_shared>> -> memref<10240x8xf32, #tpu.memory_space<vmem_shared>>
    tpu.wait_indirect_dma semaphore(%arg29 : memref<!tpu.dma_semaphore, #tpu.memory_space<semaphore_mem>>) src(%arg17 : memref<125x8xf32, #tpu.memory_space<vmem>>) dst(%dma_wait3A_252 : memref<10240x8xf32, #tpu.memory_space<vmem_shared>>)
    %dma_wait3A_253 = arith.constant 0 : i32
    %dma_wait3A_254 = arith.constant 0 : i32
    %dma_wait3A_255 = tpu.memref_slice %arg10[%dma_wait3A_253, %dma_wait3A_254] : memref<160x125xi32, #tpu.memory_space<vmem>> -> memref<1x125xi32, #tpu.memory_space<vmem>>
    %dma_wait3A_256 = tpu.memref_squeeze %dma_wait3A_255 : memref<1x125xi32, #tpu.memory_space<vmem>> -> memref<125xi32, #tpu.memory_space<vmem>>
    %dma_wait3A_257 = arith.constant 0 : i32
    %dma_wait3A_258 = arith.constant 0 : i32
    %dma_wait3A_259 = tpu.memref_slice %arg2[%dma_wait3A_257, %dma_wait3A_258] : memref<20000x64xf32, #tpu.memory_space<hbm>> -> memref<20000x64xf32, #tpu.memory_space<hbm>>
    tpu.wait_indirect_dma semaphore(%arg20 : memref<!tpu.dma_semaphore, #tpu.memory_space<semaphore_mem>>) src(%dma_wait3A_259 : memref<20000x64xf32, #tpu.memory_space<hbm>>) dst(%arg12 : memref<125x64xf32, #tpu.memory_space<vmem>>)
    %dma_wait3A_260 = arith.constant 0 : i32
    %dma_wait3A_261 = arith.constant 0 : i32
    %dma_wait3A_262 = tpu.memref_slice %arg10[%dma_wait3A_260, %dma_wait3A_261] : memref<160x125xi32, #tpu.memory_space<vmem>> -> memref<1x125xi32, #tpu.memory_space<vmem>>
    %dma_wait3A_263 = tpu.memref_squeeze %dma_wait3A_262 : memref<1x125xi32, #tpu.memory_space<vmem>> -> memref<125xi32, #tpu.memory_space<vmem>>
    %dma_wait3A_264 = arith.constant 0 : i32
    %dma_wait3A_265 = arith.constant 0 : i32
    %dma_wait3A_266 = tpu.memref_slice %arg2[%dma_wait3A_264, %dma_wait3A_265] : memref<20000x64xf32, #tpu.memory_space<hbm>> -> memref<20000x64xf32, #tpu.memory_space<hbm>>
    tpu.wait_indirect_dma semaphore(%arg21 : memref<!tpu.dma_semaphore, #tpu.memory_space<semaphore_mem>>) src(%dma_wait3A_266 : memref<20000x64xf32, #tpu.memory_space<hbm>>) dst(%arg13 : memref<125x64xf32, #tpu.memory_space<vmem>>)
    %dma_wait3A_267 = arith.constant 0 : i32
    %dma_wait3A_268 = arith.constant 0 : i32
    %dma_wait3A_269 = tpu.memref_slice %arg10[%dma_wait3A_267, %dma_wait3A_268] : memref<160x125xi32, #tpu.memory_space<vmem>> -> memref<1x125xi32, #tpu.memory_space<vmem>>
    %dma_wait3A_270 = tpu.memref_squeeze %dma_wait3A_269 : memref<1x125xi32, #tpu.memory_space<vmem>> -> memref<125xi32, #tpu.memory_space<vmem>>
    %dma_wait3A_271 = arith.constant 0 : i32
    %dma_wait3A_272 = arith.constant 0 : i32
    %dma_wait3A_273 = tpu.memref_slice %arg2[%dma_wait3A_271, %dma_wait3A_272] : memref<20000x64xf32, #tpu.memory_space<hbm>> -> memref<20000x64xf32, #tpu.memory_space<hbm>>
    tpu.wait_indirect_dma semaphore(%arg22 : memref<!tpu.dma_semaphore, #tpu.memory_space<semaphore_mem>>) src(%dma_wait3A_273 : memref<20000x64xf32, #tpu.memory_space<hbm>>) dst(%arg14 : memref<125x64xf32, #tpu.memory_space<vmem>>)
    %dma_wait3A_274 = arith.constant 0 : i32
    %dma_wait3A_275 = arith.constant 0 : i32
    %dma_wait3A_276 = tpu.memref_slice %arg10[%dma_wait3A_274, %dma_wait3A_275] : memref<160x125xi32, #tpu.memory_space<vmem>> -> memref<1x125xi32, #tpu.memory_space<vmem>>
    %dma_wait3A_277 = tpu.memref_squeeze %dma_wait3A_276 : memref<1x125xi32, #tpu.memory_space<vmem>> -> memref<125xi32, #tpu.memory_space<vmem>>
    %dma_wait3A_278 = arith.constant 0 : i32
    %dma_wait3A_279 = arith.constant 0 : i32
    %dma_wait3A_280 = tpu.memref_slice %arg2[%dma_wait3A_278, %dma_wait3A_279] : memref<20000x64xf32, #tpu.memory_space<hbm>> -> memref<20000x64xf32, #tpu.memory_space<hbm>>
    tpu.wait_indirect_dma semaphore(%arg23 : memref<!tpu.dma_semaphore, #tpu.memory_space<semaphore_mem>>) src(%dma_wait3A_280 : memref<20000x64xf32, #tpu.memory_space<hbm>>) dst(%arg15 : memref<125x64xf32, #tpu.memory_space<vmem>>)
    %barrier3A_281 = arith.constant 0 : index
    tpu.barrier barrier_id(%barrier3A_281)
    %mul3A_282 = arith.constant 640 : i32
    %mul3A_283 = arith.muli %arg1, %mul3A_282 : i32
    %mul3A_284 = arith.constant 640 : i32
    %mul3A_285 = arith.muli %arg1, %mul3A_284 : i32
    "tpu.region"() ({
      %run_scoped3A = tpu.sem_alloc : memref<!tpu.dma_semaphore, #tpu.memory_space<semaphore_mem>>
      %dma_start3A_290 = arith.constant 0 : i32
      %dma_start3A_291 = tpu.memref_slice %arg8[%arg0, %mul3A_285, %dma_start3A_290] : memref<2x10240x64xf32, #tpu.memory_space<hbm>> -> memref<1x640x64xf32, #tpu.memory_space<hbm>>
      %dma_start3A_292 = tpu.memref_squeeze %dma_start3A_291 : memref<1x640x64xf32, #tpu.memory_space<hbm>> -> memref<640x64xf32, #tpu.memory_space<hbm>>
      %dma_start3A_293 = arith.constant 0 : i32
      %dma_start3A_294 = tpu.memref_slice %arg18[%mul3A_283, %dma_start3A_293] : memref<10240x64xf32, #tpu.memory_space<vmem_shared>> -> memref<640x64xf32, #tpu.memory_space<vmem_shared>>
      tpu.enqueue_dma source(%dma_start3A_294 : memref<640x64xf32, #tpu.memory_space<vmem_shared>>) target(%dma_start3A_292 : memref<640x64xf32, #tpu.memory_space<hbm>>) target_semaphore(%run_scoped3A : memref<!tpu.dma_semaphore, #tpu.memory_space<semaphore_mem>>)
      %dma_wait3A_295 = arith.constant 0 : i32
      %dma_wait3A_296 = tpu.memref_slice %arg8[%arg0, %mul3A_285, %dma_wait3A_295] : memref<2x10240x64xf32, #tpu.memory_space<hbm>> -> memref<1x640x64xf32, #tpu.memory_space<hbm>>
      %dma_wait3A_297 = tpu.memref_squeeze %dma_wait3A_296 : memref<1x640x64xf32, #tpu.memory_space<hbm>> -> memref<640x64xf32, #tpu.memory_space<hbm>>
      %dma_wait3A_298 = arith.constant 0 : i32
      %dma_wait3A_299 = tpu.memref_slice %arg18[%mul3A_283, %dma_wait3A_298] : memref<10240x64xf32, #tpu.memory_space<vmem_shared>> -> memref<640x64xf32, #tpu.memory_space<vmem_shared>>
      tpu.wait_dma2 semaphore(%run_scoped3A : memref<!tpu.dma_semaphore, #tpu.memory_space<semaphore_mem>>) src(%dma_wait3A_299 : memref<640x64xf32, #tpu.memory_space<vmem_shared>>) dst(%dma_wait3A_297 : memref<640x64xf32, #tpu.memory_space<hbm>>)
      tpu.yield
    }) : () -> ()
    %mul3A_286 = arith.constant 640 : i32
    %mul3A_287 = arith.muli %arg1, %mul3A_286 : i32
    %mul3A_288 = arith.constant 640 : i32
    %mul3A_289 = arith.muli %arg1, %mul3A_288 : i32
    "tpu.region"() ({
      %run_scoped3A = tpu.sem_alloc : memref<!tpu.dma_semaphore, #tpu.memory_space<semaphore_mem>>
      %dma_start3A_290 = arith.constant 0 : i32
      %dma_start3A_291 = tpu.memref_slice %arg9[%arg0, %mul3A_289, %dma_start3A_290] : memref<2x10240x8xf32, #tpu.memory_space<hbm>> -> memref<1x640x8xf32, #tpu.memory_space<hbm>>
      %dma_start3A_292 = tpu.memref_squeeze %dma_start3A_291 : memref<1x640x8xf32, #tpu.memory_space<hbm>> -> memref<640x8xf32, #tpu.memory_space<hbm>>
      %dma_start3A_293 = arith.constant 0 : i32
      %dma_start3A_294 = tpu.memref_slice %arg19[%mul3A_287, %dma_start3A_293] : memref<10240x8xf32, #tpu.memory_space<vmem_shared>> -> memref<640x8xf32, #tpu.memory_space<vmem_shared>>
      tpu.enqueue_dma source(%dma_start3A_294 : memref<640x8xf32, #tpu.memory_space<vmem_shared>>) target(%dma_start3A_292 : memref<640x8xf32, #tpu.memory_space<hbm>>) target_semaphore(%run_scoped3A : memref<!tpu.dma_semaphore, #tpu.memory_space<semaphore_mem>>)
      %dma_wait3A_295 = arith.constant 0 : i32
      %dma_wait3A_296 = tpu.memref_slice %arg9[%arg0, %mul3A_289, %dma_wait3A_295] : memref<2x10240x8xf32, #tpu.memory_space<hbm>> -> memref<1x640x8xf32, #tpu.memory_space<hbm>>
      %dma_wait3A_297 = tpu.memref_squeeze %dma_wait3A_296 : memref<1x640x8xf32, #tpu.memory_space<hbm>> -> memref<640x8xf32, #tpu.memory_space<hbm>>
      %dma_wait3A_298 = arith.constant 0 : i32
      %dma_wait3A_299 = tpu.memref_slice %arg19[%mul3A_287, %dma_wait3A_298] : memref<10240x8xf32, #tpu.memory_space<vmem_shared>> -> memref<640x8xf32, #tpu.memory_space<vmem_shared>>
      tpu.wait_dma2 semaphore(%run_scoped3A : memref<!tpu.dma_semaphore, #tpu.memory_space<semaphore_mem>>) src(%dma_wait3A_299 : memref<640x8xf32, #tpu.memory_space<vmem_shared>>) dst(%dma_wait3A_297 : memref<640x8xf32, #tpu.memory_space<hbm>>)
      tpu.yield
    }) : () -> ()
    return
  }
}

#map = affine_map<(d0, d1) -> (0, 0)>
#map1 = affine_map<(d0, d1) -> (0, 0, 0)>
module attributes {stable_mosaic.version = 14 : i64} {
  func.func @_sc_agg2(%arg0: i32, %arg1: i32, %arg2: memref<10000x40xf32, #tpu.memory_space<hbm>>, %arg3: memref<16x160x125xi32, #tpu.memory_space<hbm>>, %arg4: memref<16x160x125xi32, #tpu.memory_space<hbm>>, %arg5: memref<640x40xf32, #tpu.memory_space<hbm>>, %arg6: memref<2x10240x40xf32, #tpu.memory_space<hbm>>, %arg7: memref<80x125xi32, #tpu.memory_space<vmem>>, %arg8: memref<80x125xi32, #tpu.memory_space<vmem>>, %arg9: memref<125x40xf32, #tpu.memory_space<vmem>>, %arg10: memref<125x40xf32, #tpu.memory_space<vmem>>, %arg11: memref<125x40xf32, #tpu.memory_space<vmem>>, %arg12: memref<125x40xf32, #tpu.memory_space<vmem>>, %arg13: memref<125x40xf32, #tpu.memory_space<vmem>>, %arg14: memref<10240x40xf32, #tpu.memory_space<vmem_shared>>, %arg15: memref<!tpu.dma_semaphore, #tpu.memory_space<semaphore_mem>>, %arg16: memref<!tpu.dma_semaphore, #tpu.memory_space<semaphore_mem>>, %arg17: memref<!tpu.dma_semaphore, #tpu.memory_space<semaphore_mem>>, %arg18: memref<!tpu.dma_semaphore, #tpu.memory_space<semaphore_mem>>, %arg19: memref<!tpu.dma_semaphore, #tpu.memory_space<semaphore_mem>>, %arg20: memref<!tpu.dma_semaphore, #tpu.memory_space<semaphore_mem>>, %arg21: memref<!tpu.dma_semaphore, #tpu.memory_space<semaphore_mem>>, %arg22: memref<!tpu.dma_semaphore, #tpu.memory_space<semaphore_mem>>, %arg23: memref<!tpu.dma_semaphore, #tpu.memory_space<semaphore_mem>>, %arg24: memref<!tpu.dma_semaphore, #tpu.memory_space<semaphore_mem>>) attributes {dimension_semantics = [#tpu.dimension_semantics<core_parallel>, #tpu.dimension_semantics<subcore_parallel>], iteration_bounds = array<i64: 2, 16>, scalar_prefetch = 0 : i64, scratch_operands = 18 : i64, tpu.core_type = #tpu.core_type<sc_vector_subcore>, window_params = [{transform_indices = #map}, {transform_indices = #map1}, {transform_indices = #map1}, {transform_indices = #map}, {transform_indices = #map1}]} {
    %mul3A = arith.constant 640 : i32
    %mul3A_0 = arith.muli %arg1, %mul3A : i32
    "tpu.region"() ({
      %run_scoped3A = tpu.sem_alloc : memref<!tpu.dma_semaphore, #tpu.memory_space<semaphore_mem>>
      %dma_start3A_218 = arith.constant 0 : i32
      %dma_start3A_219 = tpu.memref_slice %arg14[%mul3A_0, %dma_start3A_218] : memref<10240x40xf32, #tpu.memory_space<vmem_shared>> -> memref<640x40xf32, #tpu.memory_space<vmem_shared>>
      tpu.enqueue_dma source(%arg5 : memref<640x40xf32, #tpu.memory_space<hbm>>) target(%dma_start3A_219 : memref<640x40xf32, #tpu.memory_space<vmem_shared>>) target_semaphore(%run_scoped3A : memref<!tpu.dma_semaphore, #tpu.memory_space<semaphore_mem>>)
      %dma_wait3A_220 = arith.constant 0 : i32
      %dma_wait3A_221 = tpu.memref_slice %arg14[%mul3A_0, %dma_wait3A_220] : memref<10240x40xf32, #tpu.memory_space<vmem_shared>> -> memref<640x40xf32, #tpu.memory_space<vmem_shared>>
      tpu.wait_dma2 semaphore(%run_scoped3A : memref<!tpu.dma_semaphore, #tpu.memory_space<semaphore_mem>>) src(%arg5 : memref<640x40xf32, #tpu.memory_space<hbm>>) dst(%dma_wait3A_221 : memref<640x40xf32, #tpu.memory_space<vmem_shared>>)
      tpu.yield
    }) : () -> ()
    %mul3A_1 = arith.constant 80 : i32
    %mul3A_2 = arith.muli %arg0, %mul3A_1 : i32
    "tpu.region"() ({
      %run_scoped3A = tpu.sem_alloc : memref<!tpu.dma_semaphore, #tpu.memory_space<semaphore_mem>>
      %dma_start3A_218 = arith.constant 0 : i32
      %dma_start3A_219 = tpu.memref_slice %arg3[%arg1, %mul3A_2, %dma_start3A_218] : memref<16x160x125xi32, #tpu.memory_space<hbm>> -> memref<1x80x125xi32, #tpu.memory_space<hbm>>
      %dma_start3A_220 = tpu.memref_squeeze %dma_start3A_219 : memref<1x80x125xi32, #tpu.memory_space<hbm>> -> memref<80x125xi32, #tpu.memory_space<hbm>>
      %dma_start3A_221 = arith.constant 0 : i32
      %dma_start3A_222 = tpu.memref_slice %arg3[%arg1, %mul3A_2, %dma_start3A_221] : memref<16x160x125xi32, #tpu.memory_space<hbm>> -> memref<1x80x125xi32, #tpu.memory_space<hbm>>
      %dma_start3A_223 = tpu.memref_squeeze %dma_start3A_222 : memref<1x80x125xi32, #tpu.memory_space<hbm>> -> memref<80x125xi32, #tpu.memory_space<hbm>>
      tpu.enqueue_dma source(%dma_start3A_223 : memref<80x125xi32, #tpu.memory_space<hbm>>) target(%arg7 : memref<80x125xi32, #tpu.memory_space<vmem>>) target_semaphore(%run_scoped3A : memref<!tpu.dma_semaphore, #tpu.memory_space<semaphore_mem>>)
      %dma_wait3A_224 = arith.constant 0 : i32
      %dma_wait3A_225 = tpu.memref_slice %arg3[%arg1, %mul3A_2, %dma_wait3A_224] : memref<16x160x125xi32, #tpu.memory_space<hbm>> -> memref<1x80x125xi32, #tpu.memory_space<hbm>>
      %dma_wait3A_226 = tpu.memref_squeeze %dma_wait3A_225 : memref<1x80x125xi32, #tpu.memory_space<hbm>> -> memref<80x125xi32, #tpu.memory_space<hbm>>
      %dma_wait3A_227 = arith.constant 0 : i32
      %dma_wait3A_228 = tpu.memref_slice %arg3[%arg1, %mul3A_2, %dma_wait3A_227] : memref<16x160x125xi32, #tpu.memory_space<hbm>> -> memref<1x80x125xi32, #tpu.memory_space<hbm>>
      %dma_wait3A_229 = tpu.memref_squeeze %dma_wait3A_228 : memref<1x80x125xi32, #tpu.memory_space<hbm>> -> memref<80x125xi32, #tpu.memory_space<hbm>>
      tpu.wait_dma2 semaphore(%run_scoped3A : memref<!tpu.dma_semaphore, #tpu.memory_space<semaphore_mem>>) src(%dma_wait3A_229 : memref<80x125xi32, #tpu.memory_space<hbm>>) dst(%arg7 : memref<80x125xi32, #tpu.memory_space<vmem>>)
      tpu.yield
    }) : () -> ()
    %mul3A_3 = arith.constant 80 : i32
    %mul3A_4 = arith.muli %arg0, %mul3A_3 : i32
    "tpu.region"() ({
      %run_scoped3A = tpu.sem_alloc : memref<!tpu.dma_semaphore, #tpu.memory_space<semaphore_mem>>
      %dma_start3A_218 = arith.constant 0 : i32
      %dma_start3A_219 = tpu.memref_slice %arg4[%arg1, %mul3A_4, %dma_start3A_218] : memref<16x160x125xi32, #tpu.memory_space<hbm>> -> memref<1x80x125xi32, #tpu.memory_space<hbm>>
      %dma_start3A_220 = tpu.memref_squeeze %dma_start3A_219 : memref<1x80x125xi32, #tpu.memory_space<hbm>> -> memref<80x125xi32, #tpu.memory_space<hbm>>
      %dma_start3A_221 = arith.constant 0 : i32
      %dma_start3A_222 = tpu.memref_slice %arg4[%arg1, %mul3A_4, %dma_start3A_221] : memref<16x160x125xi32, #tpu.memory_space<hbm>> -> memref<1x80x125xi32, #tpu.memory_space<hbm>>
      %dma_start3A_223 = tpu.memref_squeeze %dma_start3A_222 : memref<1x80x125xi32, #tpu.memory_space<hbm>> -> memref<80x125xi32, #tpu.memory_space<hbm>>
      tpu.enqueue_dma source(%dma_start3A_223 : memref<80x125xi32, #tpu.memory_space<hbm>>) target(%arg8 : memref<80x125xi32, #tpu.memory_space<vmem>>) target_semaphore(%run_scoped3A : memref<!tpu.dma_semaphore, #tpu.memory_space<semaphore_mem>>)
      %dma_wait3A_224 = arith.constant 0 : i32
      %dma_wait3A_225 = tpu.memref_slice %arg4[%arg1, %mul3A_4, %dma_wait3A_224] : memref<16x160x125xi32, #tpu.memory_space<hbm>> -> memref<1x80x125xi32, #tpu.memory_space<hbm>>
      %dma_wait3A_226 = tpu.memref_squeeze %dma_wait3A_225 : memref<1x80x125xi32, #tpu.memory_space<hbm>> -> memref<80x125xi32, #tpu.memory_space<hbm>>
      %dma_wait3A_227 = arith.constant 0 : i32
      %dma_wait3A_228 = tpu.memref_slice %arg4[%arg1, %mul3A_4, %dma_wait3A_227] : memref<16x160x125xi32, #tpu.memory_space<hbm>> -> memref<1x80x125xi32, #tpu.memory_space<hbm>>
      %dma_wait3A_229 = tpu.memref_squeeze %dma_wait3A_228 : memref<1x80x125xi32, #tpu.memory_space<hbm>> -> memref<80x125xi32, #tpu.memory_space<hbm>>
      tpu.wait_dma2 semaphore(%run_scoped3A : memref<!tpu.dma_semaphore, #tpu.memory_space<semaphore_mem>>) src(%dma_wait3A_229 : memref<80x125xi32, #tpu.memory_space<hbm>>) dst(%arg8 : memref<80x125xi32, #tpu.memory_space<vmem>>)
      tpu.yield
    }) : () -> ()
    %barrier3A = arith.constant 0 : index
    tpu.barrier barrier_id(%barrier3A)
    %dma_start3A = arith.constant 0 : i32
    %dma_start3A_5 = arith.constant 0 : i32
    %dma_start3A_6 = tpu.memref_slice %arg7[%dma_start3A, %dma_start3A_5] : memref<80x125xi32, #tpu.memory_space<vmem>> -> memref<1x125xi32, #tpu.memory_space<vmem>>
    %dma_start3A_7 = tpu.memref_squeeze %dma_start3A_6 : memref<1x125xi32, #tpu.memory_space<vmem>> -> memref<125xi32, #tpu.memory_space<vmem>>
    %dma_start3A_8 = arith.constant 0 : i32
    %dma_start3A_9 = arith.constant 0 : i32
    %dma_start3A_10 = tpu.memref_slice %arg2[%dma_start3A_8, %dma_start3A_9] : memref<10000x40xf32, #tpu.memory_space<hbm>> -> memref<10000x40xf32, #tpu.memory_space<hbm>>
    tpu.enqueue_indirect_dma source(%dma_start3A_10 : memref<10000x40xf32, #tpu.memory_space<hbm>>) target(%arg9 : memref<125x40xf32, #tpu.memory_space<vmem>>) offsets(%dma_start3A_7 : memref<125xi32, #tpu.memory_space<vmem>>) semaphore(%arg15 : memref<!tpu.dma_semaphore, #tpu.memory_space<semaphore_mem>>)
    %dma_start3A_11 = arith.constant 1 : i32
    %dma_start3A_12 = arith.constant 0 : i32
    %dma_start3A_13 = tpu.memref_slice %arg7[%dma_start3A_11, %dma_start3A_12] : memref<80x125xi32, #tpu.memory_space<vmem>> -> memref<1x125xi32, #tpu.memory_space<vmem>>
    %dma_start3A_14 = tpu.memref_squeeze %dma_start3A_13 : memref<1x125xi32, #tpu.memory_space<vmem>> -> memref<125xi32, #tpu.memory_space<vmem>>
    %dma_start3A_15 = arith.constant 0 : i32
    %dma_start3A_16 = arith.constant 0 : i32
    %dma_start3A_17 = tpu.memref_slice %arg2[%dma_start3A_15, %dma_start3A_16] : memref<10000x40xf32, #tpu.memory_space<hbm>> -> memref<10000x40xf32, #tpu.memory_space<hbm>>
    tpu.enqueue_indirect_dma source(%dma_start3A_17 : memref<10000x40xf32, #tpu.memory_space<hbm>>) target(%arg10 : memref<125x40xf32, #tpu.memory_space<vmem>>) offsets(%dma_start3A_14 : memref<125xi32, #tpu.memory_space<vmem>>) semaphore(%arg16 : memref<!tpu.dma_semaphore, #tpu.memory_space<semaphore_mem>>)
    %dma_start3A_18 = arith.constant 2 : i32
    %dma_start3A_19 = arith.constant 0 : i32
    %dma_start3A_20 = tpu.memref_slice %arg7[%dma_start3A_18, %dma_start3A_19] : memref<80x125xi32, #tpu.memory_space<vmem>> -> memref<1x125xi32, #tpu.memory_space<vmem>>
    %dma_start3A_21 = tpu.memref_squeeze %dma_start3A_20 : memref<1x125xi32, #tpu.memory_space<vmem>> -> memref<125xi32, #tpu.memory_space<vmem>>
    %dma_start3A_22 = arith.constant 0 : i32
    %dma_start3A_23 = arith.constant 0 : i32
    %dma_start3A_24 = tpu.memref_slice %arg2[%dma_start3A_22, %dma_start3A_23] : memref<10000x40xf32, #tpu.memory_space<hbm>> -> memref<10000x40xf32, #tpu.memory_space<hbm>>
    tpu.enqueue_indirect_dma source(%dma_start3A_24 : memref<10000x40xf32, #tpu.memory_space<hbm>>) target(%arg11 : memref<125x40xf32, #tpu.memory_space<vmem>>) offsets(%dma_start3A_21 : memref<125xi32, #tpu.memory_space<vmem>>) semaphore(%arg17 : memref<!tpu.dma_semaphore, #tpu.memory_space<semaphore_mem>>)
    %dma_start3A_25 = arith.constant 3 : i32
    %dma_start3A_26 = arith.constant 0 : i32
    %dma_start3A_27 = tpu.memref_slice %arg7[%dma_start3A_25, %dma_start3A_26] : memref<80x125xi32, #tpu.memory_space<vmem>> -> memref<1x125xi32, #tpu.memory_space<vmem>>
    %dma_start3A_28 = tpu.memref_squeeze %dma_start3A_27 : memref<1x125xi32, #tpu.memory_space<vmem>> -> memref<125xi32, #tpu.memory_space<vmem>>
    %dma_start3A_29 = arith.constant 0 : i32
    %dma_start3A_30 = arith.constant 0 : i32
    %dma_start3A_31 = tpu.memref_slice %arg2[%dma_start3A_29, %dma_start3A_30] : memref<10000x40xf32, #tpu.memory_space<hbm>> -> memref<10000x40xf32, #tpu.memory_space<hbm>>
    tpu.enqueue_indirect_dma source(%dma_start3A_31 : memref<10000x40xf32, #tpu.memory_space<hbm>>) target(%arg12 : memref<125x40xf32, #tpu.memory_space<vmem>>) offsets(%dma_start3A_28 : memref<125xi32, #tpu.memory_space<vmem>>) semaphore(%arg18 : memref<!tpu.dma_semaphore, #tpu.memory_space<semaphore_mem>>)
    %dma_wait3A = arith.constant 0 : i32
    %dma_wait3A_32 = arith.constant 0 : i32
    %dma_wait3A_33 = tpu.memref_slice %arg7[%dma_wait3A, %dma_wait3A_32] : memref<80x125xi32, #tpu.memory_space<vmem>> -> memref<1x125xi32, #tpu.memory_space<vmem>>
    %dma_wait3A_34 = tpu.memref_squeeze %dma_wait3A_33 : memref<1x125xi32, #tpu.memory_space<vmem>> -> memref<125xi32, #tpu.memory_space<vmem>>
    %dma_wait3A_35 = arith.constant 0 : i32
    %dma_wait3A_36 = arith.constant 0 : i32
    %dma_wait3A_37 = tpu.memref_slice %arg2[%dma_wait3A_35, %dma_wait3A_36] : memref<10000x40xf32, #tpu.memory_space<hbm>> -> memref<10000x40xf32, #tpu.memory_space<hbm>>
    tpu.wait_indirect_dma semaphore(%arg15 : memref<!tpu.dma_semaphore, #tpu.memory_space<semaphore_mem>>) src(%dma_wait3A_37 : memref<10000x40xf32, #tpu.memory_space<hbm>>) dst(%arg9 : memref<125x40xf32, #tpu.memory_space<vmem>>)
    %dma_start3A_38 = arith.constant 0 : i32
    %dma_start3A_39 = arith.constant 0 : i32
    %dma_start3A_40 = tpu.memref_slice %arg8[%dma_start3A_38, %dma_start3A_39] : memref<80x125xi32, #tpu.memory_space<vmem>> -> memref<1x125xi32, #tpu.memory_space<vmem>>
    %dma_start3A_41 = tpu.memref_squeeze %dma_start3A_40 : memref<1x125xi32, #tpu.memory_space<vmem>> -> memref<125xi32, #tpu.memory_space<vmem>>
    %dma_start3A_42 = arith.constant 0 : i32
    %dma_start3A_43 = arith.constant 0 : i32
    %dma_start3A_44 = tpu.memref_slice %arg14[%dma_start3A_42, %dma_start3A_43] : memref<10240x40xf32, #tpu.memory_space<vmem_shared>> -> memref<10240x40xf32, #tpu.memory_space<vmem_shared>>
    tpu.enqueue_indirect_dma source(%arg9 : memref<125x40xf32, #tpu.memory_space<vmem>>) target(%dma_start3A_44 : memref<10240x40xf32, #tpu.memory_space<vmem_shared>>) offsets(%dma_start3A_41 : memref<125xi32, #tpu.memory_space<vmem>>) semaphore(%arg20 : memref<!tpu.dma_semaphore, #tpu.memory_space<semaphore_mem>>) {add = true}
    %min3A = arith.constant 4 : i32
    %min3A_45 = arith.constant 79 : i32
    %min3A_46 = arith.minsi %min3A, %min3A_45 : i32
    %dma_start3A_47 = arith.constant 0 : i32
    %dma_start3A_48 = tpu.memref_slice %arg7[%min3A_46, %dma_start3A_47] : memref<80x125xi32, #tpu.memory_space<vmem>> -> memref<1x125xi32, #tpu.memory_space<vmem>>
    %dma_start3A_49 = tpu.memref_squeeze %dma_start3A_48 : memref<1x125xi32, #tpu.memory_space<vmem>> -> memref<125xi32, #tpu.memory_space<vmem>>
    %dma_start3A_50 = arith.constant 0 : i32
    %dma_start3A_51 = arith.constant 0 : i32
    %dma_start3A_52 = tpu.memref_slice %arg2[%dma_start3A_50, %dma_start3A_51] : memref<10000x40xf32, #tpu.memory_space<hbm>> -> memref<10000x40xf32, #tpu.memory_space<hbm>>
    tpu.enqueue_indirect_dma source(%dma_start3A_52 : memref<10000x40xf32, #tpu.memory_space<hbm>>) target(%arg13 : memref<125x40xf32, #tpu.memory_space<vmem>>) offsets(%dma_start3A_49 : memref<125xi32, #tpu.memory_space<vmem>>) semaphore(%arg19 : memref<!tpu.dma_semaphore, #tpu.memory_space<semaphore_mem>>)
    %dma_wait3A_53 = arith.constant 0 : i32
    %dma_wait3A_54 = arith.constant 0 : i32
    %dma_wait3A_55 = tpu.memref_slice %arg7[%dma_wait3A_53, %dma_wait3A_54] : memref<80x125xi32, #tpu.memory_space<vmem>> -> memref<1x125xi32, #tpu.memory_space<vmem>>
    %dma_wait3A_56 = tpu.memref_squeeze %dma_wait3A_55 : memref<1x125xi32, #tpu.memory_space<vmem>> -> memref<125xi32, #tpu.memory_space<vmem>>
    %dma_wait3A_57 = arith.constant 0 : i32
    %dma_wait3A_58 = arith.constant 0 : i32
    %dma_wait3A_59 = tpu.memref_slice %arg2[%dma_wait3A_57, %dma_wait3A_58] : memref<10000x40xf32, #tpu.memory_space<hbm>> -> memref<10000x40xf32, #tpu.memory_space<hbm>>
    tpu.wait_indirect_dma semaphore(%arg16 : memref<!tpu.dma_semaphore, #tpu.memory_space<semaphore_mem>>) src(%dma_wait3A_59 : memref<10000x40xf32, #tpu.memory_space<hbm>>) dst(%arg10 : memref<125x40xf32, #tpu.memory_space<vmem>>)
    %dma_start3A_60 = arith.constant 1 : i32
    %dma_start3A_61 = arith.constant 0 : i32
    %dma_start3A_62 = tpu.memref_slice %arg8[%dma_start3A_60, %dma_start3A_61] : memref<80x125xi32, #tpu.memory_space<vmem>> -> memref<1x125xi32, #tpu.memory_space<vmem>>
    %dma_start3A_63 = tpu.memref_squeeze %dma_start3A_62 : memref<1x125xi32, #tpu.memory_space<vmem>> -> memref<125xi32, #tpu.memory_space<vmem>>
    %dma_start3A_64 = arith.constant 0 : i32
    %dma_start3A_65 = arith.constant 0 : i32
    %dma_start3A_66 = tpu.memref_slice %arg14[%dma_start3A_64, %dma_start3A_65] : memref<10240x40xf32, #tpu.memory_space<vmem_shared>> -> memref<10240x40xf32, #tpu.memory_space<vmem_shared>>
    tpu.enqueue_indirect_dma source(%arg10 : memref<125x40xf32, #tpu.memory_space<vmem>>) target(%dma_start3A_66 : memref<10240x40xf32, #tpu.memory_space<vmem_shared>>) offsets(%dma_start3A_63 : memref<125xi32, #tpu.memory_space<vmem>>) semaphore(%arg21 : memref<!tpu.dma_semaphore, #tpu.memory_space<semaphore_mem>>) {add = true}
    %dma_wait3A_67 = arith.constant 0 : i32
    %dma_wait3A_68 = arith.constant 0 : i32
    %dma_wait3A_69 = tpu.memref_slice %arg8[%dma_wait3A_67, %dma_wait3A_68] : memref<80x125xi32, #tpu.memory_space<vmem>> -> memref<1x125xi32, #tpu.memory_space<vmem>>
    %dma_wait3A_70 = tpu.memref_squeeze %dma_wait3A_69 : memref<1x125xi32, #tpu.memory_space<vmem>> -> memref<125xi32, #tpu.memory_space<vmem>>
    %dma_wait3A_71 = arith.constant 0 : i32
    %dma_wait3A_72 = arith.constant 0 : i32
    %dma_wait3A_73 = tpu.memref_slice %arg14[%dma_wait3A_71, %dma_wait3A_72] : memref<10240x40xf32, #tpu.memory_space<vmem_shared>> -> memref<10240x40xf32, #tpu.memory_space<vmem_shared>>
    tpu.wait_indirect_dma semaphore(%arg20 : memref<!tpu.dma_semaphore, #tpu.memory_space<semaphore_mem>>) src(%arg9 : memref<125x40xf32, #tpu.memory_space<vmem>>) dst(%dma_wait3A_73 : memref<10240x40xf32, #tpu.memory_space<vmem_shared>>)
    %min3A_74 = arith.constant 5 : i32
    %min3A_75 = arith.constant 79 : i32
    %min3A_76 = arith.minsi %min3A_74, %min3A_75 : i32
    %dma_start3A_77 = arith.constant 0 : i32
    %dma_start3A_78 = tpu.memref_slice %arg7[%min3A_76, %dma_start3A_77] : memref<80x125xi32, #tpu.memory_space<vmem>> -> memref<1x125xi32, #tpu.memory_space<vmem>>
    %dma_start3A_79 = tpu.memref_squeeze %dma_start3A_78 : memref<1x125xi32, #tpu.memory_space<vmem>> -> memref<125xi32, #tpu.memory_space<vmem>>
    %dma_start3A_80 = arith.constant 0 : i32
    %dma_start3A_81 = arith.constant 0 : i32
    %dma_start3A_82 = tpu.memref_slice %arg2[%dma_start3A_80, %dma_start3A_81] : memref<10000x40xf32, #tpu.memory_space<hbm>> -> memref<10000x40xf32, #tpu.memory_space<hbm>>
    tpu.enqueue_indirect_dma source(%dma_start3A_82 : memref<10000x40xf32, #tpu.memory_space<hbm>>) target(%arg9 : memref<125x40xf32, #tpu.memory_space<vmem>>) offsets(%dma_start3A_79 : memref<125xi32, #tpu.memory_space<vmem>>) semaphore(%arg15 : memref<!tpu.dma_semaphore, #tpu.memory_space<semaphore_mem>>)
    %dma_wait3A_83 = arith.constant 0 : i32
    %dma_wait3A_84 = arith.constant 0 : i32
    %dma_wait3A_85 = tpu.memref_slice %arg7[%dma_wait3A_83, %dma_wait3A_84] : memref<80x125xi32, #tpu.memory_space<vmem>> -> memref<1x125xi32, #tpu.memory_space<vmem>>
    %dma_wait3A_86 = tpu.memref_squeeze %dma_wait3A_85 : memref<1x125xi32, #tpu.memory_space<vmem>> -> memref<125xi32, #tpu.memory_space<vmem>>
    %dma_wait3A_87 = arith.constant 0 : i32
    %dma_wait3A_88 = arith.constant 0 : i32
    %dma_wait3A_89 = tpu.memref_slice %arg2[%dma_wait3A_87, %dma_wait3A_88] : memref<10000x40xf32, #tpu.memory_space<hbm>> -> memref<10000x40xf32, #tpu.memory_space<hbm>>
    tpu.wait_indirect_dma semaphore(%arg17 : memref<!tpu.dma_semaphore, #tpu.memory_space<semaphore_mem>>) src(%dma_wait3A_89 : memref<10000x40xf32, #tpu.memory_space<hbm>>) dst(%arg11 : memref<125x40xf32, #tpu.memory_space<vmem>>)
    %dma_start3A_90 = arith.constant 2 : i32
    %dma_start3A_91 = arith.constant 0 : i32
    %dma_start3A_92 = tpu.memref_slice %arg8[%dma_start3A_90, %dma_start3A_91] : memref<80x125xi32, #tpu.memory_space<vmem>> -> memref<1x125xi32, #tpu.memory_space<vmem>>
    %dma_start3A_93 = tpu.memref_squeeze %dma_start3A_92 : memref<1x125xi32, #tpu.memory_space<vmem>> -> memref<125xi32, #tpu.memory_space<vmem>>
    %dma_start3A_94 = arith.constant 0 : i32
    %dma_start3A_95 = arith.constant 0 : i32
    %dma_start3A_96 = tpu.memref_slice %arg14[%dma_start3A_94, %dma_start3A_95] : memref<10240x40xf32, #tpu.memory_space<vmem_shared>> -> memref<10240x40xf32, #tpu.memory_space<vmem_shared>>
    tpu.enqueue_indirect_dma source(%arg11 : memref<125x40xf32, #tpu.memory_space<vmem>>) target(%dma_start3A_96 : memref<10240x40xf32, #tpu.memory_space<vmem_shared>>) offsets(%dma_start3A_93 : memref<125xi32, #tpu.memory_space<vmem>>) semaphore(%arg22 : memref<!tpu.dma_semaphore, #tpu.memory_space<semaphore_mem>>) {add = true}
    %dma_wait3A_97 = arith.constant 0 : i32
    %dma_wait3A_98 = arith.constant 0 : i32
    %dma_wait3A_99 = tpu.memref_slice %arg8[%dma_wait3A_97, %dma_wait3A_98] : memref<80x125xi32, #tpu.memory_space<vmem>> -> memref<1x125xi32, #tpu.memory_space<vmem>>
    %dma_wait3A_100 = tpu.memref_squeeze %dma_wait3A_99 : memref<1x125xi32, #tpu.memory_space<vmem>> -> memref<125xi32, #tpu.memory_space<vmem>>
    %dma_wait3A_101 = arith.constant 0 : i32
    %dma_wait3A_102 = arith.constant 0 : i32
    %dma_wait3A_103 = tpu.memref_slice %arg14[%dma_wait3A_101, %dma_wait3A_102] : memref<10240x40xf32, #tpu.memory_space<vmem_shared>> -> memref<10240x40xf32, #tpu.memory_space<vmem_shared>>
    tpu.wait_indirect_dma semaphore(%arg21 : memref<!tpu.dma_semaphore, #tpu.memory_space<semaphore_mem>>) src(%arg10 : memref<125x40xf32, #tpu.memory_space<vmem>>) dst(%dma_wait3A_103 : memref<10240x40xf32, #tpu.memory_space<vmem_shared>>)
    %min3A_104 = arith.constant 6 : i32
    %min3A_105 = arith.constant 79 : i32
    %min3A_106 = arith.minsi %min3A_104, %min3A_105 : i32
    %dma_start3A_107 = arith.constant 0 : i32
    %dma_start3A_108 = tpu.memref_slice %arg7[%min3A_106, %dma_start3A_107] : memref<80x125xi32, #tpu.memory_space<vmem>> -> memref<1x125xi32, #tpu.memory_space<vmem>>
    %dma_start3A_109 = tpu.memref_squeeze %dma_start3A_108 : memref<1x125xi32, #tpu.memory_space<vmem>> -> memref<125xi32, #tpu.memory_space<vmem>>
    %dma_start3A_110 = arith.constant 0 : i32
    %dma_start3A_111 = arith.constant 0 : i32
    %dma_start3A_112 = tpu.memref_slice %arg2[%dma_start3A_110, %dma_start3A_111] : memref<10000x40xf32, #tpu.memory_space<hbm>> -> memref<10000x40xf32, #tpu.memory_space<hbm>>
    tpu.enqueue_indirect_dma source(%dma_start3A_112 : memref<10000x40xf32, #tpu.memory_space<hbm>>) target(%arg10 : memref<125x40xf32, #tpu.memory_space<vmem>>) offsets(%dma_start3A_109 : memref<125xi32, #tpu.memory_space<vmem>>) semaphore(%arg16 : memref<!tpu.dma_semaphore, #tpu.memory_space<semaphore_mem>>)
    %dma_wait3A_113 = arith.constant 0 : i32
    %dma_wait3A_114 = arith.constant 0 : i32
    %dma_wait3A_115 = tpu.memref_slice %arg7[%dma_wait3A_113, %dma_wait3A_114] : memref<80x125xi32, #tpu.memory_space<vmem>> -> memref<1x125xi32, #tpu.memory_space<vmem>>
    %dma_wait3A_116 = tpu.memref_squeeze %dma_wait3A_115 : memref<1x125xi32, #tpu.memory_space<vmem>> -> memref<125xi32, #tpu.memory_space<vmem>>
    %dma_wait3A_117 = arith.constant 0 : i32
    %dma_wait3A_118 = arith.constant 0 : i32
    %dma_wait3A_119 = tpu.memref_slice %arg2[%dma_wait3A_117, %dma_wait3A_118] : memref<10000x40xf32, #tpu.memory_space<hbm>> -> memref<10000x40xf32, #tpu.memory_space<hbm>>
    tpu.wait_indirect_dma semaphore(%arg18 : memref<!tpu.dma_semaphore, #tpu.memory_space<semaphore_mem>>) src(%dma_wait3A_119 : memref<10000x40xf32, #tpu.memory_space<hbm>>) dst(%arg12 : memref<125x40xf32, #tpu.memory_space<vmem>>)
    %dma_start3A_120 = arith.constant 3 : i32
    %dma_start3A_121 = arith.constant 0 : i32
    %dma_start3A_122 = tpu.memref_slice %arg8[%dma_start3A_120, %dma_start3A_121] : memref<80x125xi32, #tpu.memory_space<vmem>> -> memref<1x125xi32, #tpu.memory_space<vmem>>
    %dma_start3A_123 = tpu.memref_squeeze %dma_start3A_122 : memref<1x125xi32, #tpu.memory_space<vmem>> -> memref<125xi32, #tpu.memory_space<vmem>>
    %dma_start3A_124 = arith.constant 0 : i32
    %dma_start3A_125 = arith.constant 0 : i32
    %dma_start3A_126 = tpu.memref_slice %arg14[%dma_start3A_124, %dma_start3A_125] : memref<10240x40xf32, #tpu.memory_space<vmem_shared>> -> memref<10240x40xf32, #tpu.memory_space<vmem_shared>>
    tpu.enqueue_indirect_dma source(%arg12 : memref<125x40xf32, #tpu.memory_space<vmem>>) target(%dma_start3A_126 : memref<10240x40xf32, #tpu.memory_space<vmem_shared>>) offsets(%dma_start3A_123 : memref<125xi32, #tpu.memory_space<vmem>>) semaphore(%arg23 : memref<!tpu.dma_semaphore, #tpu.memory_space<semaphore_mem>>) {add = true}
    %dma_wait3A_127 = arith.constant 0 : i32
    %dma_wait3A_128 = arith.constant 0 : i32
    %dma_wait3A_129 = tpu.memref_slice %arg8[%dma_wait3A_127, %dma_wait3A_128] : memref<80x125xi32, #tpu.memory_space<vmem>> -> memref<1x125xi32, #tpu.memory_space<vmem>>
    %dma_wait3A_130 = tpu.memref_squeeze %dma_wait3A_129 : memref<1x125xi32, #tpu.memory_space<vmem>> -> memref<125xi32, #tpu.memory_space<vmem>>
    %dma_wait3A_131 = arith.constant 0 : i32
    %dma_wait3A_132 = arith.constant 0 : i32
    %dma_wait3A_133 = tpu.memref_slice %arg14[%dma_wait3A_131, %dma_wait3A_132] : memref<10240x40xf32, #tpu.memory_space<vmem_shared>> -> memref<10240x40xf32, #tpu.memory_space<vmem_shared>>
    tpu.wait_indirect_dma semaphore(%arg22 : memref<!tpu.dma_semaphore, #tpu.memory_space<semaphore_mem>>) src(%arg11 : memref<125x40xf32, #tpu.memory_space<vmem>>) dst(%dma_wait3A_133 : memref<10240x40xf32, #tpu.memory_space<vmem_shared>>)
    %min3A_134 = arith.constant 7 : i32
    %min3A_135 = arith.constant 79 : i32
    %min3A_136 = arith.minsi %min3A_134, %min3A_135 : i32
    %dma_start3A_137 = arith.constant 0 : i32
    %dma_start3A_138 = tpu.memref_slice %arg7[%min3A_136, %dma_start3A_137] : memref<80x125xi32, #tpu.memory_space<vmem>> -> memref<1x125xi32, #tpu.memory_space<vmem>>
    %dma_start3A_139 = tpu.memref_squeeze %dma_start3A_138 : memref<1x125xi32, #tpu.memory_space<vmem>> -> memref<125xi32, #tpu.memory_space<vmem>>
    %dma_start3A_140 = arith.constant 0 : i32
    %dma_start3A_141 = arith.constant 0 : i32
    %dma_start3A_142 = tpu.memref_slice %arg2[%dma_start3A_140, %dma_start3A_141] : memref<10000x40xf32, #tpu.memory_space<hbm>> -> memref<10000x40xf32, #tpu.memory_space<hbm>>
    tpu.enqueue_indirect_dma source(%dma_start3A_142 : memref<10000x40xf32, #tpu.memory_space<hbm>>) target(%arg11 : memref<125x40xf32, #tpu.memory_space<vmem>>) offsets(%dma_start3A_139 : memref<125xi32, #tpu.memory_space<vmem>>) semaphore(%arg17 : memref<!tpu.dma_semaphore, #tpu.memory_space<semaphore_mem>>)
    %dma_wait3A_143 = arith.constant 0 : i32
    %dma_wait3A_144 = arith.constant 0 : i32
    %dma_wait3A_145 = tpu.memref_slice %arg7[%dma_wait3A_143, %dma_wait3A_144] : memref<80x125xi32, #tpu.memory_space<vmem>> -> memref<1x125xi32, #tpu.memory_space<vmem>>
    %dma_wait3A_146 = tpu.memref_squeeze %dma_wait3A_145 : memref<1x125xi32, #tpu.memory_space<vmem>> -> memref<125xi32, #tpu.memory_space<vmem>>
    %dma_wait3A_147 = arith.constant 0 : i32
    %dma_wait3A_148 = arith.constant 0 : i32
    %dma_wait3A_149 = tpu.memref_slice %arg2[%dma_wait3A_147, %dma_wait3A_148] : memref<10000x40xf32, #tpu.memory_space<hbm>> -> memref<10000x40xf32, #tpu.memory_space<hbm>>
    tpu.wait_indirect_dma semaphore(%arg19 : memref<!tpu.dma_semaphore, #tpu.memory_space<semaphore_mem>>) src(%dma_wait3A_149 : memref<10000x40xf32, #tpu.memory_space<hbm>>) dst(%arg13 : memref<125x40xf32, #tpu.memory_space<vmem>>)
    %dma_start3A_150 = arith.constant 4 : i32
    %dma_start3A_151 = arith.constant 0 : i32
    %dma_start3A_152 = tpu.memref_slice %arg8[%dma_start3A_150, %dma_start3A_151] : memref<80x125xi32, #tpu.memory_space<vmem>> -> memref<1x125xi32, #tpu.memory_space<vmem>>
    %dma_start3A_153 = tpu.memref_squeeze %dma_start3A_152 : memref<1x125xi32, #tpu.memory_space<vmem>> -> memref<125xi32, #tpu.memory_space<vmem>>
    %dma_start3A_154 = arith.constant 0 : i32
    %dma_start3A_155 = arith.constant 0 : i32
    %dma_start3A_156 = tpu.memref_slice %arg14[%dma_start3A_154, %dma_start3A_155] : memref<10240x40xf32, #tpu.memory_space<vmem_shared>> -> memref<10240x40xf32, #tpu.memory_space<vmem_shared>>
    tpu.enqueue_indirect_dma source(%arg13 : memref<125x40xf32, #tpu.memory_space<vmem>>) target(%dma_start3A_156 : memref<10240x40xf32, #tpu.memory_space<vmem_shared>>) offsets(%dma_start3A_153 : memref<125xi32, #tpu.memory_space<vmem>>) semaphore(%arg24 : memref<!tpu.dma_semaphore, #tpu.memory_space<semaphore_mem>>) {add = true}
    %dma_wait3A_157 = arith.constant 0 : i32
    %dma_wait3A_158 = arith.constant 0 : i32
    %dma_wait3A_159 = tpu.memref_slice %arg8[%dma_wait3A_157, %dma_wait3A_158] : memref<80x125xi32, #tpu.memory_space<vmem>> -> memref<1x125xi32, #tpu.memory_space<vmem>>
    %dma_wait3A_160 = tpu.memref_squeeze %dma_wait3A_159 : memref<1x125xi32, #tpu.memory_space<vmem>> -> memref<125xi32, #tpu.memory_space<vmem>>
    %dma_wait3A_161 = arith.constant 0 : i32
    %dma_wait3A_162 = arith.constant 0 : i32
    %dma_wait3A_163 = tpu.memref_slice %arg14[%dma_wait3A_161, %dma_wait3A_162] : memref<10240x40xf32, #tpu.memory_space<vmem_shared>> -> memref<10240x40xf32, #tpu.memory_space<vmem_shared>>
    tpu.wait_indirect_dma semaphore(%arg23 : memref<!tpu.dma_semaphore, #tpu.memory_space<semaphore_mem>>) src(%arg12 : memref<125x40xf32, #tpu.memory_space<vmem>>) dst(%dma_wait3A_163 : memref<10240x40xf32, #tpu.memory_space<vmem_shared>>)
    %min3A_164 = arith.constant 8 : i32
    %min3A_165 = arith.constant 79 : i32
    %min3A_166 = arith.minsi %min3A_164, %min3A_165 : i32
    %dma_start3A_167 = arith.constant 0 : i32
    %dma_start3A_168 = tpu.memref_slice %arg7[%min3A_166, %dma_start3A_167] : memref<80x125xi32, #tpu.memory_space<vmem>> -> memref<1x125xi32, #tpu.memory_space<vmem>>
    %dma_start3A_169 = tpu.memref_squeeze %dma_start3A_168 : memref<1x125xi32, #tpu.memory_space<vmem>> -> memref<125xi32, #tpu.memory_space<vmem>>
    %dma_start3A_170 = arith.constant 0 : i32
    %dma_start3A_171 = arith.constant 0 : i32
    %dma_start3A_172 = tpu.memref_slice %arg2[%dma_start3A_170, %dma_start3A_171] : memref<10000x40xf32, #tpu.memory_space<hbm>> -> memref<10000x40xf32, #tpu.memory_space<hbm>>
    tpu.enqueue_indirect_dma source(%dma_start3A_172 : memref<10000x40xf32, #tpu.memory_space<hbm>>) target(%arg12 : memref<125x40xf32, #tpu.memory_space<vmem>>) offsets(%dma_start3A_169 : memref<125xi32, #tpu.memory_space<vmem>>) semaphore(%arg18 : memref<!tpu.dma_semaphore, #tpu.memory_space<semaphore_mem>>)
    %scan3A = arith.constant 0 : i32
    %scan3A_173 = arith.constant 1 : i32
    %scan3A_174 = arith.constant 15 : i32
    %scan3A_175 = arith.addi %scan3A_173, %scan3A_174 : i32
    %scan3A_176 = arith.constant 1 : i32
    scf.for %scan3A_218 = %scan3A_173 to %scan3A_175 step %scan3A_176  : i32 {
      %mul3A_219 = arith.constant 5 : i32
      %mul3A_220 = arith.muli %scan3A_218, %mul3A_219 : i32
      %add3A = arith.constant 0 : i32
      %add3A_221 = arith.addi %mul3A_220, %add3A : i32
      %dma_wait3A_222 = arith.constant 0 : i32
      %dma_wait3A_223 = arith.constant 0 : i32
      %dma_wait3A_224 = tpu.memref_slice %arg7[%dma_wait3A_222, %dma_wait3A_223] : memref<80x125xi32, #tpu.memory_space<vmem>> -> memref<1x125xi32, #tpu.memory_space<vmem>>
      %dma_wait3A_225 = tpu.memref_squeeze %dma_wait3A_224 : memref<1x125xi32, #tpu.memory_space<vmem>> -> memref<125xi32, #tpu.memory_space<vmem>>
      %dma_wait3A_226 = arith.constant 0 : i32
      %dma_wait3A_227 = arith.constant 0 : i32
      %dma_wait3A_228 = tpu.memref_slice %arg2[%dma_wait3A_226, %dma_wait3A_227] : memref<10000x40xf32, #tpu.memory_space<hbm>> -> memref<10000x40xf32, #tpu.memory_space<hbm>>
      tpu.wait_indirect_dma semaphore(%arg15 : memref<!tpu.dma_semaphore, #tpu.memory_space<semaphore_mem>>) src(%dma_wait3A_228 : memref<10000x40xf32, #tpu.memory_space<hbm>>) dst(%arg9 : memref<125x40xf32, #tpu.memory_space<vmem>>)
      %dma_start3A_229 = arith.constant 0 : i32
      %dma_start3A_230 = tpu.memref_slice %arg8[%add3A_221, %dma_start3A_229] : memref<80x125xi32, #tpu.memory_space<vmem>> -> memref<1x125xi32, #tpu.memory_space<vmem>>
      %dma_start3A_231 = tpu.memref_squeeze %dma_start3A_230 : memref<1x125xi32, #tpu.memory_space<vmem>> -> memref<125xi32, #tpu.memory_space<vmem>>
      %dma_start3A_232 = arith.constant 0 : i32
      %dma_start3A_233 = arith.constant 0 : i32
      %dma_start3A_234 = tpu.memref_slice %arg14[%dma_start3A_232, %dma_start3A_233] : memref<10240x40xf32, #tpu.memory_space<vmem_shared>> -> memref<10240x40xf32, #tpu.memory_space<vmem_shared>>
      tpu.enqueue_indirect_dma source(%arg9 : memref<125x40xf32, #tpu.memory_space<vmem>>) target(%dma_start3A_234 : memref<10240x40xf32, #tpu.memory_space<vmem_shared>>) offsets(%dma_start3A_231 : memref<125xi32, #tpu.memory_space<vmem>>) semaphore(%arg20 : memref<!tpu.dma_semaphore, #tpu.memory_space<semaphore_mem>>) {add = true}
      %dma_wait3A_235 = arith.constant 0 : i32
      %dma_wait3A_236 = arith.constant 0 : i32
      %dma_wait3A_237 = tpu.memref_slice %arg8[%dma_wait3A_235, %dma_wait3A_236] : memref<80x125xi32, #tpu.memory_space<vmem>> -> memref<1x125xi32, #tpu.memory_space<vmem>>
      %dma_wait3A_238 = tpu.memref_squeeze %dma_wait3A_237 : memref<1x125xi32, #tpu.memory_space<vmem>> -> memref<125xi32, #tpu.memory_space<vmem>>
      %dma_wait3A_239 = arith.constant 0 : i32
      %dma_wait3A_240 = arith.constant 0 : i32
      %dma_wait3A_241 = tpu.memref_slice %arg14[%dma_wait3A_239, %dma_wait3A_240] : memref<10240x40xf32, #tpu.memory_space<vmem_shared>> -> memref<10240x40xf32, #tpu.memory_space<vmem_shared>>
      tpu.wait_indirect_dma semaphore(%arg24 : memref<!tpu.dma_semaphore, #tpu.memory_space<semaphore_mem>>) src(%arg13 : memref<125x40xf32, #tpu.memory_space<vmem>>) dst(%dma_wait3A_241 : memref<10240x40xf32, #tpu.memory_space<vmem_shared>>)
      %add3A_242 = arith.constant 5 : i32
      %add3A_243 = arith.addi %add3A_221, %add3A_242 : i32
      %sub3A = arith.constant 1 : i32
      %sub3A_244 = arith.subi %add3A_243, %sub3A : i32
      %min3A_245 = arith.constant 79 : i32
      %min3A_246 = arith.minsi %sub3A_244, %min3A_245 : i32
      %dma_start3A_247 = arith.constant 0 : i32
      %dma_start3A_248 = tpu.memref_slice %arg7[%min3A_246, %dma_start3A_247] : memref<80x125xi32, #tpu.memory_space<vmem>> -> memref<1x125xi32, #tpu.memory_space<vmem>>
      %dma_start3A_249 = tpu.memref_squeeze %dma_start3A_248 : memref<1x125xi32, #tpu.memory_space<vmem>> -> memref<125xi32, #tpu.memory_space<vmem>>
      %dma_start3A_250 = arith.constant 0 : i32
      %dma_start3A_251 = arith.constant 0 : i32
      %dma_start3A_252 = tpu.memref_slice %arg2[%dma_start3A_250, %dma_start3A_251] : memref<10000x40xf32, #tpu.memory_space<hbm>> -> memref<10000x40xf32, #tpu.memory_space<hbm>>
      tpu.enqueue_indirect_dma source(%dma_start3A_252 : memref<10000x40xf32, #tpu.memory_space<hbm>>) target(%arg13 : memref<125x40xf32, #tpu.memory_space<vmem>>) offsets(%dma_start3A_249 : memref<125xi32, #tpu.memory_space<vmem>>) semaphore(%arg19 : memref<!tpu.dma_semaphore, #tpu.memory_space<semaphore_mem>>)
      %mul3A_253 = arith.constant 5 : i32
      %mul3A_254 = arith.muli %scan3A_218, %mul3A_253 : i32
      %add3A_255 = arith.constant 1 : i32
      %add3A_256 = arith.addi %mul3A_254, %add3A_255 : i32
      %dma_wait3A_257 = arith.constant 0 : i32
      %dma_wait3A_258 = arith.constant 0 : i32
      %dma_wait3A_259 = tpu.memref_slice %arg7[%dma_wait3A_257, %dma_wait3A_258] : memref<80x125xi32, #tpu.memory_space<vmem>> -> memref<1x125xi32, #tpu.memory_space<vmem>>
      %dma_wait3A_260 = tpu.memref_squeeze %dma_wait3A_259 : memref<1x125xi32, #tpu.memory_space<vmem>> -> memref<125xi32, #tpu.memory_space<vmem>>
      %dma_wait3A_261 = arith.constant 0 : i32
      %dma_wait3A_262 = arith.constant 0 : i32
      %dma_wait3A_263 = tpu.memref_slice %arg2[%dma_wait3A_261, %dma_wait3A_262] : memref<10000x40xf32, #tpu.memory_space<hbm>> -> memref<10000x40xf32, #tpu.memory_space<hbm>>
      tpu.wait_indirect_dma semaphore(%arg16 : memref<!tpu.dma_semaphore, #tpu.memory_space<semaphore_mem>>) src(%dma_wait3A_263 : memref<10000x40xf32, #tpu.memory_space<hbm>>) dst(%arg10 : memref<125x40xf32, #tpu.memory_space<vmem>>)
      %dma_start3A_264 = arith.constant 0 : i32
      %dma_start3A_265 = tpu.memref_slice %arg8[%add3A_256, %dma_start3A_264] : memref<80x125xi32, #tpu.memory_space<vmem>> -> memref<1x125xi32, #tpu.memory_space<vmem>>
      %dma_start3A_266 = tpu.memref_squeeze %dma_start3A_265 : memref<1x125xi32, #tpu.memory_space<vmem>> -> memref<125xi32, #tpu.memory_space<vmem>>
      %dma_start3A_267 = arith.constant 0 : i32
      %dma_start3A_268 = arith.constant 0 : i32
      %dma_start3A_269 = tpu.memref_slice %arg14[%dma_start3A_267, %dma_start3A_268] : memref<10240x40xf32, #tpu.memory_space<vmem_shared>> -> memref<10240x40xf32, #tpu.memory_space<vmem_shared>>
      tpu.enqueue_indirect_dma source(%arg10 : memref<125x40xf32, #tpu.memory_space<vmem>>) target(%dma_start3A_269 : memref<10240x40xf32, #tpu.memory_space<vmem_shared>>) offsets(%dma_start3A_266 : memref<125xi32, #tpu.memory_space<vmem>>) semaphore(%arg21 : memref<!tpu.dma_semaphore, #tpu.memory_space<semaphore_mem>>) {add = true}
      %dma_wait3A_270 = arith.constant 0 : i32
      %dma_wait3A_271 = arith.constant 0 : i32
      %dma_wait3A_272 = tpu.memref_slice %arg8[%dma_wait3A_270, %dma_wait3A_271] : memref<80x125xi32, #tpu.memory_space<vmem>> -> memref<1x125xi32, #tpu.memory_space<vmem>>
      %dma_wait3A_273 = tpu.memref_squeeze %dma_wait3A_272 : memref<1x125xi32, #tpu.memory_space<vmem>> -> memref<125xi32, #tpu.memory_space<vmem>>
      %dma_wait3A_274 = arith.constant 0 : i32
      %dma_wait3A_275 = arith.constant 0 : i32
      %dma_wait3A_276 = tpu.memref_slice %arg14[%dma_wait3A_274, %dma_wait3A_275] : memref<10240x40xf32, #tpu.memory_space<vmem_shared>> -> memref<10240x40xf32, #tpu.memory_space<vmem_shared>>
      tpu.wait_indirect_dma semaphore(%arg20 : memref<!tpu.dma_semaphore, #tpu.memory_space<semaphore_mem>>) src(%arg9 : memref<125x40xf32, #tpu.memory_space<vmem>>) dst(%dma_wait3A_276 : memref<10240x40xf32, #tpu.memory_space<vmem_shared>>)
      %add3A_277 = arith.constant 5 : i32
      %add3A_278 = arith.addi %add3A_256, %add3A_277 : i32
      %sub3A_279 = arith.constant 1 : i32
      %sub3A_280 = arith.subi %add3A_278, %sub3A_279 : i32
      %min3A_281 = arith.constant 79 : i32
      %min3A_282 = arith.minsi %sub3A_280, %min3A_281 : i32
      %dma_start3A_283 = arith.constant 0 : i32
      %dma_start3A_284 = tpu.memref_slice %arg7[%min3A_282, %dma_start3A_283] : memref<80x125xi32, #tpu.memory_space<vmem>> -> memref<1x125xi32, #tpu.memory_space<vmem>>
      %dma_start3A_285 = tpu.memref_squeeze %dma_start3A_284 : memref<1x125xi32, #tpu.memory_space<vmem>> -> memref<125xi32, #tpu.memory_space<vmem>>
      %dma_start3A_286 = arith.constant 0 : i32
      %dma_start3A_287 = arith.constant 0 : i32
      %dma_start3A_288 = tpu.memref_slice %arg2[%dma_start3A_286, %dma_start3A_287] : memref<10000x40xf32, #tpu.memory_space<hbm>> -> memref<10000x40xf32, #tpu.memory_space<hbm>>
      tpu.enqueue_indirect_dma source(%dma_start3A_288 : memref<10000x40xf32, #tpu.memory_space<hbm>>) target(%arg9 : memref<125x40xf32, #tpu.memory_space<vmem>>) offsets(%dma_start3A_285 : memref<125xi32, #tpu.memory_space<vmem>>) semaphore(%arg15 : memref<!tpu.dma_semaphore, #tpu.memory_space<semaphore_mem>>)
      %mul3A_289 = arith.constant 5 : i32
      %mul3A_290 = arith.muli %scan3A_218, %mul3A_289 : i32
      %add3A_291 = arith.constant 2 : i32
      %add3A_292 = arith.addi %mul3A_290, %add3A_291 : i32
      %dma_wait3A_293 = arith.constant 0 : i32
      %dma_wait3A_294 = arith.constant 0 : i32
      %dma_wait3A_295 = tpu.memref_slice %arg7[%dma_wait3A_293, %dma_wait3A_294] : memref<80x125xi32, #tpu.memory_space<vmem>> -> memref<1x125xi32, #tpu.memory_space<vmem>>
      %dma_wait3A_296 = tpu.memref_squeeze %dma_wait3A_295 : memref<1x125xi32, #tpu.memory_space<vmem>> -> memref<125xi32, #tpu.memory_space<vmem>>
      %dma_wait3A_297 = arith.constant 0 : i32
      %dma_wait3A_298 = arith.constant 0 : i32
      %dma_wait3A_299 = tpu.memref_slice %arg2[%dma_wait3A_297, %dma_wait3A_298] : memref<10000x40xf32, #tpu.memory_space<hbm>> -> memref<10000x40xf32, #tpu.memory_space<hbm>>
      tpu.wait_indirect_dma semaphore(%arg17 : memref<!tpu.dma_semaphore, #tpu.memory_space<semaphore_mem>>) src(%dma_wait3A_299 : memref<10000x40xf32, #tpu.memory_space<hbm>>) dst(%arg11 : memref<125x40xf32, #tpu.memory_space<vmem>>)
      %dma_start3A_300 = arith.constant 0 : i32
      %dma_start3A_301 = tpu.memref_slice %arg8[%add3A_292, %dma_start3A_300] : memref<80x125xi32, #tpu.memory_space<vmem>> -> memref<1x125xi32, #tpu.memory_space<vmem>>
      %dma_start3A_302 = tpu.memref_squeeze %dma_start3A_301 : memref<1x125xi32, #tpu.memory_space<vmem>> -> memref<125xi32, #tpu.memory_space<vmem>>
      %dma_start3A_303 = arith.constant 0 : i32
      %dma_start3A_304 = arith.constant 0 : i32
      %dma_start3A_305 = tpu.memref_slice %arg14[%dma_start3A_303, %dma_start3A_304] : memref<10240x40xf32, #tpu.memory_space<vmem_shared>> -> memref<10240x40xf32, #tpu.memory_space<vmem_shared>>
      tpu.enqueue_indirect_dma source(%arg11 : memref<125x40xf32, #tpu.memory_space<vmem>>) target(%dma_start3A_305 : memref<10240x40xf32, #tpu.memory_space<vmem_shared>>) offsets(%dma_start3A_302 : memref<125xi32, #tpu.memory_space<vmem>>) semaphore(%arg22 : memref<!tpu.dma_semaphore, #tpu.memory_space<semaphore_mem>>) {add = true}
      %dma_wait3A_306 = arith.constant 0 : i32
      %dma_wait3A_307 = arith.constant 0 : i32
      %dma_wait3A_308 = tpu.memref_slice %arg8[%dma_wait3A_306, %dma_wait3A_307] : memref<80x125xi32, #tpu.memory_space<vmem>> -> memref<1x125xi32, #tpu.memory_space<vmem>>
      %dma_wait3A_309 = tpu.memref_squeeze %dma_wait3A_308 : memref<1x125xi32, #tpu.memory_space<vmem>> -> memref<125xi32, #tpu.memory_space<vmem>>
      %dma_wait3A_310 = arith.constant 0 : i32
      %dma_wait3A_311 = arith.constant 0 : i32
      %dma_wait3A_312 = tpu.memref_slice %arg14[%dma_wait3A_310, %dma_wait3A_311] : memref<10240x40xf32, #tpu.memory_space<vmem_shared>> -> memref<10240x40xf32, #tpu.memory_space<vmem_shared>>
      tpu.wait_indirect_dma semaphore(%arg21 : memref<!tpu.dma_semaphore, #tpu.memory_space<semaphore_mem>>) src(%arg10 : memref<125x40xf32, #tpu.memory_space<vmem>>) dst(%dma_wait3A_312 : memref<10240x40xf32, #tpu.memory_space<vmem_shared>>)
      %add3A_313 = arith.constant 5 : i32
      %add3A_314 = arith.addi %add3A_292, %add3A_313 : i32
      %sub3A_315 = arith.constant 1 : i32
      %sub3A_316 = arith.subi %add3A_314, %sub3A_315 : i32
      %min3A_317 = arith.constant 79 : i32
      %min3A_318 = arith.minsi %sub3A_316, %min3A_317 : i32
      %dma_start3A_319 = arith.constant 0 : i32
      %dma_start3A_320 = tpu.memref_slice %arg7[%min3A_318, %dma_start3A_319] : memref<80x125xi32, #tpu.memory_space<vmem>> -> memref<1x125xi32, #tpu.memory_space<vmem>>
      %dma_start3A_321 = tpu.memref_squeeze %dma_start3A_320 : memref<1x125xi32, #tpu.memory_space<vmem>> -> memref<125xi32, #tpu.memory_space<vmem>>
      %dma_start3A_322 = arith.constant 0 : i32
      %dma_start3A_323 = arith.constant 0 : i32
      %dma_start3A_324 = tpu.memref_slice %arg2[%dma_start3A_322, %dma_start3A_323] : memref<10000x40xf32, #tpu.memory_space<hbm>> -> memref<10000x40xf32, #tpu.memory_space<hbm>>
      tpu.enqueue_indirect_dma source(%dma_start3A_324 : memref<10000x40xf32, #tpu.memory_space<hbm>>) target(%arg10 : memref<125x40xf32, #tpu.memory_space<vmem>>) offsets(%dma_start3A_321 : memref<125xi32, #tpu.memory_space<vmem>>) semaphore(%arg16 : memref<!tpu.dma_semaphore, #tpu.memory_space<semaphore_mem>>)
      %mul3A_325 = arith.constant 5 : i32
      %mul3A_326 = arith.muli %scan3A_218, %mul3A_325 : i32
      %add3A_327 = arith.constant 3 : i32
      %add3A_328 = arith.addi %mul3A_326, %add3A_327 : i32
      %dma_wait3A_329 = arith.constant 0 : i32
      %dma_wait3A_330 = arith.constant 0 : i32
      %dma_wait3A_331 = tpu.memref_slice %arg7[%dma_wait3A_329, %dma_wait3A_330] : memref<80x125xi32, #tpu.memory_space<vmem>> -> memref<1x125xi32, #tpu.memory_space<vmem>>
      %dma_wait3A_332 = tpu.memref_squeeze %dma_wait3A_331 : memref<1x125xi32, #tpu.memory_space<vmem>> -> memref<125xi32, #tpu.memory_space<vmem>>
      %dma_wait3A_333 = arith.constant 0 : i32
      %dma_wait3A_334 = arith.constant 0 : i32
      %dma_wait3A_335 = tpu.memref_slice %arg2[%dma_wait3A_333, %dma_wait3A_334] : memref<10000x40xf32, #tpu.memory_space<hbm>> -> memref<10000x40xf32, #tpu.memory_space<hbm>>
      tpu.wait_indirect_dma semaphore(%arg18 : memref<!tpu.dma_semaphore, #tpu.memory_space<semaphore_mem>>) src(%dma_wait3A_335 : memref<10000x40xf32, #tpu.memory_space<hbm>>) dst(%arg12 : memref<125x40xf32, #tpu.memory_space<vmem>>)
      %dma_start3A_336 = arith.constant 0 : i32
      %dma_start3A_337 = tpu.memref_slice %arg8[%add3A_328, %dma_start3A_336] : memref<80x125xi32, #tpu.memory_space<vmem>> -> memref<1x125xi32, #tpu.memory_space<vmem>>
      %dma_start3A_338 = tpu.memref_squeeze %dma_start3A_337 : memref<1x125xi32, #tpu.memory_space<vmem>> -> memref<125xi32, #tpu.memory_space<vmem>>
      %dma_start3A_339 = arith.constant 0 : i32
      %dma_start3A_340 = arith.constant 0 : i32
      %dma_start3A_341 = tpu.memref_slice %arg14[%dma_start3A_339, %dma_start3A_340] : memref<10240x40xf32, #tpu.memory_space<vmem_shared>> -> memref<10240x40xf32, #tpu.memory_space<vmem_shared>>
      tpu.enqueue_indirect_dma source(%arg12 : memref<125x40xf32, #tpu.memory_space<vmem>>) target(%dma_start3A_341 : memref<10240x40xf32, #tpu.memory_space<vmem_shared>>) offsets(%dma_start3A_338 : memref<125xi32, #tpu.memory_space<vmem>>) semaphore(%arg23 : memref<!tpu.dma_semaphore, #tpu.memory_space<semaphore_mem>>) {add = true}
      %dma_wait3A_342 = arith.constant 0 : i32
      %dma_wait3A_343 = arith.constant 0 : i32
      %dma_wait3A_344 = tpu.memref_slice %arg8[%dma_wait3A_342, %dma_wait3A_343] : memref<80x125xi32, #tpu.memory_space<vmem>> -> memref<1x125xi32, #tpu.memory_space<vmem>>
      %dma_wait3A_345 = tpu.memref_squeeze %dma_wait3A_344 : memref<1x125xi32, #tpu.memory_space<vmem>> -> memref<125xi32, #tpu.memory_space<vmem>>
      %dma_wait3A_346 = arith.constant 0 : i32
      %dma_wait3A_347 = arith.constant 0 : i32
      %dma_wait3A_348 = tpu.memref_slice %arg14[%dma_wait3A_346, %dma_wait3A_347] : memref<10240x40xf32, #tpu.memory_space<vmem_shared>> -> memref<10240x40xf32, #tpu.memory_space<vmem_shared>>
      tpu.wait_indirect_dma semaphore(%arg22 : memref<!tpu.dma_semaphore, #tpu.memory_space<semaphore_mem>>) src(%arg11 : memref<125x40xf32, #tpu.memory_space<vmem>>) dst(%dma_wait3A_348 : memref<10240x40xf32, #tpu.memory_space<vmem_shared>>)
      %add3A_349 = arith.constant 5 : i32
      %add3A_350 = arith.addi %add3A_328, %add3A_349 : i32
      %sub3A_351 = arith.constant 1 : i32
      %sub3A_352 = arith.subi %add3A_350, %sub3A_351 : i32
      %min3A_353 = arith.constant 79 : i32
      %min3A_354 = arith.minsi %sub3A_352, %min3A_353 : i32
      %dma_start3A_355 = arith.constant 0 : i32
      %dma_start3A_356 = tpu.memref_slice %arg7[%min3A_354, %dma_start3A_355] : memref<80x125xi32, #tpu.memory_space<vmem>> -> memref<1x125xi32, #tpu.memory_space<vmem>>
      %dma_start3A_357 = tpu.memref_squeeze %dma_start3A_356 : memref<1x125xi32, #tpu.memory_space<vmem>> -> memref<125xi32, #tpu.memory_space<vmem>>
      %dma_start3A_358 = arith.constant 0 : i32
      %dma_start3A_359 = arith.constant 0 : i32
      %dma_start3A_360 = tpu.memref_slice %arg2[%dma_start3A_358, %dma_start3A_359] : memref<10000x40xf32, #tpu.memory_space<hbm>> -> memref<10000x40xf32, #tpu.memory_space<hbm>>
      tpu.enqueue_indirect_dma source(%dma_start3A_360 : memref<10000x40xf32, #tpu.memory_space<hbm>>) target(%arg11 : memref<125x40xf32, #tpu.memory_space<vmem>>) offsets(%dma_start3A_357 : memref<125xi32, #tpu.memory_space<vmem>>) semaphore(%arg17 : memref<!tpu.dma_semaphore, #tpu.memory_space<semaphore_mem>>)
      %mul3A_361 = arith.constant 5 : i32
      %mul3A_362 = arith.muli %scan3A_218, %mul3A_361 : i32
      %add3A_363 = arith.constant 4 : i32
      %add3A_364 = arith.addi %mul3A_362, %add3A_363 : i32
      %dma_wait3A_365 = arith.constant 0 : i32
      %dma_wait3A_366 = arith.constant 0 : i32
      %dma_wait3A_367 = tpu.memref_slice %arg7[%dma_wait3A_365, %dma_wait3A_366] : memref<80x125xi32, #tpu.memory_space<vmem>> -> memref<1x125xi32, #tpu.memory_space<vmem>>
      %dma_wait3A_368 = tpu.memref_squeeze %dma_wait3A_367 : memref<1x125xi32, #tpu.memory_space<vmem>> -> memref<125xi32, #tpu.memory_space<vmem>>
      %dma_wait3A_369 = arith.constant 0 : i32
      %dma_wait3A_370 = arith.constant 0 : i32
      %dma_wait3A_371 = tpu.memref_slice %arg2[%dma_wait3A_369, %dma_wait3A_370] : memref<10000x40xf32, #tpu.memory_space<hbm>> -> memref<10000x40xf32, #tpu.memory_space<hbm>>
      tpu.wait_indirect_dma semaphore(%arg19 : memref<!tpu.dma_semaphore, #tpu.memory_space<semaphore_mem>>) src(%dma_wait3A_371 : memref<10000x40xf32, #tpu.memory_space<hbm>>) dst(%arg13 : memref<125x40xf32, #tpu.memory_space<vmem>>)
      %dma_start3A_372 = arith.constant 0 : i32
      %dma_start3A_373 = tpu.memref_slice %arg8[%add3A_364, %dma_start3A_372] : memref<80x125xi32, #tpu.memory_space<vmem>> -> memref<1x125xi32, #tpu.memory_space<vmem>>
      %dma_start3A_374 = tpu.memref_squeeze %dma_start3A_373 : memref<1x125xi32, #tpu.memory_space<vmem>> -> memref<125xi32, #tpu.memory_space<vmem>>
      %dma_start3A_375 = arith.constant 0 : i32
      %dma_start3A_376 = arith.constant 0 : i32
      %dma_start3A_377 = tpu.memref_slice %arg14[%dma_start3A_375, %dma_start3A_376] : memref<10240x40xf32, #tpu.memory_space<vmem_shared>> -> memref<10240x40xf32, #tpu.memory_space<vmem_shared>>
      tpu.enqueue_indirect_dma source(%arg13 : memref<125x40xf32, #tpu.memory_space<vmem>>) target(%dma_start3A_377 : memref<10240x40xf32, #tpu.memory_space<vmem_shared>>) offsets(%dma_start3A_374 : memref<125xi32, #tpu.memory_space<vmem>>) semaphore(%arg24 : memref<!tpu.dma_semaphore, #tpu.memory_space<semaphore_mem>>) {add = true}
      %dma_wait3A_378 = arith.constant 0 : i32
      %dma_wait3A_379 = arith.constant 0 : i32
      %dma_wait3A_380 = tpu.memref_slice %arg8[%dma_wait3A_378, %dma_wait3A_379] : memref<80x125xi32, #tpu.memory_space<vmem>> -> memref<1x125xi32, #tpu.memory_space<vmem>>
      %dma_wait3A_381 = tpu.memref_squeeze %dma_wait3A_380 : memref<1x125xi32, #tpu.memory_space<vmem>> -> memref<125xi32, #tpu.memory_space<vmem>>
      %dma_wait3A_382 = arith.constant 0 : i32
      %dma_wait3A_383 = arith.constant 0 : i32
      %dma_wait3A_384 = tpu.memref_slice %arg14[%dma_wait3A_382, %dma_wait3A_383] : memref<10240x40xf32, #tpu.memory_space<vmem_shared>> -> memref<10240x40xf32, #tpu.memory_space<vmem_shared>>
      tpu.wait_indirect_dma semaphore(%arg23 : memref<!tpu.dma_semaphore, #tpu.memory_space<semaphore_mem>>) src(%arg12 : memref<125x40xf32, #tpu.memory_space<vmem>>) dst(%dma_wait3A_384 : memref<10240x40xf32, #tpu.memory_space<vmem_shared>>)
      %add3A_385 = arith.constant 5 : i32
      %add3A_386 = arith.addi %add3A_364, %add3A_385 : i32
      %sub3A_387 = arith.constant 1 : i32
      %sub3A_388 = arith.subi %add3A_386, %sub3A_387 : i32
      %min3A_389 = arith.constant 79 : i32
      %min3A_390 = arith.minsi %sub3A_388, %min3A_389 : i32
      %dma_start3A_391 = arith.constant 0 : i32
      %dma_start3A_392 = tpu.memref_slice %arg7[%min3A_390, %dma_start3A_391] : memref<80x125xi32, #tpu.memory_space<vmem>> -> memref<1x125xi32, #tpu.memory_space<vmem>>
      %dma_start3A_393 = tpu.memref_squeeze %dma_start3A_392 : memref<1x125xi32, #tpu.memory_space<vmem>> -> memref<125xi32, #tpu.memory_space<vmem>>
      %dma_start3A_394 = arith.constant 0 : i32
      %dma_start3A_395 = arith.constant 0 : i32
      %dma_start3A_396 = tpu.memref_slice %arg2[%dma_start3A_394, %dma_start3A_395] : memref<10000x40xf32, #tpu.memory_space<hbm>> -> memref<10000x40xf32, #tpu.memory_space<hbm>>
      tpu.enqueue_indirect_dma source(%dma_start3A_396 : memref<10000x40xf32, #tpu.memory_space<hbm>>) target(%arg12 : memref<125x40xf32, #tpu.memory_space<vmem>>) offsets(%dma_start3A_393 : memref<125xi32, #tpu.memory_space<vmem>>) semaphore(%arg18 : memref<!tpu.dma_semaphore, #tpu.memory_space<semaphore_mem>>)
    }
    %scan3A_177 = arith.constant 15 : i32
    %dma_wait3A_178 = arith.constant 0 : i32
    %dma_wait3A_179 = arith.constant 0 : i32
    %dma_wait3A_180 = tpu.memref_slice %arg8[%dma_wait3A_178, %dma_wait3A_179] : memref<80x125xi32, #tpu.memory_space<vmem>> -> memref<1x125xi32, #tpu.memory_space<vmem>>
    %dma_wait3A_181 = tpu.memref_squeeze %dma_wait3A_180 : memref<1x125xi32, #tpu.memory_space<vmem>> -> memref<125xi32, #tpu.memory_space<vmem>>
    %dma_wait3A_182 = arith.constant 0 : i32
    %dma_wait3A_183 = arith.constant 0 : i32
    %dma_wait3A_184 = tpu.memref_slice %arg14[%dma_wait3A_182, %dma_wait3A_183] : memref<10240x40xf32, #tpu.memory_space<vmem_shared>> -> memref<10240x40xf32, #tpu.memory_space<vmem_shared>>
    tpu.wait_indirect_dma semaphore(%arg24 : memref<!tpu.dma_semaphore, #tpu.memory_space<semaphore_mem>>) src(%arg13 : memref<125x40xf32, #tpu.memory_space<vmem>>) dst(%dma_wait3A_184 : memref<10240x40xf32, #tpu.memory_space<vmem_shared>>)
    %dma_wait3A_185 = arith.constant 0 : i32
    %dma_wait3A_186 = arith.constant 0 : i32
    %dma_wait3A_187 = tpu.memref_slice %arg7[%dma_wait3A_185, %dma_wait3A_186] : memref<80x125xi32, #tpu.memory_space<vmem>> -> memref<1x125xi32, #tpu.memory_space<vmem>>
    %dma_wait3A_188 = tpu.memref_squeeze %dma_wait3A_187 : memref<1x125xi32, #tpu.memory_space<vmem>> -> memref<125xi32, #tpu.memory_space<vmem>>
    %dma_wait3A_189 = arith.constant 0 : i32
    %dma_wait3A_190 = arith.constant 0 : i32
    %dma_wait3A_191 = tpu.memref_slice %arg2[%dma_wait3A_189, %dma_wait3A_190] : memref<10000x40xf32, #tpu.memory_space<hbm>> -> memref<10000x40xf32, #tpu.memory_space<hbm>>
    tpu.wait_indirect_dma semaphore(%arg15 : memref<!tpu.dma_semaphore, #tpu.memory_space<semaphore_mem>>) src(%dma_wait3A_191 : memref<10000x40xf32, #tpu.memory_space<hbm>>) dst(%arg9 : memref<125x40xf32, #tpu.memory_space<vmem>>)
    %dma_wait3A_192 = arith.constant 0 : i32
    %dma_wait3A_193 = arith.constant 0 : i32
    %dma_wait3A_194 = tpu.memref_slice %arg7[%dma_wait3A_192, %dma_wait3A_193] : memref<80x125xi32, #tpu.memory_space<vmem>> -> memref<1x125xi32, #tpu.memory_space<vmem>>
    %dma_wait3A_195 = tpu.memref_squeeze %dma_wait3A_194 : memref<1x125xi32, #tpu.memory_space<vmem>> -> memref<125xi32, #tpu.memory_space<vmem>>
    %dma_wait3A_196 = arith.constant 0 : i32
    %dma_wait3A_197 = arith.constant 0 : i32
    %dma_wait3A_198 = tpu.memref_slice %arg2[%dma_wait3A_196, %dma_wait3A_197] : memref<10000x40xf32, #tpu.memory_space<hbm>> -> memref<10000x40xf32, #tpu.memory_space<hbm>>
    tpu.wait_indirect_dma semaphore(%arg16 : memref<!tpu.dma_semaphore, #tpu.memory_space<semaphore_mem>>) src(%dma_wait3A_198 : memref<10000x40xf32, #tpu.memory_space<hbm>>) dst(%arg10 : memref<125x40xf32, #tpu.memory_space<vmem>>)
    %dma_wait3A_199 = arith.constant 0 : i32
    %dma_wait3A_200 = arith.constant 0 : i32
    %dma_wait3A_201 = tpu.memref_slice %arg7[%dma_wait3A_199, %dma_wait3A_200] : memref<80x125xi32, #tpu.memory_space<vmem>> -> memref<1x125xi32, #tpu.memory_space<vmem>>
    %dma_wait3A_202 = tpu.memref_squeeze %dma_wait3A_201 : memref<1x125xi32, #tpu.memory_space<vmem>> -> memref<125xi32, #tpu.memory_space<vmem>>
    %dma_wait3A_203 = arith.constant 0 : i32
    %dma_wait3A_204 = arith.constant 0 : i32
    %dma_wait3A_205 = tpu.memref_slice %arg2[%dma_wait3A_203, %dma_wait3A_204] : memref<10000x40xf32, #tpu.memory_space<hbm>> -> memref<10000x40xf32, #tpu.memory_space<hbm>>
    tpu.wait_indirect_dma semaphore(%arg17 : memref<!tpu.dma_semaphore, #tpu.memory_space<semaphore_mem>>) src(%dma_wait3A_205 : memref<10000x40xf32, #tpu.memory_space<hbm>>) dst(%arg11 : memref<125x40xf32, #tpu.memory_space<vmem>>)
    %dma_wait3A_206 = arith.constant 0 : i32
    %dma_wait3A_207 = arith.constant 0 : i32
    %dma_wait3A_208 = tpu.memref_slice %arg7[%dma_wait3A_206, %dma_wait3A_207] : memref<80x125xi32, #tpu.memory_space<vmem>> -> memref<1x125xi32, #tpu.memory_space<vmem>>
    %dma_wait3A_209 = tpu.memref_squeeze %dma_wait3A_208 : memref<1x125xi32, #tpu.memory_space<vmem>> -> memref<125xi32, #tpu.memory_space<vmem>>
    %dma_wait3A_210 = arith.constant 0 : i32
    %dma_wait3A_211 = arith.constant 0 : i32
    %dma_wait3A_212 = tpu.memref_slice %arg2[%dma_wait3A_210, %dma_wait3A_211] : memref<10000x40xf32, #tpu.memory_space<hbm>> -> memref<10000x40xf32, #tpu.memory_space<hbm>>
    tpu.wait_indirect_dma semaphore(%arg18 : memref<!tpu.dma_semaphore, #tpu.memory_space<semaphore_mem>>) src(%dma_wait3A_212 : memref<10000x40xf32, #tpu.memory_space<hbm>>) dst(%arg12 : memref<125x40xf32, #tpu.memory_space<vmem>>)
    %barrier3A_213 = arith.constant 0 : index
    tpu.barrier barrier_id(%barrier3A_213)
    %mul3A_214 = arith.constant 640 : i32
    %mul3A_215 = arith.muli %arg1, %mul3A_214 : i32
    %mul3A_216 = arith.constant 640 : i32
    %mul3A_217 = arith.muli %arg1, %mul3A_216 : i32
    "tpu.region"() ({
      %run_scoped3A = tpu.sem_alloc : memref<!tpu.dma_semaphore, #tpu.memory_space<semaphore_mem>>
      %dma_start3A_218 = arith.constant 0 : i32
      %dma_start3A_219 = tpu.memref_slice %arg6[%arg0, %mul3A_217, %dma_start3A_218] : memref<2x10240x40xf32, #tpu.memory_space<hbm>> -> memref<1x640x40xf32, #tpu.memory_space<hbm>>
      %dma_start3A_220 = tpu.memref_squeeze %dma_start3A_219 : memref<1x640x40xf32, #tpu.memory_space<hbm>> -> memref<640x40xf32, #tpu.memory_space<hbm>>
      %dma_start3A_221 = arith.constant 0 : i32
      %dma_start3A_222 = tpu.memref_slice %arg14[%mul3A_215, %dma_start3A_221] : memref<10240x40xf32, #tpu.memory_space<vmem_shared>> -> memref<640x40xf32, #tpu.memory_space<vmem_shared>>
      tpu.enqueue_dma source(%dma_start3A_222 : memref<640x40xf32, #tpu.memory_space<vmem_shared>>) target(%dma_start3A_220 : memref<640x40xf32, #tpu.memory_space<hbm>>) target_semaphore(%run_scoped3A : memref<!tpu.dma_semaphore, #tpu.memory_space<semaphore_mem>>)
      %dma_wait3A_223 = arith.constant 0 : i32
      %dma_wait3A_224 = tpu.memref_slice %arg6[%arg0, %mul3A_217, %dma_wait3A_223] : memref<2x10240x40xf32, #tpu.memory_space<hbm>> -> memref<1x640x40xf32, #tpu.memory_space<hbm>>
      %dma_wait3A_225 = tpu.memref_squeeze %dma_wait3A_224 : memref<1x640x40xf32, #tpu.memory_space<hbm>> -> memref<640x40xf32, #tpu.memory_space<hbm>>
      %dma_wait3A_226 = arith.constant 0 : i32
      %dma_wait3A_227 = tpu.memref_slice %arg14[%mul3A_215, %dma_wait3A_226] : memref<10240x40xf32, #tpu.memory_space<vmem_shared>> -> memref<640x40xf32, #tpu.memory_space<vmem_shared>>
      tpu.wait_dma2 semaphore(%run_scoped3A : memref<!tpu.dma_semaphore, #tpu.memory_space<semaphore_mem>>) src(%dma_wait3A_227 : memref<640x40xf32, #tpu.memory_space<vmem_shared>>) dst(%dma_wait3A_225 : memref<640x40xf32, #tpu.memory_space<hbm>>)
      tpu.yield
    }) : () -> ()
    return
  }
}

module attributes {stable_mosaic.version = 14 : i64} {
  func.func @_mid_body(%arg0: i32, %arg1: memref<2x1000x64xf32, #tpu.memory_space<vmem>>, %arg2: memref<1x1000x8xf32, #tpu.memory_space<vmem>>, %arg3: memref<128x128xf32, #tpu.memory_space<vmem>>, %arg4: memref<1x128xf32, #tpu.memory_space<vmem>>, %arg5: memref<128x40xf32, #tpu.memory_space<vmem>>, %arg6: memref<1000x40xf32, #tpu.memory_space<vmem>>) attributes {dimension_semantics = [#tpu.dimension_semantics<arbitrary>], iteration_bounds = array<i64: 10>, scalar_prefetch = 0 : i64, scratch_operands = 0 : i64, tpu.core_type = #tpu.core_type<tc>, window_params = [{transform_indices = @transform_0, window_bounds = array<i64: 2, 1000, 64>}, {transform_indices = @transform_1, window_bounds = array<i64: 1, 1000, 8>}, {pipeline_mode = #tpu.pipeline_mode<synchronous>, transform_indices = @transform_2, window_bounds = array<i64: 128, 128>}, {pipeline_mode = #tpu.pipeline_mode<synchronous>, transform_indices = @transform_3, window_bounds = array<i64: 1, 128>}, {pipeline_mode = #tpu.pipeline_mode<synchronous>, transform_indices = @transform_4, window_bounds = array<i64: 128, 40>}, {transform_indices = @transform_5, window_bounds = array<i64: 1000, 40>}]} {
    %get3A = arith.constant 0 : index
    %get3A_0 = arith.constant 0 : index
    %get3A_1 = arith.constant 0 : index
    %get3A_2 = vector.load %arg2[%get3A, %get3A_0, %get3A_1] : memref<1x1000x8xf32, #tpu.memory_space<vmem>>, vector<1x1000x8xf32>
    %slice3A = vector.extract_strided_slice %get3A_2 {offsets = [0, 0, 0], sizes = [1, 1000, 1], strides = [1, 1, 1]} : vector<1x1000x8xf32> to vector<1x1000x1xf32>
    %squeeze3A = vector.shape_cast %slice3A : vector<1x1000x1xf32> to vector<1000x1xf32>
    %max3A = arith.constant 1.000000e+00 : f32
    %max3A_3 = vector.broadcast %max3A : f32 to vector<1000x1xf32>
    %max3A_4 = arith.maximumf %squeeze3A, %max3A_3 : vector<1000x1xf32>
    %div3A = arith.constant 1.000000e+00 : f32
    %div3A_5 = vector.broadcast %div3A : f32 to vector<1000x1xf32>
    %div3A_6 = arith.divf %div3A_5, %max3A_4 : vector<1000x1xf32>
    %get3A_7 = arith.constant 0 : index
    %get3A_8 = arith.constant 0 : index
    %get3A_9 = arith.constant 0 : index
    %get3A_10 = vector.load %arg1[%get3A_7, %get3A_8, %get3A_9] : memref<2x1000x64xf32, #tpu.memory_space<vmem>>, vector<2x1000x64xf32>
    %slice3A_11 = vector.extract_strided_slice %get3A_10 {offsets = [0, 0, 0], sizes = [1, 1000, 64], strides = [1, 1, 1]} : vector<2x1000x64xf32> to vector<1x1000x64xf32>
    %squeeze3A_12 = vector.shape_cast %slice3A_11 : vector<1x1000x64xf32> to vector<1000x64xf32>
    %slice3A_13 = vector.extract_strided_slice %get3A_10 {offsets = [1, 0, 0], sizes = [1, 1000, 64], strides = [1, 1, 1]} : vector<2x1000x64xf32> to vector<1x1000x64xf32>
    %squeeze3A_14 = vector.shape_cast %slice3A_13 : vector<1x1000x64xf32> to vector<1000x64xf32>
    %concatenate3A = tpu.concatenate %squeeze3A_12, %squeeze3A_14 in 1 : vector<1000x64xf32>, vector<1000x64xf32> -> vector<1000x128xf32>
    %get3A_15 = arith.constant 0 : index
    %get3A_16 = arith.constant 0 : index
    %get3A_17 = vector.load %arg3[%get3A_15, %get3A_16] : memref<128x128xf32, #tpu.memory_space<vmem>>, vector<128x128xf32>
    %dot_general3A = arith.constant dense<0.000000e+00> : vector<1000x128xf32>
    %dot_general3A_18 = tpu.matmul %concatenate3A, %get3A_17, %dot_general3A {dimension_numbers = #tpu.dot_dimension_numbers<[1], [0], [0], [1], [0, 0, 1, 1], [], []>, transpose_lhs_hint = false} : vector<1000x128xf32>, vector<128x128xf32>, vector<1000x128xf32> -> vector<1000x128xf32>
    %mul3A = vector.broadcast %div3A_6 : vector<1000x1xf32> to vector<1000x128xf32>
    %mul3A_19 = arith.mulf %dot_general3A_18, %mul3A : vector<1000x128xf32>
    %get3A_20 = arith.constant 0 : index
    %get3A_21 = arith.constant 0 : index
    %get3A_22 = vector.load %arg4[%get3A_20, %get3A_21] : memref<1x128xf32, #tpu.memory_space<vmem>>, vector<1x128xf32>
    %add3A = vector.broadcast %get3A_22 : vector<1x128xf32> to vector<1000x128xf32>
    %add3A_23 = arith.addf %mul3A_19, %add3A : vector<1000x128xf32>
    %max3A_24 = arith.constant 0.000000e+00 : f32
    %max3A_25 = vector.broadcast %max3A_24 : f32 to vector<1000x128xf32>
    %max3A_26 = arith.maximumf %add3A_23, %max3A_25 : vector<1000x128xf32>
    %get3A_27 = arith.constant 0 : index
    %get3A_28 = arith.constant 0 : index
    %get3A_29 = vector.load %arg5[%get3A_27, %get3A_28] : memref<128x40xf32, #tpu.memory_space<vmem>>, vector<128x40xf32>
    %dot_general3A_30 = arith.constant dense<0.000000e+00> : vector<1000x40xf32>
    %dot_general3A_31 = tpu.matmul %max3A_26, %get3A_29, %dot_general3A_30 {dimension_numbers = #tpu.dot_dimension_numbers<[1], [0], [0], [1], [0, 0, 1, 1], [], []>, transpose_lhs_hint = false} : vector<1000x128xf32>, vector<128x40xf32>, vector<1000x40xf32> -> vector<1000x40xf32>
    %swap3A = arith.constant 0 : index
    %swap3A_32 = arith.constant 0 : index
    %swap3A_33 = vector.load %arg6[%swap3A, %swap3A_32] : memref<1000x40xf32, #tpu.memory_space<vmem>>, vector<1000x40xf32>
    tpu.vector_store %arg6[%swap3A, %swap3A_32], %dot_general3A_31 {strides = array<i32>} : memref<1000x40xf32, #tpu.memory_space<vmem>>, vector<1000x40xf32>,
    return
  }
  func.func @transform_0(%arg0: i32) -> (i32, i32, i32) {
    %c0_i32 = arith.constant 0 : i32
    %c0_i32_0 = arith.constant 0 : i32
    %c0_i32_1 = arith.constant 0 : i32
    return %c0_i32, %arg0, %c0_i32_0 : i32, i32, i32
  }
  func.func @transform_1(%arg0: i32) -> (i32, i32, i32) {
    %c0_i32 = arith.constant 0 : i32
    %c0_i32_0 = arith.constant 0 : i32
    %c0_i32_1 = arith.constant 0 : i32
    return %c0_i32, %arg0, %c0_i32_0 : i32, i32, i32
  }
  func.func @transform_2(%arg0: i32) -> (i32, i32) {
    %c0_i32 = arith.constant 0 : i32
    %c0_i32_0 = arith.constant 0 : i32
    %c0_i32_1 = arith.constant 0 : i32
    return %c0_i32, %c0_i32_0 : i32, i32
  }
  func.func @transform_3(%arg0: i32) -> (i32, i32) {
    %c0_i32 = arith.constant 0 : i32
    %c0_i32_0 = arith.constant 0 : i32
    %c0_i32_1 = arith.constant 0 : i32
    return %c0_i32, %c0_i32_0 : i32, i32
  }
  func.func @transform_4(%arg0: i32) -> (i32, i32) {
    %c0_i32 = arith.constant 0 : i32
    %c0_i32_0 = arith.constant 0 : i32
    %c0_i32_1 = arith.constant 0 : i32
    return %c0_i32, %c0_i32_0 : i32, i32
  }
  func.func @transform_5(%arg0: i32) -> (i32, i32) {
    %c0_i32 = arith.constant 0 : i32
    %c0_i32_0 = arith.constant 0 : i32
    return %arg0, %c0_i32 : i32, i32
  }
}

module attributes {stable_mosaic.version = 14 : i64} {
  func.func @_final_body(%arg0: i32, %arg1: memref<2x1000x40xf32, #tpu.memory_space<vmem>>, %arg2: memref<1x1000x8xf32, #tpu.memory_space<vmem>>, %arg3: memref<1x40xf32, #tpu.memory_space<vmem>>, %arg4: memref<1000x40xf32, #tpu.memory_space<vmem>>) attributes {dimension_semantics = [#tpu.dimension_semantics<arbitrary>], iteration_bounds = array<i64: 10>, scalar_prefetch = 0 : i64, scratch_operands = 0 : i64, tpu.core_type = #tpu.core_type<tc>, window_params = [{transform_indices = @transform_0, window_bounds = array<i64: 2, 1000, 40>}, {transform_indices = @transform_1, window_bounds = array<i64: 1, 1000, 8>}, {pipeline_mode = #tpu.pipeline_mode<synchronous>, transform_indices = @transform_2, window_bounds = array<i64: 1, 40>}, {transform_indices = @transform_3, window_bounds = array<i64: 1000, 40>}]} {
    %get3A = arith.constant 0 : index
    %get3A_0 = arith.constant 0 : index
    %get3A_1 = arith.constant 0 : index
    %get3A_2 = vector.load %arg2[%get3A, %get3A_0, %get3A_1] : memref<1x1000x8xf32, #tpu.memory_space<vmem>>, vector<1x1000x8xf32>
    %slice3A = vector.extract_strided_slice %get3A_2 {offsets = [0, 0, 0], sizes = [1, 1000, 1], strides = [1, 1, 1]} : vector<1x1000x8xf32> to vector<1x1000x1xf32>
    %squeeze3A = vector.shape_cast %slice3A : vector<1x1000x1xf32> to vector<1000x1xf32>
    %max3A = arith.constant 1.000000e+00 : f32
    %max3A_3 = vector.broadcast %max3A : f32 to vector<1000x1xf32>
    %max3A_4 = arith.maximumf %squeeze3A, %max3A_3 : vector<1000x1xf32>
    %div3A = arith.constant 1.000000e+00 : f32
    %div3A_5 = vector.broadcast %div3A : f32 to vector<1000x1xf32>
    %div3A_6 = arith.divf %div3A_5, %max3A_4 : vector<1000x1xf32>
    %get3A_7 = arith.constant 0 : index
    %get3A_8 = arith.constant 0 : index
    %get3A_9 = arith.constant 0 : index
    %get3A_10 = vector.load %arg1[%get3A_7, %get3A_8, %get3A_9] : memref<2x1000x40xf32, #tpu.memory_space<vmem>>, vector<2x1000x40xf32>
    %slice3A_11 = vector.extract_strided_slice %get3A_10 {offsets = [0, 0, 0], sizes = [1, 1000, 40], strides = [1, 1, 1]} : vector<2x1000x40xf32> to vector<1x1000x40xf32>
    %squeeze3A_12 = vector.shape_cast %slice3A_11 : vector<1x1000x40xf32> to vector<1000x40xf32>
    %slice3A_13 = vector.extract_strided_slice %get3A_10 {offsets = [1, 0, 0], sizes = [1, 1000, 40], strides = [1, 1, 1]} : vector<2x1000x40xf32> to vector<1x1000x40xf32>
    %squeeze3A_14 = vector.shape_cast %slice3A_13 : vector<1x1000x40xf32> to vector<1000x40xf32>
    %add3A = arith.addf %squeeze3A_12, %squeeze3A_14 : vector<1000x40xf32>
    %mul3A = vector.broadcast %div3A_6 : vector<1000x1xf32> to vector<1000x40xf32>
    %mul3A_15 = arith.mulf %add3A, %mul3A : vector<1000x40xf32>
    %get3A_16 = arith.constant 0 : index
    %get3A_17 = arith.constant 0 : index
    %get3A_18 = vector.load %arg3[%get3A_16, %get3A_17] : memref<1x40xf32, #tpu.memory_space<vmem>>, vector<1x40xf32>
    %add3A_19 = vector.broadcast %get3A_18 : vector<1x40xf32> to vector<1000x40xf32>
    %add3A_20 = arith.addf %mul3A_15, %add3A_19 : vector<1000x40xf32>
    %reduce_max3A = arith.constant dense<0xFF800000> : vector<1000xf32>
    %reduce_max3A_21 = vector.multi_reduction <maximumf>, %add3A_20, %reduce_max3A [1] : vector<1000x40xf32> to vector<1000xf32>
    %broadcast_in_dim3A = vector.shape_cast %reduce_max3A_21 : vector<1000xf32> to vector<1000x1xf32>
    %sub3A = vector.broadcast %broadcast_in_dim3A : vector<1000x1xf32> to vector<1000x40xf32>
    %sub3A_22 = arith.subf %add3A_20, %sub3A : vector<1000x40xf32>
    %exp3A = math.exp %sub3A_22 : vector<1000x40xf32>
    %reduce_sum3A = arith.constant dense<0.000000e+00> : vector<1000xf32>
    %reduce_sum3A_23 = vector.multi_reduction <add>, %exp3A, %reduce_sum3A [1] : vector<1000x40xf32> to vector<1000xf32>
    %broadcast_in_dim3A_24 = vector.shape_cast %reduce_sum3A_23 : vector<1000xf32> to vector<1000x1xf32>
    %log3A = math.log %broadcast_in_dim3A_24 : vector<1000x1xf32>
    %add3A_25 = arith.addf %broadcast_in_dim3A, %log3A : vector<1000x1xf32>
    %sub3A_26 = vector.broadcast %add3A_25 : vector<1000x1xf32> to vector<1000x40xf32>
    %sub3A_27 = arith.subf %add3A_20, %sub3A_26 : vector<1000x40xf32>
    %swap3A = arith.constant 0 : index
    %swap3A_28 = arith.constant 0 : index
    %swap3A_29 = vector.load %arg4[%swap3A, %swap3A_28] : memref<1000x40xf32, #tpu.memory_space<vmem>>, vector<1000x40xf32>
    tpu.vector_store %arg4[%swap3A, %swap3A_28], %sub3A_27 {strides = array<i32>} : memref<1000x40xf32, #tpu.memory_space<vmem>>, vector<1000x40xf32>,
    return
  }
  func.func @transform_0(%arg0: i32) -> (i32, i32, i32) {
    %c0_i32 = arith.constant 0 : i32
    %c0_i32_0 = arith.constant 0 : i32
    %c0_i32_1 = arith.constant 0 : i32
    return %c0_i32, %arg0, %c0_i32_0 : i32, i32, i32
  }
  func.func @transform_1(%arg0: i32) -> (i32, i32, i32) {
    %c0_i32 = arith.constant 0 : i32
    %c0_i32_0 = arith.constant 0 : i32
    %c0_i32_1 = arith.constant 0 : i32
    return %c0_i32, %arg0, %c0_i32_0 : i32, i32, i32
  }
  func.func @transform_2(%arg0: i32) -> (i32, i32) {
    %c0_i32 = arith.constant 0 : i32
    %c0_i32_0 = arith.constant 0 : i32
    %c0_i32_1 = arith.constant 0 : i32
    return %c0_i32, %c0_i32_0 : i32, i32
  }
  func.func @transform_3(%arg0: i32) -> (i32, i32) {
    %c0_i32 = arith.constant 0 : i32
    %c0_i32_0 = arith.constant 0 : i32
    return %arg0, %c0_i32 : i32, i32
  }
}

</mosaic_0001>

<sc_bundles>
// kernel: kernel.6.cloned.1.call-start
scs
__scs_entry_jumppad:
0x0: {  	(pc) =	sbr.rel $0x88, $3  }
0x1: {  	(tag) =	ssettag $0x0;
	lr =	simm.s32 $0x1  }
0x2: {  	[smem:$0x3F9B] =	sst lr;
	_ =	strace $0xD0000000  }
0x3: {  	_ = 	snop  }
0x4: {  	_ = 	snop  }
0x5: {  	_ = 	snop  }
0x6: {  	_ = 	snop  }
0x7: {  	_ = 	snop  }
__scs_overlays_trampoline_lowered:
0x8: {  	[smem:$0x3FAA] =	sst s0  }
0x9: {  	[smem:$0x3FAB] =	sst s1  }
0xa: {  	[smem:$0x3FAC] =	sst s2  }
0xb: {  	[smem:$0x3FAD] =	sst s3  }
0xc: {  	[smem:$0x3FAE] =	sst s4  }
0xd: {  	[smem:$0x3FAF] =	sst s5  }
0xe: {  	[smem:$0x3FB0] =	sst s6  }
0xf: {  	[smem:$0x3FB1] =	sst s7  }
0x10: {  	[smem:$0x3FB2] =	sst s8  }
0x11: {  	[smem:$0x3FB3] =	sst s9;
	s0 =	simm.s32 @!p0 $0x0  }
0x12: {  	s1 =	sld [smem:$0x3F99];
	s0 =	simm.s32 @p0 $0x1  }
0x13: {  	[smem:$0x3FB4] =	sst s0;
	s0 =	simm.s32 @!p1 $0x0  }
0x14: {  	s2 =	sld [smem:$0x3F98];
	s0 =	simm.s32 @p1 $0x1  }
0x15: {  	[smem:$0x3FB5] =	sst s0;
	s0 =	simm.s32 @!p2 $0x0  }
0x16: {  	s3 =	sld [smem:$0x3FDB];
	s0 =	simm.s32 @p2 $0x1  }
0x17: {  	s4 =	simm.s32 $0x1BF5;
	[smem:$0x3FB7] =	sst s0  }
0x18: {  	s0 =	sld [smem:$0x3F9A];
	_ =	swait.ge [sflag:s4], $0x0  }
0x19: {  	s7 =	sld [smem:$0x3F9B]  }
0x1a: {  	s8 =	sadd.s32 $0xFFFFE003, lr  }
0x1b: {  	s9 =	sadd.s32 $0xFFFFFEF7, lr;
	s5 =	simm.s32 $0xFFFFFFFF;
	p2 =	slt.u32 s8, $0xFFFFF086  }
0x1c: {  	p1 =	slt.u32 s9, $0xF7A;
	s5 =	simm.s32 @!p2 $0x0  }
0x1d: {  	s5 =	simm.s32 @p1 $0x1;
	p0 =	seq.s32 s7, s2  }
0x1e: {  	s7 =	smul.u32 @!p0 $0xF7A, s2;
	p2 =	seq.s32 @!p0 s5, $0x0  }
0x1f: {  	s9 =	smul.u32 $0xF7A, s1;
	s8 =	simm.s32 @!p0 $0x1BF5;
	p2 =	por !p2, p0  }
0x20: {  	[sflag:s8] =	ssyncset.s32 @!p0 $0xFFFFF086;
	s6 =	sadd.s32 @!p0 s3, s7;
	s7 =	simm.s32 @!p0 $0x108  }
0x21: {  	s3 =	sadd.s32 s3, s9;
	s6 =	sadd.s32 @!p0 $0x88, s6;
	s7 =	simm.s32 @p2 $0x1082  }
0x22: {  	[simem:s7], [sflag:s8] =	dma.local @!p0 [hbm:s6], $0xF7A  }
0x23: {  	s9 =	sor.u32 $0xD0000000, s2;
	s6 =	simm.s32 $0x108;
	_ =	swait.ge @!p0 [sflag:s8], $0x0  }
0x24: {  	s3 =	sadd.s32 $0x88, s3;
	s6 =	simm.s32 @!p1 $0x1082;
	[sflag:s4] =	ssyncset.s32 $0xFFFFF086  }
0x25: {  	[simem:s6], [sflag:s4] =	dma.local [hbm:s3], $0xF7A  }
0x26: {  	[smem:$0x3F9B] =	sst s1;
	(tag) =	ssettag s2;
	_ =	strace s9  }
0x27: {  	s1 =	sld [smem:$0x3FAB]  }
0x28: {  	s2 =	sld [smem:$0x3FAC]  }
0x29: {  	s4 =	sld [smem:$0x3FAE]  }
0x2a: {  	p0 =	seq.s32 s5, $0x0;
	s5 =	sld [smem:$0x3FAF]  }
0x2b: {  	s6 =	sld [smem:$0x3FB0]  }
0x2c: {  	s7 =	sld [smem:$0x3FB1]  }
0x2d: {  	s3 =	simm.s32 $0x108;
	s8 =	sld [smem:$0x3FB2]  }
0x2e: {  	s3 =	simm.s32 @!p0 $0x1082;
	s9 =	sld [smem:$0x3FB3]  }
0x2f: {  	lr =	sadd.s32 s0, s3;
	s0 =	sld [smem:$0x3FAA]  }
0x30: {  	s3 =	sld [smem:$0x3FAD]  }
0x31: {  	[smem:$0x3FB6] =	sst s10  }
0x32: {  	s10 =	sld [smem:$0x3FB4];
	_ =	sdelay $0x3  }
0x33: {  	p0 =	seq.s32 s10, $0x1;
	s10 =	sld [smem:$0x3FB6];
	_ =	sdelay $0x3  }
0x34: {  	[smem:$0x3FB6] =	sst s10  }
0x35: {  	s10 =	sld [smem:$0x3FB5];
	_ =	sdelay $0x3  }
0x36: {  	p1 =	seq.s32 s10, $0x1;
	s10 =	sld [smem:$0x3FB6];
	_ =	sdelay $0x3  }
0x37: {  	[smem:$0x3FB6] =	sst s10  }
0x38: {  	s10 =	sld [smem:$0x3FB7]  }
0x39: {  	_ = 	snop;
	(pc) =	sbr.ind lr, $3  }
0x3a: {  	_ = 	snop  }
0x3b: {  	_ = 	snop  }
0x3c: {  	p2 =	seq.s32 s10, $0x1;
	s10 =	sld [smem:$0x3FB6]  }
0x3d: {  	_ =	shalt  }
0x3e: {  	_ =	shalt  }
0x3f: {  	_ =	shalt  }
0x40: {  	_ =	shalt  }
0x41: {  	_ =	shalt  }
0x42: {  	_ =	shalt  }
0x43: {  	_ =	shalt  }
0x44: {  	_ =	shalt  }
0x45: {  	_ =	shalt  }
0x46: {  	_ =	shalt  }
0x47: {  	_ =	shalt  }
0x48: {  	_ =	shalt  }
0x49: {  	_ =	shalt  }
0x4a: {  	_ =	shalt  }
0x4b: {  	_ =	shalt  }
0x4c: {  	_ =	shalt  }
0x4d: {  	_ =	shalt  }
0x4e: {  	_ =	shalt  }
0x4f: {  	_ =	shalt  }
0x50: {  	_ =	shalt  }
0x51: {  	_ =	shalt  }
0x52: {  	_ =	shalt  }
0x53: {  	_ =	shalt  }
0x54: {  	_ =	shalt  }
0x55: {  	_ =	shalt  }
0x56: {  	_ =	shalt  }
0x57: {  	_ =	shalt  }
0x58: {  	_ =	shalt  }
0x59: {  	_ =	shalt  }
0x5a: {  	_ =	shalt  }
0x5b: {  	_ =	shalt  }
0x5c: {  	_ =	shalt  }
0x5d: {  	_ =	shalt  }
0x5e: {  	_ =	shalt  }
0x5f: {  	_ =	shalt  }
0x60: {  	_ =	shalt  }
0x61: {  	_ =	shalt  }
0x62: {  	_ =	shalt  }
0x63: {  	_ =	shalt  }
0x64: {  	_ =	shalt  }
0x65: {  	_ =	shalt  }
0x66: {  	_ =	shalt  }
0x67: {  	_ =	shalt  }
0x68: {  	_ =	shalt  }
0x69: {  	_ =	shalt  }
0x6a: {  	_ =	shalt  }
0x6b: {  	_ =	shalt  }
0x6c: {  	_ =	shalt  }
0x6d: {  	_ =	shalt  }
0x6e: {  	_ =	shalt  }
0x6f: {  	_ =	shalt  }
0x70: {  	_ =	shalt  }
0x71: {  	_ =	shalt  }
0x72: {  	_ =	shalt  }
0x73: {  	_ =	shalt  }
0x74: {  	_ =	shalt  }
0x75: {  	_ =	shalt  }
0x76: {  	_ =	shalt  }
0x77: {  	_ =	shalt  }
0x78: {  	_ =	shalt  }
0x79: {  	_ =	shalt  }
0x7a: {  	_ =	shalt  }
0x7b: {  	_ =	shalt  }
0x7c: {  	_ =	shalt  }
0x7d: {  	_ =	shalt  }
0x7e: {  	_ =	shalt  }
0x7f: {  	_ =	shalt  }
0x80: {  	_ =	shalt  }
0x81: {  	_ =	shalt  }
0x82: {  	_ =	shalt  }
0x83: {  	_ =	shalt  }
0x84: {  	_ =	shalt  }
0x85: {  	_ =	shalt  }
0x86: {  	_ =	shalt  }
0x87: {  	_ =	shalt  }
.Lfunc_end0:
.L_simem_size_0:
called_computation_lowered:
.L_overlay_start_0:
0x88: {  	s2 =	sld [smem:$0x3FD9]  }
0x89: {  	s3 =	sld [smem:$0x3FFE];
	_ =	sdelay $0x1  }
0x8a: {  	s1 =	srdreg.scid  }
0x8b: {  	s0 =	sand.u32 $0x1, s1  }
0x8c: {  	s17 =	sshll.u32 s0, $0xA;
	s2 =	sadd.s32 s3, s2  }
0x8d: {  	s2 =	sadd.s32 s2, s17  }
0x8e: {  	[smem:$0x3FC2] =	sst s2  }
0x8f: {  	_ = 	snop  }
0x90: {  	s2 =	sld [smem:$0x3FC9]  }
0x91: {  	s18 =	sld [smem:$0x3FD0];
	(tm) =	ssettm $0x1  }
0x92: {  	s4 =	sld [smem:$0x3FFB];
	_ =	sdelay $0x3  }
0x93: {  	_ =	strace s4  }
0x94: {  	s4 =	sld [smem:$0x3FFC];
	_ =	sdelay $0x3  }
0x95: {  	_ =	strace s4  }
0x96: {  	s4 =	sld [smem:$0x3FFD];
	_ =	sdelay $0x3  }
0x97: {  	_ =	strace s4  }
0x98: {  	_ =	strace $0x8FFFFFFF  }
0x99: {  	s19 =	sld [smem:$0x3FDB];
	_ =	sdelay $0x1  }
0x9a: {  	s5 =	simm.s32 $_scs_section_size  }
0x9b: {  	s6 =	simm.s32 $_size__tile_overlayer_lowered;
	s7 =	simm.s32 $_tile_overlayer_lowered  }
0x9c: {  	s22 =	simm.s32 $0x1BFF;
	s21 =	sshll.u32 s7, $0x1;
	s4 =	sadd.s32 s5, s19  }
0x9d: {  	s8 =	simm.s32 $0x0;
	s20 =	sshll.u32 s6, $0x1;
	s6 =	sadd.s32 s21, s4  }
0x9e: {  	[timem:s8], [sflag:s22] =	dma.local [hbm:s6], s20  }
0x9f: {  	_ =	swait.ge [sflag:s22], s20  }
0xa0: {  	s5 =	ssub.s32 $0x0, s20;
	[sflag:s22] =	ssyncset.done $0x0  }
0xa1: {  	[sflag:s22] =	ssyncadd.s32 s5;
	_ =	sdelay $0x1  }
0xa2: {  	s23 =	simm.s32 $0x1B8B  }
0xa3: {  	_ =	swait.ge [sflag:s23], $0x1  }
0xa4: {  	[sflag:s23] =	ssyncset.done $0x0  }
0xa5: {  	s25 =	simm.s32 $0x1B8E;
	s24 =	sld [smem:$0x3FFE];
	[sflag:s23] =	ssyncadd.s32 $0xFFFFFFFF  }
0xa6: {  	s26 =	simm.s32 $execute0_lowered;
	[smem:$0x3FD2] =	sst s25  }
0xa7: {  	s6 =	sshll.u32 s26, $0x1;
	_ =	strace $0x80000046;
	[dreg:$0x1] =	wrdreg $0xFFFFFFFF  }
0xa8: {  	s28 =	simm.s32 $_size_execute0_lowered;
	s4 =	sadd.s32 s4, s6;
	[dreg:$0x0] =	wrdreg $0x0  }
0xa9: {  	s6 =	sshll.u32 s28, $0x1;
	[dreg:$0x2] =	wrdreg s4  }
0xaa: {  	[dreg:$0x3] =	wrdreg s6  }
0xab: {  	[dreg:$0x4] =	wrdreg $0xC0  }
0xac: {  	_ =	task [dreg:s8], $0x5FFFF  }
0xad: {  	[dreg:$0x1] =	wrdreg $0xFFFFFFFF  }
0xae: {  	[dreg:$0x0] =	wrdreg $0x60  }
0xaf: {  	[dreg:$0x2] =	wrdreg s2  }
0xb0: {  	[dreg:$0x3] =	wrdreg s24  }
0xb1: {  	[dreg:$0x4] =	wrdreg s18  }
0xb2: {  	[dreg:$0x5] =	wrdreg $0x140280  }
0xb3: {  	[dreg:$0x6] =	wrdreg $0x1E0280  }
0xb4: {  	[dreg:$0x7] =	wrdreg $0x9  }
0xb5: {  	_ =	task.clear_ibuf [dreg:s8], $0x8FFFF;
	_ =	strace $0x90000046  }
0xb6: {  	s29 =	simm.s32 $0x9;
	_ =	strace $0x80000048  }
0xb7: {  	_ =	swait.ge [sflag:s29], $0x1  }
0xb8: {  	[sflag:s29] =	ssyncadd.s32 $0xFFFFFFFF  }
0xb9: {  	_ =	strace $0x90000048  }
0xba: {  	_ =	sfence  }
0xbb: {  	s30 =	sld [smem:$0x0];
	_ =	sdelay $0x2  }
0xbc: {  	s31 =	sshll.u32 s1, $0xD;
	s1 =	sshrl.u32 s1, $0x2  }
0xbd: {  	s3 =	sand.u32 $0x4000, s31;
	s1 =	sadd.s32 s1, s30  }
0xbe: {  	s0 =	sor.u32 s3, s0;
	s1 =	sshll.u32 s1, $0x11  }
0xbf: {  	s0 =	sor.u32 s1, s0  }
0xc0: {  	s0 =	sadd.s32 $0x8F2B, s0  }
0xc1: {  	[sflag:s0] =	ssyncadd.remote.s32 $0x1  }
0xc2: {  	_ =	sfence.sel $0xFFFF  }
0xc3: {  	[dreg:$0x0] =	wrdreg $0xFFFFFFFF;
	(pc) =	sbr.abs _section_cstart, $3  }
0xc4: {  	[dreg:$0x1] =	wrdreg $0xFFFFFFFF  }
0xc5: {  	_ =	task.clear_ibuf [dreg:s8], $0x2FFFF;
	_ =	strace $0x9FFFFFFF  }
0xc6: {  	(tm) =	ssettm $0x7FFFFFFF  }
0xc7: {  	_ =	shalt  }
tec
execute0_lowered:
.L_overlay_start_1:
0x0: {  	(tag) =	ssettag $0x1  }
0x1: {  	s0 =	rddreg [dreg:$0x0]  }
0x2: {  	s1 =	rddreg [dreg:$0x1]  }
0x3: {  	s2 =	rddreg [dreg:$0x2]  }
0x4: {  	s3 =	rddreg [dreg:$0x3];
	s5 =	srdreg.scid  }
0x5: {  	s13 =	stileid.u32;
	s4 =	rddreg [dreg:$0x4]  }
0x6: {  	s16 =	simm.s32 $0xB;
	s28 =	simm.s32 $0xFDC0;
	s29 =	simm.s32 $0x1  }
0x7: {  	s31 =	simm.s32 $0x11D00;
	s14 =	simm.s32 $0x4F80;
	s30 =	simm.s32 $0x0  }
0x8: {  	s6 =	sand.u32 $0x1, s5;
	s7 =	smul.u32 $0x5000, s13;
	s5 =	simm.s32 $0x0  }
0x9: {  	s9 =	smul.u32 $0xA000, s13;
	s11 =	sadd.s32 $0x1E800, s1;
	s18 =	sadd.s32 $0x1FC00, s1  }
0xa: {  	s19 =	sadd.s32 $0x20000, s1;
	s12 =	smul.u32 $0x1400, s13;
	s23 =	sshll.u32 s13, $0x6  }
0xb: {  	s13 =	simm.s32 $0xA;
	s8 =	smul.u32 $0x50000, s6;
	[smem:$0x7FF] =	sst s5  }
0xc: {  	s10 =	smul.u32 $0xA0000, s6;
	_ =	strace $0x80000047;
	[dreg:$0x6] =	wrdreg s11  }
0xd: {  	s20 =	ssub.s32 $0x2, s6;
	s6 =	smul.u32 $0x14000, s6;
	[dreg:$0x7] =	wrdreg s18  }
0xe: {  	[dreg:$0x8] =	wrdreg s19;
	s21 =	sshrl.u32 s20, $0x1;
	s22 =	sadd.s32 s9, s3  }
0xf: {  	s24 =	sadd.s32 s12, s4;
	s18 =	simm.s32 $0x5000;
	s19 =	simm.s32 $0x13C40  }
0x10: {  	s8 =	sadd.s32 s7, s8;
	s7 =	sshrl.u32 s7, $0x3;
	s10 =	sadd.s32 s9, s10  }
0x11: {  	s9 =	sor.u32 $0x1C0B, s23;
	s6 =	sadd.s32 s12, s6;
	s15 =	sshrl.u32 s22, $0x3  }
0x12: {  	s17 =	sshrl.u32 s24, $0x3;
	s23 =	simm.s32 $0xBF40;
	s22 =	simm.s32 $0x6  }
0x13: {  	s24 =	simm.s32 $0x7;
	s12 =	simm.s32 $0x9;
	s8 =	sshrl.u32 s8, $0x3  }
0x14: {  	s7 =	sadd.s32 s7, s1;
	s10 =	sshrl.u32 s10, $0x3;
	s6 =	sshrl.u32 s6, $0x3  }
0x15: {  	s8 =	sadd.s32 s8, s1;
	s1 =	sadd.s32 s10, s1;
	s10 =	ssub.s32 s20, s21  }
0x16: {  	s7 =	sadd.s32 $0x14800, s7;
	s25 =	sadd.s32 s2, s6;
	s20 =	simm.s32 $0x7D  }
0x17: {  	s21 =	simm.s32 $0xA000;
	s2 =	simm.s32 $0x2;
	[dreg:$0xa] =	wrdreg s7  }
0x18: {  	s6 =	simm.s32 $0x4;
	s8 =	sadd.s32 $0x800, s8;
	[dreg:$0xc] =	wrdreg s25  }
0x19: {  	s1 =	sadd.s32 $0x20200, s1;
	s26 =	smax.u32 s10, $0x1;
	[dreg:$0x9] =	wrdreg s8  }
0x1a: {  	s25 =	simm.s32 $0xDE80;
	s10 =	simm.s32 $0x5;
	[dreg:$0xb] =	wrdreg s1  }
0x1b: {  	[dreg:$0xd] =	wrdreg s26;
	s26 =	simm.s32 $0x3;
	s8 =	simm.s32 $0x8  }
.LBB2_1:
0x1c: {  	s1 =	rddreg [dreg:$0x6]  }
0x1d: {  	[spmem:s15], [sflag:s9] =	dma.local [hbm:s1], $0x1400  }
0x1e: {  	_ =	swait.ge [sflag:s16], $0x1400  }
0x1f: {  	[sflag:s16] =	ssyncset.done $0x0  }
0x20: {  	s7 =	rddreg [dreg:$0x7];
	[sflag:s16] =	ssyncadd.s32 $0xFFFFEC00  }
0x21: {  	[spmem:s17], [sflag:s9] =	dma.local [hbm:s7], $0x280  }
0x22: {  	_ =	swait.ge [sflag:s16], $0x280  }
0x23: {  	[sflag:s16] =	ssyncset.done $0x0  }
0x24: {  	s11 =	rddreg [dreg:$0x9];
	[sflag:s16] =	ssyncadd.s32 $0xFFFFFD80  }
0x25: {  	[tilespmem:s5], [sflag:$0xB] =	stream.linear.gather [hbm4b:s11+s5], $0x5000, $0x38;
	[tilespmem:$0x1F428] =	vst v63  }
0x26: {  	_ =	swait.ge [sflag:s16], $0x5000  }
0x27: {  	[sflag:s16] =	ssyncset.done $0x0  }
0x28: {  	s7 =	rddreg [dreg:$0xa];
	[sflag:s16] =	ssyncadd.s32 $0xFFFFB000  }
0x29: {  	[tilespmem:s18], [sflag:$0xB] =	stream.linear.gather [hbm4b:s7+s5], $0x5000, $0x38;
	[tilespmem:$0x1F428] =	vst v63  }
0x2a: {  	_ =	swait.ge [sflag:s16], $0x5000  }
0x2b: {  	[sflag:s16] =	ssyncset.done $0x0  }
0x2c: {  	s11 =	rddreg [dreg:$0x8];
	[sflag:s16] =	ssyncadd.s32 $0xFFFFB000  }
0x2d: {  	[tilespmem:s19], [sflag:$0xB] =	stream.linear.gather [hbm4b:s11+s5], $0x3E8, $0x38;
	[tilespmem:$0x1F428] =	vst v63  }
0x2e: {  	_ =	swait.ge [sflag:s16], $0x3E8  }
0x2f: {  	[sflag:s16] =	ssyncset.done $0x0  }
0x30: {  	[sflag:s16] =	ssyncadd.s32 $0xFFFFFC18  }
0x31: {  	[bflag:$0x0] =	sbarrier.arrive $0xFFFF  }
0x32: {  	[tilespmem:s21], [sflag:$0x1] =	stream.indirect.gather [hbm4b:s0+s20], $0x40, s5, s20, $0xb8;
	[tilespmem:$0x1F428] =	vst v63  }
0x33: {  	s7 =	simm.s32 $0x80  }
0x34: {  	[tilespmem:s23], [sflag:$0x2] =	stream.indirect.gather [hbm4b:s0+s20], $0x40, s7, s20, $0xb8;
	[tilespmem:$0x1F428] =	vst v63  }
0x35: {  	s11 =	simm.s32 $0x100  }
0x36: {  	[tilespmem:s25], [sflag:$0x3] =	stream.indirect.gather [hbm4b:s0+s20], $0x40, s11, s20, $0xb8;
	[tilespmem:$0x1F428] =	vst v63  }
0x37: {  	s7 =	simm.s32 $0x180  }
0x38: {  	[tilespmem:s28], [sflag:$0x4] =	stream.indirect.gather [hbm4b:s0+s20], $0x40, s7, s20, $0xb8;
	[tilespmem:$0x1F428] =	vst v63  }
0x39: {  	_ =	swait.ge [sflag:s29], $0x1F40  }
0x3a: {  	[sflag:s29] =	ssyncset.done $0x0  }
0x3b: {  	[sflag:s29] =	ssyncadd.s32 $0xFFFFE0C0  }
0x3c: {  	[spmem:s3] =	stream.indirect.scatter.add.f32 [tilespmem:s21], [sflag:$0x6], $0x40, s18, s20, $0xb8;
	[tilespmem:$0x1F428] =	vst v63  }
0x3d: {  	_ = 	snop  }
0x3e: {  	[spmem:s4] =	stream.indirect.scatter.add.f32 [tilespmem:s19], [sflag:$0x6], $0x8, s18, s20, $0xb8;
	[tilespmem:$0x1F428] =	vst v63  }
0x3f: {  	s11 =	simm.s32 $0x200  }
0x40: {  	[tilespmem:s31], [sflag:$0x5] =	stream.indirect.gather [hbm4b:s0+s20], $0x40, s11, s20, $0xb8;
	[tilespmem:$0x1F428] =	vst v63  }
0x41: {  	_ =	swait.ge [sflag:s2], $0x1F40  }
0x42: {  	[sflag:s2] =	ssyncset.done $0x0  }
0x43: {  	s7 =	simm.s32 $0x5080;
	[sflag:s2] =	ssyncadd.s32 $0xFFFFE0C0  }
0x44: {  	[spmem:s3] =	stream.indirect.scatter.add.f32 [tilespmem:s23], [sflag:$0x7], $0x40, s7, s20, $0xb8;
	[tilespmem:$0x1F428] =	vst v63  }
0x45: {  	_ = 	snop  }
0x46: {  	[spmem:s4] =	stream.indirect.scatter.add.f32 [tilespmem:s19], [sflag:$0x7], $0x8, s7, s20, $0xb8;
	[tilespmem:$0x1F428] =	vst v63  }
0x47: {  	_ =	swait.ge [sflag:s22], $0x1F40  }
0x48: {  	[sflag:s22] =	ssyncset.done $0x0  }
0x49: {  	[sflag:s22] =	ssyncadd.s32 $0xFFFFE0C0  }
0x4a: {  	_ =	swait.ge [sflag:s22], $0x3E8  }
0x4b: {  	[sflag:s22] =	ssyncset.done $0x0  }
0x4c: {  	s11 =	simm.s32 $0x280;
	[sflag:s22] =	ssyncadd.s32 $0xFFFFFC18  }
0x4d: {  	[tilespmem:s21], [sflag:$0x1] =	stream.indirect.gather [hbm4b:s0+s20], $0x40, s11, s20, $0xb8;
	[tilespmem:$0x1F428] =	vst v63  }
0x4e: {  	_ =	swait.ge [sflag:s26], $0x1F40  }
0x4f: {  	[sflag:s26] =	ssyncset.done $0x0  }
0x50: {  	s7 =	simm.s32 $0x5100;
	[sflag:s26] =	ssyncadd.s32 $0xFFFFE0C0  }
0x51: {  	[spmem:s3] =	stream.indirect.scatter.add.f32 [tilespmem:s25], [sflag:$0x8], $0x40, s7, s20, $0xb8;
	[tilespmem:$0x1F428] =	vst v63  }
0x52: {  	_ = 	snop  }
0x53: {  	[spmem:s4] =	stream.indirect.scatter.add.f32 [tilespmem:s19], [sflag:$0x8], $0x8, s7, s20, $0xb8;
	[tilespmem:$0x1F428] =	vst v63  }
0x54: {  	_ =	swait.ge [sflag:s24], $0x1F40  }
0x55: {  	[sflag:s24] =	ssyncset.done $0x0  }
0x56: {  	[sflag:s24] =	ssyncadd.s32 $0xFFFFE0C0  }
0x57: {  	_ =	swait.ge [sflag:s24], $0x3E8  }
0x58: {  	[sflag:s24] =	ssyncset.done $0x0  }
0x59: {  	s11 =	simm.s32 $0x300;
	[sflag:s24] =	ssyncadd.s32 $0xFFFFFC18  }
0x5a: {  	[tilespmem:s23], [sflag:$0x2] =	stream.indirect.gather [hbm4b:s0+s20], $0x40, s11, s20, $0xb8;
	[tilespmem:$0x1F428] =	vst v63  }
0x5b: {  	_ =	swait.ge [sflag:s6], $0x1F40  }
0x5c: {  	[sflag:s6] =	ssyncset.done $0x0  }
0x5d: {  	s7 =	simm.s32 $0x5180;
	[sflag:s6] =	ssyncadd.s32 $0xFFFFE0C0  }
0x5e: {  	[spmem:s3] =	stream.indirect.scatter.add.f32 [tilespmem:s28], [sflag:$0x9], $0x40, s7, s20, $0xb8;
	[tilespmem:$0x1F428] =	vst v63  }
0x5f: {  	_ = 	snop  }
0x60: {  	[spmem:s4] =	stream.indirect.scatter.add.f32 [tilespmem:s19], [sflag:$0x9], $0x8, s7, s20, $0xb8;
	[tilespmem:$0x1F428] =	vst v63  }
0x61: {  	_ =	swait.ge [sflag:s8], $0x1F40  }
0x62: {  	[sflag:s8] =	ssyncset.done $0x0  }
0x63: {  	[sflag:s8] =	ssyncadd.s32 $0xFFFFE0C0  }
0x64: {  	_ =	swait.ge [sflag:s8], $0x3E8  }
0x65: {  	[sflag:s8] =	ssyncset.done $0x0  }
0x66: {  	s11 =	simm.s32 $0x380;
	[sflag:s8] =	ssyncadd.s32 $0xFFFFFC18  }
0x67: {  	[tilespmem:s25], [sflag:$0x3] =	stream.indirect.gather [hbm4b:s0+s20], $0x40, s11, s20, $0xb8;
	[tilespmem:$0x1F428] =	vst v63  }
0x68: {  	_ =	swait.ge [sflag:s10], $0x1F40  }
0x69: {  	[sflag:s10] =	ssyncset.done $0x0  }
0x6a: {  	s7 =	simm.s32 $0x5200;
	[sflag:s10] =	ssyncadd.s32 $0xFFFFE0C0  }
0x6b: {  	[spmem:s3] =	stream.indirect.scatter.add.f32 [tilespmem:s31], [sflag:$0xA], $0x40, s7, s20, $0xb8;
	[tilespmem:$0x1F428] =	vst v63  }
0x6c: {  	_ = 	snop  }
0x6d: {  	[spmem:s4] =	stream.indirect.scatter.add.f32 [tilespmem:s19], [sflag:$0xA], $0x8, s7, s20, $0xb8;
	[tilespmem:$0x1F428] =	vst v63  }
0x6e: {  	_ =	swait.ge [sflag:s12], $0x1F40  }
0x6f: {  	[sflag:s12] =	ssyncset.done $0x0  }
0x70: {  	[sflag:s12] =	ssyncadd.s32 $0xFFFFE0C0  }
0x71: {  	_ =	swait.ge [sflag:s12], $0x3E8  }
0x72: {  	[sflag:s12] =	ssyncset.done $0x0  }
0x73: {  	s11 =	simm.s32 $0x400;
	[sflag:s12] =	ssyncadd.s32 $0xFFFFFC18  }
0x74: {  	[tilespmem:s28], [sflag:$0x4] =	stream.indirect.gather [hbm4b:s0+s20], $0x40, s11, s20, $0xb8;
	[tilespmem:$0x1F428] =	vst v63  }
0x75: {  	_ =	swait.ge [sflag:s29], $0x1F40  }
0x76: {  	[sflag:s29] =	ssyncset.done $0x0  }
0x77: {  	s7 =	simm.s32 $0x5280;
	[sflag:s29] =	ssyncadd.s32 $0xFFFFE0C0  }
0x78: {  	[spmem:s3] =	stream.indirect.scatter.add.f32 [tilespmem:s21], [sflag:$0x6], $0x40, s7, s20, $0xb8;
	[tilespmem:$0x1F428] =	vst v63  }
0x79: {  	_ = 	snop  }
0x7a: {  	[spmem:s4] =	stream.indirect.scatter.add.f32 [tilespmem:s19], [sflag:$0x6], $0x8, s7, s20, $0xb8;
	[tilespmem:$0x1F428] =	vst v63  }
0x7b: {  	_ =	swait.ge [sflag:s13], $0x1F40  }
0x7c: {  	[sflag:s13] =	ssyncset.done $0x0  }
0x7d: {  	[sflag:s13] =	ssyncadd.s32 $0xFFFFE0C0  }
0x7e: {  	_ =	swait.ge [sflag:s13], $0x3E8  }
0x7f: {  	[sflag:s13] =	ssyncset.done $0x0  }
0x80: {  	s1 =	simm.s32 $0x480;
	[sflag:s13] =	ssyncadd.s32 $0xFFFFFC18  }
0x81: {  	[tilespmem:s31], [sflag:$0x5] =	stream.indirect.gather [hbm4b:s0+s20], $0x40, s1, s20, $0xb8;
	[tilespmem:$0x1F428] =	vst v63  }
0x82: {  	_ =	swait.ge [sflag:s2], $0x1F40  }
0x83: {  	[sflag:s2] =	ssyncset.done $0x0  }
0x84: {  	s11 =	simm.s32 $0x5300;
	[sflag:s2] =	ssyncadd.s32 $0xFFFFE0C0  }
0x85: {  	[spmem:s3] =	stream.indirect.scatter.add.f32 [tilespmem:s23], [sflag:$0x7], $0x40, s11, s20, $0xb8;
	[tilespmem:$0x1F428] =	vst v63  }
0x86: {  	_ = 	snop  }
0x87: {  	[spmem:s4] =	stream.indirect.scatter.add.f32 [tilespmem:s19], [sflag:$0x7], $0x8, s11, s20, $0xb8;
	[tilespmem:$0x1F428] =	vst v63  }
0x88: {  	_ =	swait.ge [sflag:s22], $0x1F40  }
0x89: {  	[sflag:s22] =	ssyncset.done $0x0  }
0x8a: {  	[sflag:s22] =	ssyncadd.s32 $0xFFFFE0C0  }
0x8b: {  	_ =	swait.ge [sflag:s22], $0x3E8  }
0x8c: {  	[sflag:s22] =	ssyncset.done $0x0  }
0x8d: {  	s1 =	simm.s32 $0x500;
	[sflag:s22] =	ssyncadd.s32 $0xFFFFFC18  }
0x8e: {  	[tilespmem:s21], [sflag:$0x1] =	stream.indirect.gather [hbm4b:s0+s20], $0x40, s1, s20, $0xb8;
	[tilespmem:$0x1F428] =	vst v63  }
0x8f: {  	_ =	swait.ge [sflag:s26], $0x1F40  }
0x90: {  	[sflag:s26] =	ssyncset.done $0x0  }
0x91: {  	s11 =	simm.s32 $0x5380;
	[sflag:s26] =	ssyncadd.s32 $0xFFFFE0C0  }
0x92: {  	[spmem:s3] =	stream.indirect.scatter.add.f32 [tilespmem:s25], [sflag:$0x8], $0x40, s11, s20, $0xb8;
	[tilespmem:$0x1F428] =	vst v63  }
0x93: {  	_ = 	snop  }
0x94: {  	[spmem:s4] =	stream.indirect.scatter.add.f32 [tilespmem:s19], [sflag:$0x8], $0x8, s11, s20, $0xb8;
	[tilespmem:$0x1F428] =	vst v63  }
0x95: {  	_ =	swait.ge [sflag:s24], $0x1F40  }
0x96: {  	[sflag:s24] =	ssyncset.done $0x0  }
0x97: {  	[sflag:s24] =	ssyncadd.s32 $0xFFFFE0C0  }
0x98: {  	_ =	swait.ge [sflag:s24], $0x3E8  }
0x99: {  	[sflag:s24] =	ssyncset.done $0x0  }
0x9a: {  	s1 =	simm.s32 $0x580;
	[sflag:s24] =	ssyncadd.s32 $0xFFFFFC18  }
0x9b: {  	[tilespmem:s23], [sflag:$0x2] =	stream.indirect.gather [hbm4b:s0+s20], $0x40, s1, s20, $0xb8;
	[tilespmem:$0x1F428] =	vst v63  }
0x9c: {  	_ =	swait.ge [sflag:s6], $0x1F40  }
0x9d: {  	[sflag:s6] =	ssyncset.done $0x0  }
0x9e: {  	s11 =	simm.s32 $0x5400;
	[sflag:s6] =	ssyncadd.s32 $0xFFFFE0C0  }
0x9f: {  	[spmem:s3] =	stream.indirect.scatter.add.f32 [tilespmem:s28], [sflag:$0x9], $0x40, s11, s20, $0xb8;
	[tilespmem:$0x1F428] =	vst v63  }
0xa0: {  	_ = 	snop  }
0xa1: {  	[spmem:s4] =	stream.indirect.scatter.add.f32 [tilespmem:s19], [sflag:$0x9], $0x8, s11, s20, $0xb8;
	[tilespmem:$0x1F428] =	vst v63  }
0xa2: {  	_ =	swait.ge [sflag:s8], $0x1F40  }
0xa3: {  	[sflag:s8] =	ssyncset.done $0x0  }
0xa4: {  	[sflag:s8] =	ssyncadd.s32 $0xFFFFE0C0  }
0xa5: {  	_ =	swait.ge [sflag:s8], $0x3E8  }
0xa6: {  	[sflag:s8] =	ssyncset.done $0x0  }
0xa7: {  	s1 =	simm.s32 $0x600;
	[sflag:s8] =	ssyncadd.s32 $0xFFFFFC18  }
0xa8: {  	[tilespmem:s25], [sflag:$0x3] =	stream.indirect.gather [hbm4b:s0+s20], $0x40, s1, s20, $0xb8;
	[tilespmem:$0x1F428] =	vst v63  }
0xa9: {  	_ =	swait.ge [sflag:s10], $0x1F40  }
0xaa: {  	[sflag:s10] =	ssyncset.done $0x0  }
0xab: {  	s11 =	simm.s32 $0x5480;
	[sflag:s10] =	ssyncadd.s32 $0xFFFFE0C0  }
0xac: {  	[spmem:s3] =	stream.indirect.scatter.add.f32 [tilespmem:s31], [sflag:$0xA], $0x40, s11, s20, $0xb8;
	[tilespmem:$0x1F428] =	vst v63  }
0xad: {  	_ = 	snop  }
0xae: {  	[spmem:s4] =	stream.indirect.scatter.add.f32 [tilespmem:s19], [sflag:$0xA], $0x8, s11, s20, $0xb8;
	[tilespmem:$0x1F428] =	vst v63  }
0xaf: {  	_ =	swait.ge [sflag:s12], $0x1F40  }
0xb0: {  	[sflag:s12] =	ssyncset.done $0x0  }
0xb1: {  	[sflag:s12] =	ssyncadd.s32 $0xFFFFE0C0  }
0xb2: {  	_ =	swait.ge [sflag:s12], $0x3E8  }
0xb3: {  	[sflag:s12] =	ssyncset.done $0x0  }
0xb4: {  	s7 =	simm.s32 $0xA00;
	s11 =	simm.s32 $0x680;
	[sflag:s12] =	ssyncadd.s32 $0xFFFFFC18  }
.LBB2_2:
0xb5: {  	[tilespmem:s28], [sflag:$0x4] =	stream.indirect.gather [hbm4b:s0+s20], $0x40, s11, s20, $0xb8;
	[tilespmem:$0x1F428] =	vst v63  }
0xb6: {  	s11 =	smov.u32 s7;
	s7 =	sadd.s32 $0xA00, s7;
	_ =	swait.ge [sflag:s29], $0x1F40  }
0xb7: {  	s11 =	sshra.s32 s11, $0x2;
	p0 =	sne.s32 s7, $0x12C00;
	[sflag:s29] =	ssyncset.done $0x0  }
0xb8: {  	s1 =	sadd.s32 $0x5280, s11;
	[sflag:s29] =	ssyncadd.s32 $0xFFFFE0C0  }
0xb9: {  	[spmem:s3] =	stream.indirect.scatter.add.f32 [tilespmem:s21], [sflag:$0x6], $0x40, s1, s20, $0xb8;
	[tilespmem:$0x1F428] =	vst v63  }
0xba: {  	_ = 	snop  }
0xbb: {  	[spmem:s4] =	stream.indirect.scatter.add.f32 [tilespmem:s19], [sflag:$0x6], $0x8, s1, s20, $0xb8;
	[tilespmem:$0x1F428] =	vst v63  }
0xbc: {  	_ =	swait.ge [sflag:s13], $0x1F40  }
0xbd: {  	[sflag:s13] =	ssyncset.done $0x0  }
0xbe: {  	[sflag:s13] =	ssyncadd.s32 $0xFFFFE0C0  }
0xbf: {  	_ =	swait.ge [sflag:s13], $0x3E8  }
0xc0: {  	[sflag:s13] =	ssyncset.done $0x0  }
0xc1: {  	s1 =	sadd.s32 $0x480, s11;
	[sflag:s13] =	ssyncadd.s32 $0xFFFFFC18  }
0xc2: {  	[tilespmem:s31], [sflag:$0x5] =	stream.indirect.gather [hbm4b:s0+s20], $0x40, s1, s20, $0xb8;
	[tilespmem:$0x1F428] =	vst v63  }
0xc3: {  	_ =	swait.ge [sflag:s2], $0x1F40  }
0xc4: {  	[sflag:s2] =	ssyncset.done $0x0  }
0xc5: {  	s1 =	sadd.s32 $0x5300, s11;
	[sflag:s2] =	ssyncadd.s32 $0xFFFFE0C0  }
0xc6: {  	[spmem:s3] =	stream.indirect.scatter.add.f32 [tilespmem:s23], [sflag:$0x7], $0x40, s1, s20, $0xb8;
	[tilespmem:$0x1F428] =	vst v63  }
0xc7: {  	_ = 	snop  }
0xc8: {  	[spmem:s4] =	stream.indirect.scatter.add.f32 [tilespmem:s19], [sflag:$0x7], $0x8, s1, s20, $0xb8;
	[tilespmem:$0x1F428] =	vst v63  }
0xc9: {  	_ =	swait.ge [sflag:s22], $0x1F40  }
0xca: {  	[sflag:s22] =	ssyncset.done $0x0  }
0xcb: {  	[sflag:s22] =	ssyncadd.s32 $0xFFFFE0C0  }
0xcc: {  	_ =	swait.ge [sflag:s22], $0x3E8  }
0xcd: {  	[sflag:s22] =	ssyncset.done $0x0  }
0xce: {  	s1 =	sadd.s32 $0x500, s11;
	[sflag:s22] =	ssyncadd.s32 $0xFFFFFC18  }
0xcf: {  	[tilespmem:s21], [sflag:$0x1] =	stream.indirect.gather [hbm4b:s0+s20], $0x40, s1, s20, $0xb8;
	[tilespmem:$0x1F428] =	vst v63  }
0xd0: {  	_ =	swait.ge [sflag:s26], $0x1F40  }
0xd1: {  	[sflag:s26] =	ssyncset.done $0x0  }
0xd2: {  	s1 =	sadd.s32 $0x5380, s11;
	[sflag:s26] =	ssyncadd.s32 $0xFFFFE0C0  }
0xd3: {  	[spmem:s3] =	stream.indirect.scatter.add.f32 [tilespmem:s25], [sflag:$0x8], $0x40, s1, s20, $0xb8;
	[tilespmem:$0x1F428] =	vst v63  }
0xd4: {  	_ = 	snop  }
0xd5: {  	[spmem:s4] =	stream.indirect.scatter.add.f32 [tilespmem:s19], [sflag:$0x8], $0x8, s1, s20, $0xb8;
	[tilespmem:$0x1F428] =	vst v63  }
0xd6: {  	_ =	swait.ge [sflag:s24], $0x1F40  }
0xd7: {  	[sflag:s24] =	ssyncset.done $0x0  }
0xd8: {  	[sflag:s24] =	ssyncadd.s32 $0xFFFFE0C0  }
0xd9: {  	_ =	swait.ge [sflag:s24], $0x3E8  }
0xda: {  	[sflag:s24] =	ssyncset.done $0x0  }
0xdb: {  	s1 =	sadd.s32 $0x580, s11;
	[sflag:s24] =	ssyncadd.s32 $0xFFFFFC18  }
0xdc: {  	[tilespmem:s23], [sflag:$0x2] =	stream.indirect.gather [hbm4b:s0+s20], $0x40, s1, s20, $0xb8;
	[tilespmem:$0x1F428] =	vst v63  }
0xdd: {  	_ =	swait.ge [sflag:s6], $0x1F40  }
0xde: {  	[sflag:s6] =	ssyncset.done $0x0  }
0xdf: {  	s1 =	sadd.s32 $0x5400, s11;
	[sflag:s6] =	ssyncadd.s32 $0xFFFFE0C0  }
0xe0: {  	[spmem:s3] =	stream.indirect.scatter.add.f32 [tilespmem:s28], [sflag:$0x9], $0x40, s1, s20, $0xb8;
	[tilespmem:$0x1F428] =	vst v63  }
0xe1: {  	_ = 	snop  }
0xe2: {  	[spmem:s4] =	stream.indirect.scatter.add.f32 [tilespmem:s19], [sflag:$0x9], $0x8, s1, s20, $0xb8;
	[tilespmem:$0x1F428] =	vst v63  }
0xe3: {  	_ =	swait.ge [sflag:s8], $0x1F40  }
0xe4: {  	[sflag:s8] =	ssyncset.done $0x0  }
0xe5: {  	[sflag:s8] =	ssyncadd.s32 $0xFFFFE0C0  }
0xe6: {  	_ =	swait.ge [sflag:s8], $0x3E8  }
0xe7: {  	[sflag:s8] =	ssyncset.done $0x0  }
0xe8: {  	s1 =	sadd.s32 $0x600, s11;
	[sflag:s8] =	ssyncadd.s32 $0xFFFFFC18  }
0xe9: {  	[tilespmem:s25], [sflag:$0x3] =	stream.indirect.gather [hbm4b:s0+s20], $0x40, s1, s20, $0xb8;
	[tilespmem:$0x1F428] =	vst v63  }
0xea: {  	_ =	swait.ge [sflag:s10], $0x1F40  }
0xeb: {  	[sflag:s10] =	ssyncset.done $0x0  }
0xec: {  	s1 =	sadd.s32 $0x5480, s11;
	[sflag:s10] =	ssyncadd.s32 $0xFFFFE0C0  }
0xed: {  	[spmem:s3] =	stream.indirect.scatter.add.f32 [tilespmem:s31], [sflag:$0xA], $0x40, s1, s20, $0xb8;
	[tilespmem:$0x1F428] =	vst v63  }
0xee: {  	_ = 	snop  }
0xef: {  	[spmem:s4] =	stream.indirect.scatter.add.f32 [tilespmem:s19], [sflag:$0xA], $0x8, s1, s20, $0xb8;
	[tilespmem:$0x1F428] =	vst v63  }
0xf0: {  	_ =	swait.ge [sflag:s12], $0x1F40  }
.Ltmp0:
0xf1: {  	[sflag:s12] =	ssyncset.done $0x0;
	(pc) =	sbr.rel @p0 .LBB2_2-.Ltmp0, $4  }
0xf2: {  	[sflag:s12] =	ssyncadd.s32 $0xFFFFE0C0  }
0xf3: {  	_ =	swait.ge [sflag:s12], $0x3E8  }
0xf4: {  	[sflag:s12] =	ssyncset.done $0x0  }
0xf5: {  	s11 =	sadd.s32 $0x680, s11;
	[sflag:s12] =	ssyncadd.s32 $0xFFFFFC18  }
0xf6: {  	[tilespmem:s28], [sflag:$0x4] =	stream.indirect.gather [hbm4b:s0+s20], $0x40, s11, s20, $0xb8;
	[tilespmem:$0x1F428] =	vst v63  }
0xf7: {  	_ =	swait.ge [sflag:s29], $0x1F40  }
0xf8: {  	s1 =	sshra.s32 s7, $0x2;
	[sflag:s29] =	ssyncset.done $0x0  }
0xf9: {  	s7 =	sadd.s32 $0x5280, s1;
	[sflag:s29] =	ssyncadd.s32 $0xFFFFE0C0  }
0xfa: {  	[spmem:s3] =	stream.indirect.scatter.add.f32 [tilespmem:s21], [sflag:$0x6], $0x40, s7, s20, $0xb8;
	[tilespmem:$0x1F428] =	vst v63  }
0xfb: {  	_ = 	snop  }
0xfc: {  	[spmem:s4] =	stream.indirect.scatter.add.f32 [tilespmem:s19], [sflag:$0x6], $0x8, s7, s20, $0xb8;
	[tilespmem:$0x1F428] =	vst v63  }
0xfd: {  	_ =	swait.ge [sflag:s13], $0x1F40  }
0xfe: {  	[sflag:s13] =	ssyncset.done $0x0  }
0xff: {  	[sflag:s13] =	ssyncadd.s32 $0xFFFFE0C0  }
0x100: {  	_ =	swait.ge [sflag:s13], $0x3E8  }
0x101: {  	[sflag:s13] =	ssyncset.done $0x0  }
0x102: {  	[sflag:s13] =	ssyncadd.s32 $0xFFFFFC18  }
0x103: {  	[tilespmem:s31], [sflag:$0x5] =	stream.indirect.gather [hbm4b:s0+s20], $0x40, s14, s20, $0xb8;
	[tilespmem:$0x1F428] =	vst v63  }
0x104: {  	_ =	swait.ge [sflag:s2], $0x1F40  }
0x105: {  	[sflag:s2] =	ssyncset.done $0x0  }
0x106: {  	s11 =	sadd.s32 $0x5300, s1;
	[sflag:s2] =	ssyncadd.s32 $0xFFFFE0C0  }
0x107: {  	[spmem:s3] =	stream.indirect.scatter.add.f32 [tilespmem:s23], [sflag:$0x7], $0x40, s11, s20, $0xb8;
	[tilespmem:$0x1F428] =	vst v63  }
0x108: {  	_ = 	snop  }
0x109: {  	[spmem:s4] =	stream.indirect.scatter.add.f32 [tilespmem:s19], [sflag:$0x7], $0x8, s11, s20, $0xb8;
	[tilespmem:$0x1F428] =	vst v63  }
0x10a: {  	_ =	swait.ge [sflag:s22], $0x1F40  }
0x10b: {  	[sflag:s22] =	ssyncset.done $0x0  }
0x10c: {  	[sflag:s22] =	ssyncadd.s32 $0xFFFFE0C0  }
0x10d: {  	_ =	swait.ge [sflag:s22], $0x3E8  }
0x10e: {  	[sflag:s22] =	ssyncset.done $0x0  }
0x10f: {  	[sflag:s22] =	ssyncadd.s32 $0xFFFFFC18  }
0x110: {  	[tilespmem:s21], [sflag:$0x1] =	stream.indirect.gather [hbm4b:s0+s20], $0x40, s14, s20, $0xb8;
	[tilespmem:$0x1F428] =	vst v63  }
0x111: {  	_ =	swait.ge [sflag:s26], $0x1F40  }
0x112: {  	[sflag:s26] =	ssyncset.done $0x0  }
0x113: {  	s11 =	sadd.s32 $0x5380, s1;
	[sflag:s26] =	ssyncadd.s32 $0xFFFFE0C0  }
0x114: {  	[spmem:s3] =	stream.indirect.scatter.add.f32 [tilespmem:s25], [sflag:$0x8], $0x40, s11, s20, $0xb8;
	[tilespmem:$0x1F428] =	vst v63  }
0x115: {  	_ = 	snop  }
0x116: {  	[spmem:s4] =	stream.indirect.scatter.add.f32 [tilespmem:s19], [sflag:$0x8], $0x8, s11, s20, $0xb8;
	[tilespmem:$0x1F428] =	vst v63  }
0x117: {  	_ =	swait.ge [sflag:s24], $0x1F40  }
0x118: {  	[sflag:s24] =	ssyncset.done $0x0  }
0x119: {  	[sflag:s24] =	ssyncadd.s32 $0xFFFFE0C0  }
0x11a: {  	_ =	swait.ge [sflag:s24], $0x3E8  }
0x11b: {  	[sflag:s24] =	ssyncset.done $0x0  }
0x11c: {  	[sflag:s24] =	ssyncadd.s32 $0xFFFFFC18  }
0x11d: {  	[tilespmem:s23], [sflag:$0x2] =	stream.indirect.gather [hbm4b:s0+s20], $0x40, s14, s20, $0xb8;
	[tilespmem:$0x1F428] =	vst v63  }
0x11e: {  	_ =	swait.ge [sflag:s6], $0x1F40  }
0x11f: {  	[sflag:s6] =	ssyncset.done $0x0  }
0x120: {  	s1 =	sadd.s32 $0x5400, s1;
	[sflag:s6] =	ssyncadd.s32 $0xFFFFE0C0  }
0x121: {  	[spmem:s3] =	stream.indirect.scatter.add.f32 [tilespmem:s28], [sflag:$0x9], $0x40, s1, s20, $0xb8;
	[tilespmem:$0x1F428] =	vst v63  }
0x122: {  	_ = 	snop  }
0x123: {  	[spmem:s4] =	stream.indirect.scatter.add.f32 [tilespmem:s19], [sflag:$0x9], $0x8, s1, s20, $0xb8;
	[tilespmem:$0x1F428] =	vst v63  }
0x124: {  	_ =	swait.ge [sflag:s8], $0x1F40  }
0x125: {  	[sflag:s8] =	ssyncset.done $0x0  }
0x126: {  	[sflag:s8] =	ssyncadd.s32 $0xFFFFE0C0  }
0x127: {  	_ =	swait.ge [sflag:s8], $0x3E8  }
0x128: {  	[sflag:s8] =	ssyncset.done $0x0  }
0x129: {  	[sflag:s8] =	ssyncadd.s32 $0xFFFFFC18  }
0x12a: {  	[tilespmem:s25], [sflag:$0x3] =	stream.indirect.gather [hbm4b:s0+s20], $0x40, s14, s20, $0xb8;
	[tilespmem:$0x1F428] =	vst v63  }
0x12b: {  	_ =	swait.ge [sflag:s10], $0x1F40  }
0x12c: {  	[sflag:s10] =	ssyncset.done $0x0  }
0x12d: {  	s7 =	simm.s32 $0x9F80;
	[sflag:s10] =	ssyncadd.s32 $0xFFFFE0C0  }
0x12e: {  	[spmem:s3] =	stream.indirect.scatter.add.f32 [tilespmem:s31], [sflag:$0xA], $0x40, s7, s20, $0xb8;
	[tilespmem:$0x1F428] =	vst v63  }
0x12f: {  	_ = 	snop  }
0x130: {  	[spmem:s4] =	stream.indirect.scatter.add.f32 [tilespmem:s19], [sflag:$0xA], $0x8, s7, s20, $0xb8;
	[tilespmem:$0x1F428] =	vst v63  }
0x131: {  	_ =	swait.ge [sflag:s12], $0x1F40  }
0x132: {  	[sflag:s12] =	ssyncset.done $0x0  }
0x133: {  	[sflag:s12] =	ssyncadd.s32 $0xFFFFE0C0  }
0x134: {  	_ =	swait.ge [sflag:s12], $0x3E8  }
0x135: {  	[sflag:s12] =	ssyncset.done $0x0  }
0x136: {  	[sflag:s12] =	ssyncadd.s32 $0xFFFFFC18  }
0x137: {  	[tilespmem:s28], [sflag:$0x4] =	stream.indirect.gather [hbm4b:s0+s20], $0x40, s14, s20, $0xb8;
	[tilespmem:$0x1F428] =	vst v63  }
0x138: {  	_ =	swait.ge [sflag:s13], $0x1F40  }
0x139: {  	[sflag:s13] =	ssyncset.done $0x0  }
0x13a: {  	[sflag:s13] =	ssyncadd.s32 $0xFFFFE0C0  }
0x13b: {  	_ =	swait.ge [sflag:s13], $0x3E8  }
0x13c: {  	[sflag:s13] =	ssyncset.done $0x0  }
0x13d: {  	[sflag:s13] =	ssyncadd.s32 $0xFFFFFC18  }
0x13e: {  	_ =	swait.ge [sflag:s29], $0x1F40  }
0x13f: {  	[sflag:s29] =	ssyncset.done $0x0  }
0x140: {  	[sflag:s29] =	ssyncadd.s32 $0xFFFFE0C0  }
0x141: {  	_ =	swait.ge [sflag:s2], $0x1F40  }
0x142: {  	[sflag:s2] =	ssyncset.done $0x0  }
0x143: {  	[sflag:s2] =	ssyncadd.s32 $0xFFFFE0C0  }
0x144: {  	_ =	swait.ge [sflag:s26], $0x1F40  }
0x145: {  	[sflag:s26] =	ssyncset.done $0x0  }
0x146: {  	[sflag:s26] =	ssyncadd.s32 $0xFFFFE0C0  }
0x147: {  	_ =	swait.ge [sflag:s6], $0x1F40  }
0x148: {  	[sflag:s6] =	ssyncset.done $0x0  }
0x149: {  	[sflag:s6] =	ssyncadd.s32 $0xFFFFE0C0  }
0x14a: {  	[bflag:$0x0] =	sbarrier.arrive $0xFFFF  }
0x14b: {  	s11 =	rddreg [dreg:$0xb]  }
0x14c: {  	[hbm:s11], [sflag:s9] =	dma.local [spmem:s15], $0x1400  }
0x14d: {  	_ =	swait.ge [sflag:s16], $0x1400  }
0x14e: {  	[sflag:s16] =	ssyncset.done $0x0  }
0x14f: {  	s7 =	rddreg [dreg:$0xc];
	[sflag:s16] =	ssyncadd.s32 $0xFFFFEC00  }
0x150: {  	[hbm:s7], [sflag:s9] =	dma.local [spmem:s17], $0x280  }
0x151: {  	_ =	swait.ge [sflag:s16], $0x280  }
0x152: {  	s30 =	sadd.s32 $0x1, s30;
	s11 =	rddreg [dreg:$0xd]  }
0x153: {  	p0 =	sne.s32 s30, s11  }
.Ltmp1:
0x154: {  	_ = 	snop;
	(pc) =	sbr.rel @p0 .LBB2_1-.Ltmp1, $3  }
0x155: {  	_ =	sdelay $0x1  }
0x156: {  	[sflag:s16] =	ssyncset.done $0x0  }
0x157: {  	[sflag:s16] =	ssyncadd.s32 $0xFFFFFD80  }
0x158: {  	_ =	sfence.sel $0x180000  }
0x159: {  	[bflag:$0x0] =	sbarrier.arrive $0xFFFF  }
0x15a: {  	_ =	strace $0x90000047  }
0x15b: {  	s0 =	stileid.u32;
	[bflag:$0x2] =	sbarrier.arrive $0xFFFF  }
0x15c: {  	p0 =	sne.s32 s0, $0x0;
	s0 =	rddreg [dreg:$0x5]  }
0x15d: {  	s0 =	sadd.s32 @!p0 $0x100000, s0  }
0x15e: {  	[sflag:s0] =	ssyncadd.tile.s32 @!p0 $0x1;
	_ =	shalt  }
.Lfunc_end2:
_tile_overlayer_lowered:
.L_overlay_start_2:
0x15f: {  	(tag) =	ssettag $0x2  }
0x160: {  	s0 =	rddreg [dreg:$0x0];
	s2 =	stileid.u32  }
0x161: {  	s1 =	rddreg [dreg:$0x1];
	p0 =	sne.s32 s2, $0x0  }
0x162: {  	s3 =	rddreg [dreg:$0x2];
	[bflag:$0x3] =	sbarrier.arrive $0xFFFF;
	s2 =	simm.s32 @!p0 $0x1C0B  }
0x163: {  	[timem:s3], [sflag:s2] =	dma.local @!p0 [hbm:s0], s1  }
0x164: {  	s0 =	simm.s32 @!p0 $0xB  }
0x165: {  	_ =	swait.ge @!p0 [sflag:s0], s1  }
0x166: {  	s1 =	ssub.s32 @!p0 $0x0, s1;
	[sflag:s0] =	ssyncset.done @!p0 $0x0  }
0x167: {  	[sflag:s0] =	ssyncadd.s32 @!p0 s1  }
0x168: {  	[bflag:$0x3] =	sbarrier.arrive $0xFFFF  }
0x169: {  	_ =	shalt  }

// kernel: kernel.9.cloned.1.call-start
scs
__scs_entry_jumppad:
0x0: {  	(pc) =	sbr.rel $0x88, $3  }
0x1: {  	(tag) =	ssettag $0x0;
	lr =	simm.s32 $0x1  }
0x2: {  	[smem:$0x3F9B] =	sst lr;
	_ =	strace $0xD0000000  }
0x3: {  	_ = 	snop  }
0x4: {  	_ = 	snop  }
0x5: {  	_ = 	snop  }
0x6: {  	_ = 	snop  }
0x7: {  	_ = 	snop  }
__scs_overlays_trampoline_lowered:
0x8: {  	[smem:$0x3FAA] =	sst s0  }
0x9: {  	[smem:$0x3FAB] =	sst s1  }
0xa: {  	[smem:$0x3FAC] =	sst s2  }
0xb: {  	[smem:$0x3FAD] =	sst s3  }
0xc: {  	[smem:$0x3FAE] =	sst s4  }
0xd: {  	[smem:$0x3FAF] =	sst s5  }
0xe: {  	[smem:$0x3FB0] =	sst s6  }
0xf: {  	[smem:$0x3FB1] =	sst s7  }
0x10: {  	[smem:$0x3FB2] =	sst s8  }
0x11: {  	[smem:$0x3FB3] =	sst s9;
	s0 =	simm.s32 @!p0 $0x0  }
0x12: {  	s1 =	sld [smem:$0x3F99];
	s0 =	simm.s32 @p0 $0x1  }
0x13: {  	[smem:$0x3FB4] =	sst s0;
	s0 =	simm.s32 @!p1 $0x0  }
0x14: {  	s2 =	sld [smem:$0x3F98];
	s0 =	simm.s32 @p1 $0x1  }
0x15: {  	[smem:$0x3FB5] =	sst s0;
	s0 =	simm.s32 @!p2 $0x0  }
0x16: {  	s3 =	sld [smem:$0x3FDB];
	s0 =	simm.s32 @p2 $0x1  }
0x17: {  	s4 =	simm.s32 $0x1BF5;
	[smem:$0x3FB7] =	sst s0  }
0x18: {  	s0 =	sld [smem:$0x3F9A];
	_ =	swait.ge [sflag:s4], $0x0  }
0x19: {  	s7 =	sld [smem:$0x3F9B]  }
0x1a: {  	s8 =	sadd.s32 $0xFFFFE003, lr  }
0x1b: {  	s9 =	sadd.s32 $0xFFFFFEF7, lr;
	s5 =	simm.s32 $0xFFFFFFFF;
	p2 =	slt.u32 s8, $0xFFFFF086  }
0x1c: {  	p1 =	slt.u32 s9, $0xF7A;
	s5 =	simm.s32 @!p2 $0x0  }
0x1d: {  	s5 =	simm.s32 @p1 $0x1;
	p0 =	seq.s32 s7, s2  }
0x1e: {  	s7 =	smul.u32 @!p0 $0xF7A, s2;
	p2 =	seq.s32 @!p0 s5, $0x0  }
0x1f: {  	s9 =	smul.u32 $0xF7A, s1;
	s8 =	simm.s32 @!p0 $0x1BF5;
	p2 =	por !p2, p0  }
0x20: {  	[sflag:s8] =	ssyncset.s32 @!p0 $0xFFFFF086;
	s6 =	sadd.s32 @!p0 s3, s7;
	s7 =	simm.s32 @!p0 $0x108  }
0x21: {  	s3 =	sadd.s32 s3, s9;
	s6 =	sadd.s32 @!p0 $0x88, s6;
	s7 =	simm.s32 @p2 $0x1082  }
0x22: {  	[simem:s7], [sflag:s8] =	dma.local @!p0 [hbm:s6], $0xF7A  }
0x23: {  	s9 =	sor.u32 $0xD0000000, s2;
	s6 =	simm.s32 $0x108;
	_ =	swait.ge @!p0 [sflag:s8], $0x0  }
0x24: {  	s3 =	sadd.s32 $0x88, s3;
	s6 =	simm.s32 @!p1 $0x1082;
	[sflag:s4] =	ssyncset.s32 $0xFFFFF086  }
0x25: {  	[simem:s6], [sflag:s4] =	dma.local [hbm:s3], $0xF7A  }
0x26: {  	[smem:$0x3F9B] =	sst s1;
	(tag) =	ssettag s2;
	_ =	strace s9  }
0x27: {  	s1 =	sld [smem:$0x3FAB]  }
0x28: {  	s2 =	sld [smem:$0x3FAC]  }
0x29: {  	s4 =	sld [smem:$0x3FAE]  }
0x2a: {  	p0 =	seq.s32 s5, $0x0;
	s5 =	sld [smem:$0x3FAF]  }
0x2b: {  	s6 =	sld [smem:$0x3FB0]  }
0x2c: {  	s7 =	sld [smem:$0x3FB1]  }
0x2d: {  	s3 =	simm.s32 $0x108;
	s8 =	sld [smem:$0x3FB2]  }
0x2e: {  	s3 =	simm.s32 @!p0 $0x1082;
	s9 =	sld [smem:$0x3FB3]  }
0x2f: {  	lr =	sadd.s32 s0, s3;
	s0 =	sld [smem:$0x3FAA]  }
0x30: {  	s3 =	sld [smem:$0x3FAD]  }
0x31: {  	[smem:$0x3FB6] =	sst s10  }
0x32: {  	s10 =	sld [smem:$0x3FB4];
	_ =	sdelay $0x3  }
0x33: {  	p0 =	seq.s32 s10, $0x1;
	s10 =	sld [smem:$0x3FB6];
	_ =	sdelay $0x3  }
0x34: {  	[smem:$0x3FB6] =	sst s10  }
0x35: {  	s10 =	sld [smem:$0x3FB5];
	_ =	sdelay $0x3  }
0x36: {  	p1 =	seq.s32 s10, $0x1;
	s10 =	sld [smem:$0x3FB6];
	_ =	sdelay $0x3  }
0x37: {  	[smem:$0x3FB6] =	sst s10  }
0x38: {  	s10 =	sld [smem:$0x3FB7]  }
0x39: {  	_ = 	snop;
	(pc) =	sbr.ind lr, $3  }
0x3a: {  	_ = 	snop  }
0x3b: {  	_ = 	snop  }
0x3c: {  	p2 =	seq.s32 s10, $0x1;
	s10 =	sld [smem:$0x3FB6]  }
0x3d: {  	_ =	shalt  }
0x3e: {  	_ =	shalt  }
0x3f: {  	_ =	shalt  }
0x40: {  	_ =	shalt  }
0x41: {  	_ =	shalt  }
0x42: {  	_ =	shalt  }
0x43: {  	_ =	shalt  }
0x44: {  	_ =	shalt  }
0x45: {  	_ =	shalt  }
0x46: {  	_ =	shalt  }
0x47: {  	_ =	shalt  }
0x48: {  	_ =	shalt  }
0x49: {  	_ =	shalt  }
0x4a: {  	_ =	shalt  }
0x4b: {  	_ =	shalt  }
0x4c: {  	_ =	shalt  }
0x4d: {  	_ =	shalt  }
0x4e: {  	_ =	shalt  }
0x4f: {  	_ =	shalt  }
0x50: {  	_ =	shalt  }
0x51: {  	_ =	shalt  }
0x52: {  	_ =	shalt  }
0x53: {  	_ =	shalt  }
0x54: {  	_ =	shalt  }
0x55: {  	_ =	shalt  }
0x56: {  	_ =	shalt  }
0x57: {  	_ =	shalt  }
0x58: {  	_ =	shalt  }
0x59: {  	_ =	shalt  }
0x5a: {  	_ =	shalt  }
0x5b: {  	_ =	shalt  }
0x5c: {  	_ =	shalt  }
0x5d: {  	_ =	shalt  }
0x5e: {  	_ =	shalt  }
0x5f: {  	_ =	shalt  }
0x60: {  	_ =	shalt  }
0x61: {  	_ =	shalt  }
0x62: {  	_ =	shalt  }
0x63: {  	_ =	shalt  }
0x64: {  	_ =	shalt  }
0x65: {  	_ =	shalt  }
0x66: {  	_ =	shalt  }
0x67: {  	_ =	shalt  }
0x68: {  	_ =	shalt  }
0x69: {  	_ =	shalt  }
0x6a: {  	_ =	shalt  }
0x6b: {  	_ =	shalt  }
0x6c: {  	_ =	shalt  }
0x6d: {  	_ =	shalt  }
0x6e: {  	_ =	shalt  }
0x6f: {  	_ =	shalt  }
0x70: {  	_ =	shalt  }
0x71: {  	_ =	shalt  }
0x72: {  	_ =	shalt  }
0x73: {  	_ =	shalt  }
0x74: {  	_ =	shalt  }
0x75: {  	_ =	shalt  }
0x76: {  	_ =	shalt  }
0x77: {  	_ =	shalt  }
0x78: {  	_ =	shalt  }
0x79: {  	_ =	shalt  }
0x7a: {  	_ =	shalt  }
0x7b: {  	_ =	shalt  }
0x7c: {  	_ =	shalt  }
0x7d: {  	_ =	shalt  }
0x7e: {  	_ =	shalt  }
0x7f: {  	_ =	shalt  }
0x80: {  	_ =	shalt  }
0x81: {  	_ =	shalt  }
0x82: {  	_ =	shalt  }
0x83: {  	_ =	shalt  }
0x84: {  	_ =	shalt  }
0x85: {  	_ =	shalt  }
0x86: {  	_ =	shalt  }
0x87: {  	_ =	shalt  }
.Lfunc_end0:
.L_simem_size_0:
called_computation.1_lowered:
.L_overlay_start_0:
0x88: {  	s2 =	sld [smem:$0x3FD9]  }
0x89: {  	s3 =	sld [smem:$0x3FFE];
	_ =	sdelay $0x1  }
0x8a: {  	s1 =	srdreg.scid  }
0x8b: {  	s0 =	sand.u32 $0x1, s1  }
0x8c: {  	s17 =	sshll.u32 s0, $0xA;
	s2 =	sadd.s32 s3, s2  }
0x8d: {  	s2 =	sadd.s32 s2, s17  }
0x8e: {  	[smem:$0x3FC2] =	sst s2  }
0x8f: {  	_ = 	snop  }
0x90: {  	s2 =	sld [smem:$0x3FD0];
	(tm) =	ssettm $0x1  }
0x91: {  	s18 =	sld [smem:$0x3FFB];
	_ =	sdelay $0x3  }
0x92: {  	_ =	strace s18  }
0x93: {  	s3 =	sld [smem:$0x3FFC];
	_ =	sdelay $0x3  }
0x94: {  	_ =	strace s3  }
0x95: {  	s3 =	sld [smem:$0x3FFD];
	_ =	sdelay $0x3  }
0x96: {  	_ =	strace s3  }
0x97: {  	_ =	strace $0x8FFFFFFF  }
0x98: {  	s19 =	sld [smem:$0x3FDB];
	_ =	sdelay $0x1  }
0x99: {  	s4 =	simm.s32 $_scs_section_size  }
0x9a: {  	s5 =	simm.s32 $_size__tile_overlayer_lowered;
	s6 =	simm.s32 $_tile_overlayer_lowered  }
0x9b: {  	s22 =	simm.s32 $0x1BFF;
	s21 =	sshll.u32 s6, $0x1;
	s3 =	sadd.s32 s4, s19  }
0x9c: {  	s7 =	simm.s32 $0x0;
	s20 =	sshll.u32 s5, $0x1;
	s5 =	sadd.s32 s21, s3  }
0x9d: {  	[timem:s7], [sflag:s22] =	dma.local [hbm:s5], s20  }
0x9e: {  	_ =	swait.ge [sflag:s22], s20  }
0x9f: {  	s4 =	ssub.s32 $0x0, s20;
	[sflag:s22] =	ssyncset.done $0x0  }
0xa0: {  	[sflag:s22] =	ssyncadd.s32 s4;
	_ =	sdelay $0x1  }
0xa1: {  	s23 =	simm.s32 $0x1B8B  }
0xa2: {  	_ =	swait.ge [sflag:s23], $0x1  }
0xa3: {  	[sflag:s23] =	ssyncset.done $0x0  }
0xa4: {  	s25 =	simm.s32 $0x1B8E;
	s24 =	sld [smem:$0x3FFE];
	[sflag:s23] =	ssyncadd.s32 $0xFFFFFFFF  }
0xa5: {  	s26 =	simm.s32 $execute0_lowered;
	[smem:$0x3FD2] =	sst s25  }
0xa6: {  	s5 =	sshll.u32 s26, $0x1;
	_ =	strace $0x80000049;
	[dreg:$0x1] =	wrdreg $0xFFFFFFFF  }
0xa7: {  	s28 =	simm.s32 $_size_execute0_lowered;
	s3 =	sadd.s32 s3, s5;
	[dreg:$0x0] =	wrdreg $0x0  }
0xa8: {  	s5 =	sshll.u32 s28, $0x1;
	[dreg:$0x2] =	wrdreg s3  }
0xa9: {  	[dreg:$0x3] =	wrdreg s5  }
0xaa: {  	[dreg:$0x4] =	wrdreg $0xC0  }
0xab: {  	_ =	task [dreg:s7], $0x5FFFF  }
0xac: {  	[dreg:$0x1] =	wrdreg $0xFFFFFFFF  }
0xad: {  	[dreg:$0x0] =	wrdreg $0x60  }
0xae: {  	[dreg:$0x2] =	wrdreg s2  }
0xaf: {  	[dreg:$0x3] =	wrdreg s24  }
0xb0: {  	[dreg:$0x4] =	wrdreg $0xB1A80  }
0xb1: {  	[dreg:$0x5] =	wrdreg $0x9  }
0xb2: {  	_ =	task.clear_ibuf [dreg:s7], $0x6FFFF;
	_ =	strace $0x90000049  }
0xb3: {  	s29 =	simm.s32 $0x9;
	_ =	strace $0x8000004B  }
0xb4: {  	_ =	swait.ge [sflag:s29], $0x1  }
0xb5: {  	[sflag:s29] =	ssyncadd.s32 $0xFFFFFFFF  }
0xb6: {  	_ =	strace $0x9000004B  }
0xb7: {  	_ =	sfence  }
0xb8: {  	s30 =	sld [smem:$0x0];
	_ =	sdelay $0x2  }
0xb9: {  	s31 =	sshll.u32 s1, $0xD;
	s1 =	sshrl.u32 s1, $0x2  }
0xba: {  	s3 =	sand.u32 $0x4000, s31;
	s1 =	sadd.s32 s1, s30  }
0xbb: {  	s0 =	sor.u32 s3, s0;
	s1 =	sshll.u32 s1, $0x11  }
0xbc: {  	s0 =	sor.u32 s1, s0  }
0xbd: {  	s0 =	sadd.s32 $0x8F2B, s0  }
0xbe: {  	[sflag:s0] =	ssyncadd.remote.s32 $0x1  }
0xbf: {  	_ =	sfence.sel $0xFFFF  }
0xc0: {  	[dreg:$0x0] =	wrdreg $0xFFFFFFFF;
	(pc) =	sbr.abs _section_cstart, $3  }
0xc1: {  	[dreg:$0x1] =	wrdreg $0xFFFFFFFF  }
0xc2: {  	_ =	task.clear_ibuf [dreg:s7], $0x2FFFF;
	_ =	strace $0x9FFFFFFF  }
0xc3: {  	(tm) =	ssettm $0x7FFFFFFF  }
tec
execute0_lowered:
.L_overlay_start_1:
0x0: {  	(tag) =	ssettag $0x1  }
0x1: {  	s1 =	rddreg [dreg:$0x0]  }
0x2: {  	s0 =	srdreg.scid;
	s2 =	rddreg [dreg:$0x1]  }
0x3: {  	s8 =	stileid.u32;
	s3 =	rddreg [dreg:$0x2]  }
0x4: {  	s4 =	simm.s32 $0x0;
	s12 =	simm.s32 $0xB;
	s13 =	simm.s32 $0x2800  }
0x5: {  	s14 =	simm.s32 $0x7D;
	s15 =	simm.s32 $0x5000;
	s17 =	simm.s32 $0x6388  }
0x6: {  	s19 =	simm.s32 $0x7710;
	s21 =	simm.s32 $0x8A98;
	s22 =	simm.s32 $0x1  }
0x7: {  	s28 =	simm.s32 $0x6;
	s30 =	simm.s32 $0x3;
	s16 =	simm.s32 $0x4  }
0x8: {  	s20 =	simm.s32 $0x8;
	s31 =	simm.s32 $0x9;
	s5 =	smul.u32 $0x5000, s8  }
0x9: {  	s18 =	simm.s32 $0xA;
	s0 =	sand.u32 $0x1, s0;
	s7 =	smul.u32 $0x6400, s8  }
0xa: {  	s29 =	simm.s32 $0x2780;
	[smem:$0x7FF] =	sst s4;
	s6 =	smul.u32 $0x2800, s0  }
0xb: {  	s9 =	sadd.s32 $0x800, s2;
	s8 =	sshll.u32 s8, $0x6;
	s24 =	smul.u32 $0x64000, s0  }
0xc: {  	_ =	strace $0x8000004A;
	[dreg:$0x4] =	wrdreg s9;
	s0 =	ssub.s32 $0x2, s0  }
0xd: {  	s25 =	sshrl.u32 s0, $0x1;
	s11 =	sadd.s32 s7, s3;
	s5 =	sadd.s32 s6, s5  }
0xe: {  	s6 =	sadd.s32 s7, s24;
	s0 =	ssub.s32 s0, s25;
	s11 =	sshrl.u32 s11, $0x3  }
0xf: {  	s24 =	simm.s32 $0x9E20;
	s25 =	simm.s32 $0x2;
	s5 =	sshrl.u32 s5, $0x3  }
0x10: {  	s6 =	sshrl.u32 s6, $0x3;
	s10 =	smax.u32 s0, $0x1;
	s0 =	simm.s32 $0x0  }
0x11: {  	s5 =	sadd.s32 s5, s2;
	s2 =	sadd.s32 s6, s2;
	s6 =	sor.u32 $0x1C0B, s8  }
0x12: {  	s26 =	sadd.s32 $0x48200, s5;
	s8 =	sadd.s32 $0x14800, s5;
	s9 =	sadd.s32 $0x1E800, s2  }
0x13: {  	s2 =	simm.s32 $0x7;
	[dreg:$0x5] =	wrdreg s26;
	s26 =	simm.s32 $0x5  }
.LBB2_1:
0x14: {  	s5 =	rddreg [dreg:$0x4]  }
0x15: {  	[spmem:s11], [sflag:s6] =	dma.local [hbm:s5], $0xC80  }
0x16: {  	_ =	swait.ge [sflag:s12], $0xC80  }
0x17: {  	[sflag:s12] =	ssyncset.done $0x0  }
0x18: {  	s7 =	rddreg [dreg:$0x5];
	[sflag:s12] =	ssyncadd.s32 $0xFFFFF380  }
0x19: {  	[tilespmem:s4], [sflag:$0xB] =	stream.linear.gather [hbm4b:s7+s4], $0x2800, $0x38;
	[tilespmem:$0x115A8] =	vst v63  }
0x1a: {  	_ =	swait.ge [sflag:s12], $0x2800  }
0x1b: {  	[sflag:s12] =	ssyncset.done $0x0  }
0x1c: {  	[sflag:s12] =	ssyncadd.s32 $0xFFFFD800  }
0x1d: {  	[tilespmem:s13], [sflag:$0xB] =	stream.linear.gather [hbm4b:s8+s4], $0x2800, $0x38;
	[tilespmem:$0x115A8] =	vst v63  }
0x1e: {  	_ =	swait.ge [sflag:s12], $0x2800  }
0x1f: {  	[sflag:s12] =	ssyncset.done $0x0  }
0x20: {  	[sflag:s12] =	ssyncadd.s32 $0xFFFFD800  }
0x21: {  	[bflag:$0x0] =	sbarrier.arrive $0xFFFF  }
0x22: {  	[tilespmem:s15], [sflag:$0x1] =	stream.indirect.gather [hbm4b:s1+s14], $0x28, s4, s14, $0xb8;
	[tilespmem:$0x115A8] =	vst v63  }
0x23: {  	s23 =	simm.s32 $0x80  }
0x24: {  	[tilespmem:s17], [sflag:$0x2] =	stream.indirect.gather [hbm4b:s1+s14], $0x28, s23, s14, $0xb8;
	[tilespmem:$0x115A8] =	vst v63  }
0x25: {  	s7 =	simm.s32 $0x100  }
0x26: {  	[tilespmem:s19], [sflag:$0x3] =	stream.indirect.gather [hbm4b:s1+s14], $0x28, s7, s14, $0xb8;
	[tilespmem:$0x115A8] =	vst v63  }
0x27: {  	s23 =	simm.s32 $0x180  }
0x28: {  	[tilespmem:s21], [sflag:$0x4] =	stream.indirect.gather [hbm4b:s1+s14], $0x28, s23, s14, $0xb8;
	[tilespmem:$0x115A8] =	vst v63  }
0x29: {  	_ =	swait.ge [sflag:s22], $0x1388  }
0x2a: {  	[sflag:s22] =	ssyncset.done $0x0  }
0x2b: {  	[sflag:s22] =	ssyncadd.s32 $0xFFFFEC78  }
0x2c: {  	[spmem:s3] =	stream.indirect.scatter.add.f32 [tilespmem:s15], [sflag:$0x6], $0x28, s13, s14, $0xb8;
	[tilespmem:$0x115A8] =	vst v63  }
0x2d: {  	s7 =	simm.s32 $0x200  }
0x2e: {  	[tilespmem:s24], [sflag:$0x5] =	stream.indirect.gather [hbm4b:s1+s14], $0x28, s7, s14, $0xb8;
	[tilespmem:$0x115A8] =	vst v63  }
0x2f: {  	_ =	swait.ge [sflag:s25], $0x1388  }
0x30: {  	[sflag:s25] =	ssyncset.done $0x0  }
0x31: {  	s23 =	simm.s32 $0x2880;
	[sflag:s25] =	ssyncadd.s32 $0xFFFFEC78  }
0x32: {  	[spmem:s3] =	stream.indirect.scatter.add.f32 [tilespmem:s17], [sflag:$0x7], $0x28, s23, s14, $0xb8;
	[tilespmem:$0x115A8] =	vst v63  }
0x33: {  	_ =	swait.ge [sflag:s28], $0x1388  }
0x34: {  	[sflag:s28] =	ssyncset.done $0x0  }
0x35: {  	s7 =	simm.s32 $0x280;
	[sflag:s28] =	ssyncadd.s32 $0xFFFFEC78  }
0x36: {  	[tilespmem:s15], [sflag:$0x1] =	stream.indirect.gather [hbm4b:s1+s14], $0x28, s7, s14, $0xb8;
	[tilespmem:$0x115A8] =	vst v63  }
0x37: {  	_ =	swait.ge [sflag:s30], $0x1388  }
0x38: {  	[sflag:s30] =	ssyncset.done $0x0  }
0x39: {  	s23 =	simm.s32 $0x2900;
	[sflag:s30] =	ssyncadd.s32 $0xFFFFEC78  }
0x3a: {  	[spmem:s3] =	stream.indirect.scatter.add.f32 [tilespmem:s19], [sflag:$0x8], $0x28, s23, s14, $0xb8;
	[tilespmem:$0x115A8] =	vst v63  }
0x3b: {  	_ =	swait.ge [sflag:s2], $0x1388  }
0x3c: {  	[sflag:s2] =	ssyncset.done $0x0  }
0x3d: {  	s7 =	simm.s32 $0x300;
	[sflag:s2] =	ssyncadd.s32 $0xFFFFEC78  }
0x3e: {  	[tilespmem:s17], [sflag:$0x2] =	stream.indirect.gather [hbm4b:s1+s14], $0x28, s7, s14, $0xb8;
	[tilespmem:$0x115A8] =	vst v63  }
0x3f: {  	_ =	swait.ge [sflag:s16], $0x1388  }
0x40: {  	[sflag:s16] =	ssyncset.done $0x0  }
0x41: {  	s23 =	simm.s32 $0x2980;
	[sflag:s16] =	ssyncadd.s32 $0xFFFFEC78  }
0x42: {  	[spmem:s3] =	stream.indirect.scatter.add.f32 [tilespmem:s21], [sflag:$0x9], $0x28, s23, s14, $0xb8;
	[tilespmem:$0x115A8] =	vst v63  }
0x43: {  	_ =	swait.ge [sflag:s20], $0x1388  }
0x44: {  	[sflag:s20] =	ssyncset.done $0x0  }
0x45: {  	s7 =	simm.s32 $0x380;
	[sflag:s20] =	ssyncadd.s32 $0xFFFFEC78  }
0x46: {  	[tilespmem:s19], [sflag:$0x3] =	stream.indirect.gather [hbm4b:s1+s14], $0x28, s7, s14, $0xb8;
	[tilespmem:$0x115A8] =	vst v63  }
0x47: {  	_ =	swait.ge [sflag:s26], $0x1388  }
0x48: {  	[sflag:s26] =	ssyncset.done $0x0  }
0x49: {  	s23 =	simm.s32 $0x2A00;
	[sflag:s26] =	ssyncadd.s32 $0xFFFFEC78  }
0x4a: {  	[spmem:s3] =	stream.indirect.scatter.add.f32 [tilespmem:s24], [sflag:$0xA], $0x28, s23, s14, $0xb8;
	[tilespmem:$0x115A8] =	vst v63  }
0x4b: {  	_ =	swait.ge [sflag:s31], $0x1388  }
0x4c: {  	[sflag:s31] =	ssyncset.done $0x0  }
0x4d: {  	s7 =	simm.s32 $0x400;
	[sflag:s31] =	ssyncadd.s32 $0xFFFFEC78  }
0x4e: {  	[tilespmem:s21], [sflag:$0x4] =	stream.indirect.gather [hbm4b:s1+s14], $0x28, s7, s14, $0xb8;
	[tilespmem:$0x115A8] =	vst v63  }
0x4f: {  	_ =	swait.ge [sflag:s22], $0x1388  }
0x50: {  	[sflag:s22] =	ssyncset.done $0x0  }
0x51: {  	s23 =	simm.s32 $0x2A80;
	[sflag:s22] =	ssyncadd.s32 $0xFFFFEC78  }
0x52: {  	[spmem:s3] =	stream.indirect.scatter.add.f32 [tilespmem:s15], [sflag:$0x6], $0x28, s23, s14, $0xb8;
	[tilespmem:$0x115A8] =	vst v63  }
0x53: {  	_ =	swait.ge [sflag:s18], $0x1388  }
0x54: {  	[sflag:s18] =	ssyncset.done $0x0  }
0x55: {  	s7 =	simm.s32 $0x480;
	[sflag:s18] =	ssyncadd.s32 $0xFFFFEC78  }
0x56: {  	[tilespmem:s24], [sflag:$0x5] =	stream.indirect.gather [hbm4b:s1+s14], $0x28, s7, s14, $0xb8;
	[tilespmem:$0x115A8] =	vst v63  }
0x57: {  	_ =	swait.ge [sflag:s25], $0x1388  }
0x58: {  	[sflag:s25] =	ssyncset.done $0x0  }
0x59: {  	s23 =	simm.s32 $0x2B00;
	[sflag:s25] =	ssyncadd.s32 $0xFFFFEC78  }
0x5a: {  	[spmem:s3] =	stream.indirect.scatter.add.f32 [tilespmem:s17], [sflag:$0x7], $0x28, s23, s14, $0xb8;
	[tilespmem:$0x115A8] =	vst v63  }
0x5b: {  	_ =	swait.ge [sflag:s28], $0x1388  }
0x5c: {  	[sflag:s28] =	ssyncset.done $0x0  }
0x5d: {  	s7 =	simm.s32 $0x500;
	[sflag:s28] =	ssyncadd.s32 $0xFFFFEC78  }
0x5e: {  	[tilespmem:s15], [sflag:$0x1] =	stream.indirect.gather [hbm4b:s1+s14], $0x28, s7, s14, $0xb8;
	[tilespmem:$0x115A8] =	vst v63  }
0x5f: {  	_ =	swait.ge [sflag:s30], $0x1388  }
0x60: {  	[sflag:s30] =	ssyncset.done $0x0  }
0x61: {  	s23 =	simm.s32 $0x2B80;
	[sflag:s30] =	ssyncadd.s32 $0xFFFFEC78  }
0x62: {  	[spmem:s3] =	stream.indirect.scatter.add.f32 [tilespmem:s19], [sflag:$0x8], $0x28, s23, s14, $0xb8;
	[tilespmem:$0x115A8] =	vst v63  }
0x63: {  	_ =	swait.ge [sflag:s2], $0x1388  }
0x64: {  	[sflag:s2] =	ssyncset.done $0x0  }
0x65: {  	s7 =	simm.s32 $0x580;
	[sflag:s2] =	ssyncadd.s32 $0xFFFFEC78  }
0x66: {  	[tilespmem:s17], [sflag:$0x2] =	stream.indirect.gather [hbm4b:s1+s14], $0x28, s7, s14, $0xb8;
	[tilespmem:$0x115A8] =	vst v63  }
0x67: {  	_ =	swait.ge [sflag:s16], $0x1388  }
0x68: {  	[sflag:s16] =	ssyncset.done $0x0  }
0x69: {  	s23 =	simm.s32 $0x2C00;
	[sflag:s16] =	ssyncadd.s32 $0xFFFFEC78  }
0x6a: {  	[spmem:s3] =	stream.indirect.scatter.add.f32 [tilespmem:s21], [sflag:$0x9], $0x28, s23, s14, $0xb8;
	[tilespmem:$0x115A8] =	vst v63  }
0x6b: {  	_ =	swait.ge [sflag:s20], $0x1388  }
0x6c: {  	[sflag:s20] =	ssyncset.done $0x0  }
0x6d: {  	s7 =	simm.s32 $0x600;
	[sflag:s20] =	ssyncadd.s32 $0xFFFFEC78  }
0x6e: {  	[tilespmem:s19], [sflag:$0x3] =	stream.indirect.gather [hbm4b:s1+s14], $0x28, s7, s14, $0xb8;
	[tilespmem:$0x115A8] =	vst v63  }
0x6f: {  	_ =	swait.ge [sflag:s26], $0x1388  }
0x70: {  	[sflag:s26] =	ssyncset.done $0x0  }
0x71: {  	s23 =	simm.s32 $0x2C80;
	[sflag:s26] =	ssyncadd.s32 $0xFFFFEC78  }
0x72: {  	[spmem:s3] =	stream.indirect.scatter.add.f32 [tilespmem:s24], [sflag:$0xA], $0x28, s23, s14, $0xb8;
	[tilespmem:$0x115A8] =	vst v63  }
0x73: {  	_ =	swait.ge [sflag:s31], $0x1388  }
0x74: {  	[sflag:s31] =	ssyncset.done $0x0  }
0x75: {  	s5 =	simm.s32 $0x680;
	s23 =	simm.s32 $0xA00;
	[sflag:s31] =	ssyncadd.s32 $0xFFFFEC78  }
.LBB2_2:
0x76: {  	[tilespmem:s21], [sflag:$0x4] =	stream.indirect.gather [hbm4b:s1+s14], $0x28, s5, s14, $0xb8;
	[tilespmem:$0x115A8] =	vst v63  }
0x77: {  	s5 =	smov.u32 s23  }
0x78: {  	p0 =	sne.s32 s23, $0x8200;
	s23 =	sadd.s32 $0xA00, s23;
	_ =	swait.ge [sflag:s22], $0x1388  }
0x79: {  	s5 =	sshra.s32 s5, $0x2;
	[sflag:s22] =	ssyncset.done $0x0  }
0x7a: {  	s7 =	sadd.s32 $0x2A80, s5;
	[sflag:s22] =	ssyncadd.s32 $0xFFFFEC78  }
0x7b: {  	[spmem:s3] =	stream.indirect.scatter.add.f32 [tilespmem:s15], [sflag:$0x6], $0x28, s7, s14, $0xb8;
	[tilespmem:$0x115A8] =	vst v63  }
0x7c: {  	_ =	swait.ge [sflag:s18], $0x1388  }
0x7d: {  	[sflag:s18] =	ssyncset.done $0x0  }
0x7e: {  	s7 =	sadd.s32 $0x480, s5;
	[sflag:s18] =	ssyncadd.s32 $0xFFFFEC78  }
0x7f: {  	[tilespmem:s24], [sflag:$0x5] =	stream.indirect.gather [hbm4b:s1+s14], $0x28, s7, s14, $0xb8;
	[tilespmem:$0x115A8] =	vst v63  }
0x80: {  	_ =	swait.ge [sflag:s25], $0x1388  }
0x81: {  	[sflag:s25] =	ssyncset.done $0x0  }
0x82: {  	s7 =	sadd.s32 $0x2B00, s5;
	[sflag:s25] =	ssyncadd.s32 $0xFFFFEC78  }
0x83: {  	[spmem:s3] =	stream.indirect.scatter.add.f32 [tilespmem:s17], [sflag:$0x7], $0x28, s7, s14, $0xb8;
	[tilespmem:$0x115A8] =	vst v63  }
0x84: {  	_ =	swait.ge [sflag:s28], $0x1388  }
0x85: {  	[sflag:s28] =	ssyncset.done $0x0  }
0x86: {  	s7 =	sadd.s32 $0x500, s5;
	[sflag:s28] =	ssyncadd.s32 $0xFFFFEC78  }
0x87: {  	[tilespmem:s15], [sflag:$0x1] =	stream.indirect.gather [hbm4b:s1+s14], $0x28, s7, s14, $0xb8;
	[tilespmem:$0x115A8] =	vst v63  }
0x88: {  	_ =	swait.ge [sflag:s30], $0x1388  }
0x89: {  	[sflag:s30] =	ssyncset.done $0x0  }
0x8a: {  	s7 =	sadd.s32 $0x2B80, s5;
	[sflag:s30] =	ssyncadd.s32 $0xFFFFEC78  }
0x8b: {  	[spmem:s3] =	stream.indirect.scatter.add.f32 [tilespmem:s19], [sflag:$0x8], $0x28, s7, s14, $0xb8;
	[tilespmem:$0x115A8] =	vst v63  }
0x8c: {  	_ =	swait.ge [sflag:s2], $0x1388  }
0x8d: {  	[sflag:s2] =	ssyncset.done $0x0  }
0x8e: {  	s7 =	sadd.s32 $0x580, s5;
	[sflag:s2] =	ssyncadd.s32 $0xFFFFEC78  }
0x8f: {  	[tilespmem:s17], [sflag:$0x2] =	stream.indirect.gather [hbm4b:s1+s14], $0x28, s7, s14, $0xb8;
	[tilespmem:$0x115A8] =	vst v63  }
0x90: {  	_ =	swait.ge [sflag:s16], $0x1388  }
0x91: {  	[sflag:s16] =	ssyncset.done $0x0  }
0x92: {  	s7 =	sadd.s32 $0x2C00, s5;
	[sflag:s16] =	ssyncadd.s32 $0xFFFFEC78  }
0x93: {  	[spmem:s3] =	stream.indirect.scatter.add.f32 [tilespmem:s21], [sflag:$0x9], $0x28, s7, s14, $0xb8;
	[tilespmem:$0x115A8] =	vst v63  }
0x94: {  	_ =	swait.ge [sflag:s20], $0x1388  }
0x95: {  	[sflag:s20] =	ssyncset.done $0x0  }
0x96: {  	s7 =	sadd.s32 $0x600, s5;
	[sflag:s20] =	ssyncadd.s32 $0xFFFFEC78  }
0x97: {  	[tilespmem:s19], [sflag:$0x3] =	stream.indirect.gather [hbm4b:s1+s14], $0x28, s7, s14, $0xb8;
	[tilespmem:$0x115A8] =	vst v63  }
0x98: {  	_ =	swait.ge [sflag:s26], $0x1388  }
0x99: {  	[sflag:s26] =	ssyncset.done $0x0  }
.Ltmp0:
0x9a: {  	s7 =	sadd.s32 $0x2C80, s5;
	[sflag:s26] =	ssyncadd.s32 $0xFFFFEC78;
	(pc) =	sbr.rel @p0 .LBB2_2-.Ltmp0, $4  }
0x9b: {  	[spmem:s3] =	stream.indirect.scatter.add.f32 [tilespmem:s24], [sflag:$0xA], $0x28, s7, s14, $0xb8;
	[tilespmem:$0x115A8] =	vst v63  }
0x9c: {  	_ =	swait.ge [sflag:s31], $0x1388  }
0x9d: {  	[sflag:s31] =	ssyncset.done $0x0  }
0x9e: {  	s5 =	sadd.s32 $0x680, s5;
	[sflag:s31] =	ssyncadd.s32 $0xFFFFEC78  }
0x9f: {  	[tilespmem:s21], [sflag:$0x4] =	stream.indirect.gather [hbm4b:s1+s14], $0x28, s5, s14, $0xb8;
	[tilespmem:$0x115A8] =	vst v63  }
0xa0: {  	_ =	swait.ge [sflag:s22], $0x1388  }
0xa1: {  	[sflag:s22] =	ssyncset.done $0x0  }
0xa2: {  	s23 =	simm.s32 $0x4D80;
	[sflag:s22] =	ssyncadd.s32 $0xFFFFEC78  }
0xa3: {  	[spmem:s3] =	stream.indirect.scatter.add.f32 [tilespmem:s15], [sflag:$0x6], $0x28, s23, s14, $0xb8;
	[tilespmem:$0x115A8] =	vst v63  }
0xa4: {  	_ =	swait.ge [sflag:s18], $0x1388  }
0xa5: {  	[sflag:s18] =	ssyncset.done $0x0  }
0xa6: {  	[sflag:s18] =	ssyncadd.s32 $0xFFFFEC78  }
0xa7: {  	[tilespmem:s24], [sflag:$0x5] =	stream.indirect.gather [hbm4b:s1+s14], $0x28, s29, s14, $0xb8;
	[tilespmem:$0x115A8] =	vst v63  }
0xa8: {  	_ =	swait.ge [sflag:s25], $0x1388  }
0xa9: {  	[sflag:s25] =	ssyncset.done $0x0  }
0xaa: {  	s7 =	simm.s32 $0x4E00;
	[sflag:s25] =	ssyncadd.s32 $0xFFFFEC78  }
0xab: {  	[spmem:s3] =	stream.indirect.scatter.add.f32 [tilespmem:s17], [sflag:$0x7], $0x28, s7, s14, $0xb8;
	[tilespmem:$0x115A8] =	vst v63  }
0xac: {  	_ =	swait.ge [sflag:s28], $0x1388  }
0xad: {  	[sflag:s28] =	ssyncset.done $0x0  }
0xae: {  	[sflag:s28] =	ssyncadd.s32 $0xFFFFEC78  }
0xaf: {  	[tilespmem:s15], [sflag:$0x1] =	stream.indirect.gather [hbm4b:s1+s14], $0x28, s29, s14, $0xb8;
	[tilespmem:$0x115A8] =	vst v63  }
0xb0: {  	_ =	swait.ge [sflag:s30], $0x1388  }
0xb1: {  	[sflag:s30] =	ssyncset.done $0x0  }
0xb2: {  	s23 =	simm.s32 $0x4E80;
	[sflag:s30] =	ssyncadd.s32 $0xFFFFEC78  }
0xb3: {  	[spmem:s3] =	stream.indirect.scatter.add.f32 [tilespmem:s19], [sflag:$0x8], $0x28, s23, s14, $0xb8;
	[tilespmem:$0x115A8] =	vst v63  }
0xb4: {  	_ =	swait.ge [sflag:s2], $0x1388  }
0xb5: {  	[sflag:s2] =	ssyncset.done $0x0  }
0xb6: {  	[sflag:s2] =	ssyncadd.s32 $0xFFFFEC78  }
0xb7: {  	[tilespmem:s17], [sflag:$0x2] =	stream.indirect.gather [hbm4b:s1+s14], $0x28, s29, s14, $0xb8;
	[tilespmem:$0x115A8] =	vst v63  }
0xb8: {  	_ =	swait.ge [sflag:s16], $0x1388  }
0xb9: {  	[sflag:s16] =	ssyncset.done $0x0  }
0xba: {  	s7 =	simm.s32 $0x4F00;
	[sflag:s16] =	ssyncadd.s32 $0xFFFFEC78  }
0xbb: {  	[spmem:s3] =	stream.indirect.scatter.add.f32 [tilespmem:s21], [sflag:$0x9], $0x28, s7, s14, $0xb8;
	[tilespmem:$0x115A8] =	vst v63  }
0xbc: {  	_ =	swait.ge [sflag:s20], $0x1388  }
0xbd: {  	[sflag:s20] =	ssyncset.done $0x0  }
0xbe: {  	[sflag:s20] =	ssyncadd.s32 $0xFFFFEC78  }
0xbf: {  	[tilespmem:s19], [sflag:$0x3] =	stream.indirect.gather [hbm4b:s1+s14], $0x28, s29, s14, $0xb8;
	[tilespmem:$0x115A8] =	vst v63  }
0xc0: {  	_ =	swait.ge [sflag:s26], $0x1388  }
0xc1: {  	[sflag:s26] =	ssyncset.done $0x0  }
0xc2: {  	s23 =	simm.s32 $0x4F80;
	[sflag:s26] =	ssyncadd.s32 $0xFFFFEC78  }
0xc3: {  	[spmem:s3] =	stream.indirect.scatter.add.f32 [tilespmem:s24], [sflag:$0xA], $0x28, s23, s14, $0xb8;
	[tilespmem:$0x115A8] =	vst v63  }
0xc4: {  	_ =	swait.ge [sflag:s31], $0x1388  }
0xc5: {  	[sflag:s31] =	ssyncset.done $0x0  }
0xc6: {  	[sflag:s31] =	ssyncadd.s32 $0xFFFFEC78  }
0xc7: {  	[tilespmem:s21], [sflag:$0x4] =	stream.indirect.gather [hbm4b:s1+s14], $0x28, s29, s14, $0xb8;
	[tilespmem:$0x115A8] =	vst v63  }
0xc8: {  	_ =	swait.ge [sflag:s18], $0x1388  }
0xc9: {  	[sflag:s18] =	ssyncset.done $0x0  }
0xca: {  	[sflag:s18] =	ssyncadd.s32 $0xFFFFEC78  }
0xcb: {  	_ =	swait.ge [sflag:s22], $0x1388  }
0xcc: {  	[sflag:s22] =	ssyncset.done $0x0  }
0xcd: {  	[sflag:s22] =	ssyncadd.s32 $0xFFFFEC78  }
0xce: {  	_ =	swait.ge [sflag:s25], $0x1388  }
0xcf: {  	[sflag:s25] =	ssyncset.done $0x0  }
0xd0: {  	[sflag:s25] =	ssyncadd.s32 $0xFFFFEC78  }
0xd1: {  	_ =	swait.ge [sflag:s30], $0x1388  }
0xd2: {  	[sflag:s30] =	ssyncset.done $0x0  }
0xd3: {  	[sflag:s30] =	ssyncadd.s32 $0xFFFFEC78  }
0xd4: {  	_ =	swait.ge [sflag:s16], $0x1388  }
0xd5: {  	s0 =	sadd.s32 $0x1, s0;
	[sflag:s16] =	ssyncset.done $0x0  }
0xd6: {  	p0 =	sne.s32 s0, s10;
	[sflag:s16] =	ssyncadd.s32 $0xFFFFEC78  }
.Ltmp1:
0xd7: {  	[bflag:$0x0] =	sbarrier.arrive $0xFFFF;
	(pc) =	sbr.rel @p0 .LBB2_1-.Ltmp1, $4  }
0xd8: {  	[hbm:s9], [sflag:s6] =	dma.local [spmem:s11], $0xC80  }
0xd9: {  	_ =	swait.ge [sflag:s12], $0xC80  }
0xda: {  	[sflag:s12] =	ssyncset.done $0x0  }
0xdb: {  	[sflag:s12] =	ssyncadd.s32 $0xFFFFF380  }
0xdc: {  	_ =	sfence.sel $0x180000  }
0xdd: {  	[bflag:$0x0] =	sbarrier.arrive $0xFFFF  }
0xde: {  	_ =	strace $0x9000004A  }
0xdf: {  	s0 =	stileid.u32;
	[bflag:$0x2] =	sbarrier.arrive $0xFFFF  }
0xe0: {  	p0 =	sne.s32 s0, $0x0;
	s0 =	rddreg [dreg:$0x3]  }
0xe1: {  	s0 =	sadd.s32 @!p0 $0x100000, s0  }
0xe2: {  	[sflag:s0] =	ssyncadd.tile.s32 @!p0 $0x1;
	_ =	shalt  }
.Lfunc_end2:
_tile_overlayer_lowered:
.L_overlay_start_2:
0xe3: {  	(tag) =	ssettag $0x2  }
0xe4: {  	s0 =	rddreg [dreg:$0x0];
	s2 =	stileid.u32  }
0xe5: {  	s1 =	rddreg [dreg:$0x1];
	p0 =	sne.s32 s2, $0x0  }
0xe6: {  	s3 =	rddreg [dreg:$0x2];
	[bflag:$0x3] =	sbarrier.arrive $0xFFFF;
	s2 =	simm.s32 @!p0 $0x1C0B  }
0xe7: {  	[timem:s3], [sflag:s2] =	dma.local @!p0 [hbm:s0], s1  }
0xe8: {  	s0 =	simm.s32 @!p0 $0xB  }
0xe9: {  	_ =	swait.ge @!p0 [sflag:s0], s1  }
0xea: {  	s1 =	ssub.s32 @!p0 $0x0, s1;
	[sflag:s0] =	ssyncset.done @!p0 $0x0  }
0xeb: {  	[sflag:s0] =	ssyncadd.s32 @!p0 s1  }
0xec: {  	[bflag:$0x3] =	sbarrier.arrive $0xFFFF  }
0xed: {  	_ =	shalt  }

</sc_bundles>
